<compile_context>
chip_gen: v7x
topology: tpu7x:2x2x1
jax: 0.10.2.dev20260603
libtpu: 0.0.44.dev20260713+nightly
codegen_flags: <defaults>
</compile_context>

<pallas_src>
import functools

import jax
import jax.numpy as jnp
from jax import lax
from jax.experimental import pallas as pl
from jax.experimental.pallas import tpu as pltpu
from jax.experimental.pallas import tpu_sc as plsc

_N = 10000
_NP = 10240
_F = 128
_E = 320000
_NC = 2
_NS = 16
_NW = _NC * _NS
_CH = 128
_G = 81
_GB = 27
_EALL = _NW * _G * _CH
_G2 = 84
_GB2 = 28
_EALL2 = _NW * _G2 * _CH
_RPT = _NP // _NS
_BN = 512
_GRID = _NP // _BN

_f32 = jnp.float32


def _make_sc_scatter(depth):
  mesh = plsc.VectorSubcoreMesh(core_axis_name="c", subcore_axis_name="s")

  @functools.partial(
      pl.kernel,
      mesh=mesh,
      out_type=jax.ShapeDtypeStruct((_NC, _NP, depth), _f32),
      scratch_types=[
          pltpu.VMEM((_GB2, _CH), jnp.int32),
          pltpu.VMEM((_GB2, _CH), jnp.int32),
          pltpu.VMEM((2, _CH, depth), _f32),
          pltpu.VMEM_SHARED((_NP, depth), _f32),
          pltpu.SemaphoreType.DMA,
          pltpu.SemaphoreType.DMA,
      ],
  )
  def sc_scatter(y_hbm, src_hbm, dst_hbm, zeros_hbm, out_hbm,
                 idx_s, idx_d, rows, acc, sem, sem_s):
    c = lax.axis_index("c")
    s = lax.axis_index("s")
    pltpu.sync_copy(zeros_hbm, acc.at[pl.ds(s * _RPT, _RPT)])
    plsc.subcore_barrier()

    wid = s * _NC + c
    h = _CH // 2

    def fire_gather(j, b):
      pltpu.async_copy(y_hbm.at[idx_s.at[j, pl.ds(0, h)]],
                       rows.at[b, pl.ds(0, h)], sem)
      pltpu.async_copy(y_hbm.at[idx_s.at[j, pl.ds(h, h)]],
                       rows.at[b, pl.ds(h, h)], sem)

    def drain_gather(b):
      pltpu.make_async_copy(y_hbm.at[pl.ds(0, h)], rows.at[b, pl.ds(0, h)],
                            sem).wait()
      pltpu.make_async_copy(y_hbm.at[pl.ds(0, h)], rows.at[b, pl.ds(h, h)],
                            sem).wait()

    def run_blocks(b0, nb):
      def block(bi, carry):
        pltpu.sync_copy(src_hbm.at[wid, b0 + bi], idx_s)
        pltpu.sync_copy(dst_hbm.at[wid, b0 + bi], idx_d)
        fire_gather(0, 0)

        def body(j, carry2):
          drain_gather(j % 2)

          @pl.when(j >= 1)
          def _():
            pltpu.make_async_copy(y_hbm.at[pl.ds(0, _CH)],
                                  rows.at[(j + 1) % 2], sem_s).wait()

          @pl.when(j + 1 < _GB2)
          def _():
            fire_gather(j + 1, (j + 1) % 2)

          pltpu.async_copy(rows.at[j % 2], acc.at[idx_d.at[j]], sem_s,
                           add=True)
          return carry2

        r = lax.fori_loop(0, _GB2, body, carry)
        pltpu.make_async_copy(y_hbm.at[pl.ds(0, _CH)], rows.at[0],
                              sem_s).wait()
        return r

      lax.fori_loop(0, nb, block, 0)

    run_blocks(0, _G2 // _GB2)
    plsc.subcore_barrier()
    pltpu.sync_copy(acc.at[pl.ds(s * _RPT, _RPT)],
                    out_hbm.at[c, pl.ds(s * _RPT, _RPT)])

  return sc_scatter


_sc_scatter128 = _make_sc_scatter(_F)


def _make_sc_degree():
  mesh = plsc.VectorSubcoreMesh(core_axis_name="c", subcore_axis_name="s")

  @functools.partial(
      pl.kernel,
      mesh=mesh,
      out_type=jax.ShapeDtypeStruct((_NC, _NP, _F), _f32),
      scratch_types=[
          pltpu.VMEM((_GB, _CH), jnp.int32),
          pltpu.VMEM((_CH, _F), _f32),
          pltpu.VMEM_SHARED((_NP, _F), _f32),
          pltpu.SemaphoreType.DMA,
      ],
  )
  def sc_degree(ones_hbm, dst_hbm, zeros_hbm, out_hbm, idx_d, rows, acc, sem):
    c = lax.axis_index("c")
    s = lax.axis_index("s")
    wid = s * _NC + c
    pltpu.sync_copy(zeros_hbm, acc.at[pl.ds(s * _RPT, _RPT)])
    pltpu.sync_copy(ones_hbm, rows)
    plsc.subcore_barrier()

    def block(bi, carry):
      pltpu.sync_copy(dst_hbm.at[wid, bi], idx_d)

      def body(j, carry2):
        pltpu.sync_copy(rows, acc.at[idx_d.at[j]], add=True)
        return carry2

      return lax.fori_loop(0, _GB, body, carry)

    lax.fori_loop(0, _G // _GB, block, 0)
    plsc.subcore_barrier()
    pltpu.sync_copy(acc.at[pl.ds(s * _RPT, _RPT)],
                    out_hbm.at[c, pl.ds(s * _RPT, _RPT)])

  return sc_degree


_sc_degree = _make_sc_degree()



def _tc0_body(x_ref, degp_ref, mask_ref, w_ref, y_ref, dis_ref):
  deg = degp_ref[0] + degp_ref[1]
  dis = mask_ref[...] * lax.rsqrt(jnp.maximum(deg, 1.0))
  dis_ref[...] = dis
  y_ref[...] = dis * jnp.dot(x_ref[...], w_ref[...], preferred_element_type=_f32)


def _tc0(x_pad, degp, mask128, w0):
  return pl.pallas_call(
      _tc0_body,
      grid=(_GRID,),
      in_specs=[
          pl.BlockSpec((_BN, _F), lambda i: (i, 0)),
          pl.BlockSpec((_NC, _BN, _F), lambda i: (0, i, 0)),
          pl.BlockSpec((_BN, _F), lambda i: (i, 0)),
          pl.BlockSpec((_F, _F), lambda i: (0, 0)),
      ],
      out_specs=[
          pl.BlockSpec((_BN, _F), lambda i: (i, 0)),
          pl.BlockSpec((_BN, _F), lambda i: (i, 0)),
      ],
      out_shape=[
          jax.ShapeDtypeStruct((_NP, _F), _f32),
          jax.ShapeDtypeStruct((_NP, _F), _f32),
      ],
  )(x_pad, degp, mask128, w0)


def _tc_layer_body(dout, p_ref, yin_ref, dis_ref, b_ref, w_ref, out_ref, y_ref):
  dis = dis_ref[...]
  out = dis * (p_ref[0] + p_ref[1] + yin_ref[...]) + b_ref[...]
  out_ref[...] = out
  yw = jnp.dot(out, w_ref[...], preferred_element_type=_f32)
  y_ref[...] = dis[:, :dout] * yw


def _tc_layer(p, yin, disf, b_row, w, dout):
  return pl.pallas_call(
      functools.partial(_tc_layer_body, dout),
      grid=(_GRID,),
      in_specs=[
          pl.BlockSpec((_NC, _BN, _F), lambda i: (0, i, 0)),
          pl.BlockSpec((_BN, _F), lambda i: (i, 0)),
          pl.BlockSpec((_BN, _F), lambda i: (i, 0)),
          pl.BlockSpec((1, _F), lambda i: (0, 0)),
          pl.BlockSpec((_F, dout), lambda i: (0, 0)),
      ],
      out_specs=[
          pl.BlockSpec((_BN, _F), lambda i: (i, 0)),
          pl.BlockSpec((_BN, dout), lambda i: (i, 0)),
      ],
      out_shape=[
          jax.ShapeDtypeStruct((_NP, _F), _f32),
          jax.ShapeDtypeStruct((_NP, dout), _f32),
      ],
  )(p, yin, disf, b_row, w)


def _tc_final_body(p3_ref, y3_ref, dis_ref, b3_ref, o1_ref, o2_ref, o3_ref,
                   wa_ref, wb_ref, wc_ref, w4_ref, e_ref, bc_ref, res_ref):
  s3 = (p3_ref[0] + p3_ref[1] + y3_ref[...])[:, :16]
  out4_16 = dis_ref[...][:, :16] * s3 + b3_ref[...]
  out4_rep = jnp.dot(out4_16, e_ref[...], preferred_element_type=_f32)
  res = jnp.dot(o1_ref[...], wa_ref[...], preferred_element_type=_f32)
  res += jnp.dot(o2_ref[...], wb_ref[...], preferred_element_type=_f32)
  res += jnp.dot(o3_ref[...], wc_ref[...], preferred_element_type=_f32)
  res_ref[...] = res + out4_rep * w4_ref[...] + bc_ref[...]


def _tc_final(p3, y3, disf, b3_16, o1, o2, o3, wa, wb, wc, w4, e16x16, bc_row):
  return pl.pallas_call(
      _tc_final_body,
      grid=(_GRID,),
      in_specs=[
          pl.BlockSpec((_NC, _BN, _F), lambda i: (0, i, 0)),
          pl.BlockSpec((_BN, _F), lambda i: (i, 0)),
          pl.BlockSpec((_BN, _F), lambda i: (i, 0)),
          pl.BlockSpec((1, 16), lambda i: (0, 0)),
          pl.BlockSpec((_BN, _F), lambda i: (i, 0)),
          pl.BlockSpec((_BN, _F), lambda i: (i, 0)),
          pl.BlockSpec((_BN, _F), lambda i: (i, 0)),
          pl.BlockSpec((_F, 16), lambda i: (0, 0)),
          pl.BlockSpec((_F, 16), lambda i: (0, 0)),
          pl.BlockSpec((_F, 16), lambda i: (0, 0)),
          pl.BlockSpec((1, 16), lambda i: (0, 0)),
          pl.BlockSpec((16, 16), lambda i: (0, 0)),
          pl.BlockSpec((1, 16), lambda i: (0, 0)),
      ],
      out_specs=pl.BlockSpec((_BN, 16), lambda i: (i, 0)),
      out_shape=jax.ShapeDtypeStruct((_NP, 16), _f32),
  )(p3, y3, disf, b3_16, o1, o2, o3, wa, wb, wc, w4, e16x16, bc_row)


def kernel(x, edge_index, edge_attr, W0, b0, W1, b1, W2, b2, W3, b3, Wc, bc):
  src = edge_index[0].astype(jnp.int32)
  dst = edge_index[1].astype(jnp.int32)
  loops = jnp.arange(_N, dtype=jnp.int32)
  fill = jnp.full((_EALL - _E - _N,), _NP - 1, dtype=jnp.int32)
  dst_r = jnp.concatenate([dst, loops, fill]).reshape(_NW, _G // _GB, _GB, _CH)
  fill2 = _N + (jnp.arange(_EALL2 - _E, dtype=jnp.int32) % (_NP - _N))
  src_r2 = jnp.concatenate([src, fill2]).reshape(_NW, _G2 // _GB2, _GB2, _CH)
  dst_r2 = jnp.concatenate([dst, fill2]).reshape(_NW, _G2 // _GB2, _GB2, _CH)

  x_pad = jnp.pad(x, ((0, _NP - _N), (0, 0)))
  zeros128 = jnp.zeros((_RPT, _F), _f32)
  ones128 = jnp.ones((_CH, _F), _f32)
  mask128 = jnp.broadcast_to(
      (jnp.arange(_NP) < _N).astype(_f32)[:, None], (_NP, _F))
  e16x16 = jnp.zeros((16, 16), _f32).at[0].set(1.0)

  w3p = jnp.pad(W3, ((0, 0), (0, _F - 1)))
  wc_flat = Wc[:, 0, :]
  wa = wc_flat[:, 0:128].T
  wb = wc_flat[:, 128:256].T
  wcc = wc_flat[:, 256:384].T
  w4 = wc_flat[:, 384][None, :]
  b3_16 = jnp.broadcast_to(b3, (1, 16))
  bc_row = bc[None, :]

  degp = _sc_degree(ones128, dst_r, zeros128)
  y0, disf = _tc0(x_pad, degp, mask128, W0)
  p0 = _sc_scatter128(y0, src_r2, dst_r2, zeros128)
  out1, y1 = _tc_layer(p0, y0, disf, b0[None, :], W1, _F)
  p1 = _sc_scatter128(y1, src_r2, dst_r2, zeros128)
  out2, y2 = _tc_layer(p1, y1, disf, b1[None, :], W2, _F)
  p2 = _sc_scatter128(y2, src_r2, dst_r2, zeros128)
  out3, y3 = _tc_layer(p2, y2, disf, b2[None, :], w3p, _F)
  p3 = _sc_scatter128(y3, src_r2, dst_r2, zeros128)
  res = _tc_final(p3, y3, disf, b3_16, out1, out2, out3, wa, wb, wcc, w4,
                  e16x16, bc_row)
  return res[:_N]

# --- scband reference (transcript-rebuilt; emitter-appended) ---
"""Pipeline reference for scband-dgcnn-14061722927242 (READ-ONLY COPY).

The authoritative reference and input builder live on the scoring server;
editing this copy changes nothing except your own understanding.
"""

import jax, jax.numpy as jnp
import numpy as np

N = 10000
E = 320000
F = 128
H = 128
NUM_LAYERS = 3
C1 = 16
TOTAL_LATENT = H * NUM_LAYERS + 1  # 385


def setup_inputs(seed: int = 0) -> dict:
    key = jax.random.key(seed)
    ks = jax.random.split(key, 16)
    x = jax.random.normal(ks[0], (N, F), dtype=jnp.float32)
    edge_index = jax.random.randint(ks[1], (2, E), 0, N)
    edge_attr = jax.random.normal(ks[2], (E, 4), dtype=jnp.float32)
    dims = [(F, H), (H, H), (H, H), (H, 1)]
    inp = {"x": x, "edge_index": edge_index, "edge_attr": edge_attr}
    for i, (din, dout) in enumerate(dims):
        scale = 1.0 / np.sqrt(din)
        inp[f"W{i}"] = jax.random.normal(ks[3 + 2 * i], (din, dout), dtype=jnp.float32) * scale
        inp[f"b{i}"] = jnp.zeros((dout,), dtype=jnp.float32)
    # Conv1d(1, C1, kernel=TOTAL_LATENT, stride=TOTAL_LATENT)
    inp["Wc"] = jax.random.normal(ks[12], (C1, 1, TOTAL_LATENT), dtype=jnp.float32) * (1.0 / np.sqrt(TOTAL_LATENT))
    inp["bc"] = jnp.zeros((C1,), dtype=jnp.float32)
    return inp


def gcn_conv(x, edge_index, W, b):
    # PyG-style GCNConv: add self-loops, symmetric normalization, linear, scatter-add
    loop = jnp.arange(N)
    src = jnp.concatenate([edge_index[0], loop])
    dst = jnp.concatenate([edge_index[1], loop])
    deg = jax.ops.segment_sum(jnp.ones_like(dst, dtype=x.dtype), dst, num_segments=N)
    dis = jnp.where(deg > 0, 1.0 / jnp.sqrt(jnp.maximum(deg, 1e-12)), 0.0)
    norm = dis[src] * dis[dst]
    xw = x @ W
    msg = norm[:, None] * jnp.take(xw, src, axis=0)
    out = jax.ops.segment_sum(msg, dst, num_segments=N)
    return out + b


def reference(x, edge_index, edge_attr, W0, b0, W1, b1, W2, b2, W3, b3, Wc, bc):
    # use_edge_attr=False -> edge_attr unused, matching the torch module config
    xs = [x]
    for W, b in [(W0, b0), (W1, b1), (W2, b2), (W3, b3)]:
        xs.append(gcn_conv(xs[-1], edge_index, W, b))
    # k=1: skip the raw input features, concat conv outputs -> [N, 385]
    h = jnp.concatenate(xs[1:], axis=-1)
    # Conv1d(1, C1, kernel=385, stride=385) over [N, 1, 385] == full-width matmul
    out = h @ Wc[:, 0, :].T + bc
    return out  # [N, C1] == x[:, :, 0]

if __name__ == "__main__":
    import jax
    _d = setup_inputs()
    print(jax.jit(kernel)(*tuple(_d.values())))

</pallas_src>

<mosaic_0001>
#map = affine_map<(d0, d1) -> (0, 0)>
#map1 = affine_map<(d0, d1) -> (0, 0, 0, 0)>
#map2 = affine_map<(d0, d1) -> (0, 0, 0)>
module attributes {stable_mosaic.version = 14 : i64} {
  func.func @sc_scatter(%arg0: i32, %arg1: i32, %arg2: memref<10240x128xf32, #tpu.memory_space<hbm>>, %arg3: memref<32x3x28x128xi32, #tpu.memory_space<hbm>>, %arg4: memref<32x3x28x128xi32, #tpu.memory_space<hbm>>, %arg5: memref<640x128xf32, #tpu.memory_space<hbm>>, %arg6: memref<2x10240x128xf32, #tpu.memory_space<hbm>>, %arg7: memref<28x128xi32, #tpu.memory_space<vmem>>, %arg8: memref<28x128xi32, #tpu.memory_space<vmem>>, %arg9: memref<2x128x128xf32, #tpu.memory_space<vmem>>, %arg10: memref<10240x128xf32, #tpu.memory_space<vmem_shared>>, %arg11: memref<!tpu.dma_semaphore, #tpu.memory_space<semaphore_mem>>, %arg12: memref<!tpu.dma_semaphore, #tpu.memory_space<semaphore_mem>>) attributes {dimension_semantics = [#tpu.dimension_semantics<core_parallel>, #tpu.dimension_semantics<subcore_parallel>], iteration_bounds = array<i64: 2, 16>, scalar_prefetch = 0 : i64, scratch_operands = 6 : i64, tpu.core_type = #tpu.core_type<sc_vector_subcore>, window_params = [{transform_indices = #map}, {transform_indices = #map1}, {transform_indices = #map1}, {transform_indices = #map}, {transform_indices = #map2}]} {
    %mul3A = arith.constant 640 : i32
    %mul3A_0 = arith.muli %arg1, %mul3A : i32
    "tpu.region"() ({
      %run_scoped3A = tpu.sem_alloc : memref<!tpu.dma_semaphore, #tpu.memory_space<semaphore_mem>>
      %dma_start3A = arith.constant 0 : i32
      %dma_start3A_13 = tpu.memref_slice %arg10[%mul3A_0, %dma_start3A] : memref<10240x128xf32, #tpu.memory_space<vmem_shared>> -> memref<640x128xf32, #tpu.memory_space<vmem_shared>>
      tpu.enqueue_dma source(%arg5 : memref<640x128xf32, #tpu.memory_space<hbm>>) target(%dma_start3A_13 : memref<640x128xf32, #tpu.memory_space<vmem_shared>>) target_semaphore(%run_scoped3A : memref<!tpu.dma_semaphore, #tpu.memory_space<semaphore_mem>>)
      %dma_wait3A = arith.constant 0 : i32
      %dma_wait3A_14 = tpu.memref_slice %arg10[%mul3A_0, %dma_wait3A] : memref<10240x128xf32, #tpu.memory_space<vmem_shared>> -> memref<640x128xf32, #tpu.memory_space<vmem_shared>>
      tpu.wait_dma2 semaphore(%run_scoped3A : memref<!tpu.dma_semaphore, #tpu.memory_space<semaphore_mem>>) src(%arg5 : memref<640x128xf32, #tpu.memory_space<hbm>>) dst(%dma_wait3A_14 : memref<640x128xf32, #tpu.memory_space<vmem_shared>>)
      tpu.yield
    }) : () -> ()
    %barrier3A = arith.constant 0 : index
    tpu.barrier barrier_id(%barrier3A)
    %mul3A_1 = arith.constant 2 : i32
    %mul3A_2 = arith.muli %arg1, %mul3A_1 : i32
    %add3A = arith.addi %mul3A_2, %arg0 : i32
    %scan3A = arith.constant 0 : i32
    %scan3A_3 = arith.constant 0 : i32
    %scan3A_4 = arith.constant 3 : i32
    %scan3A_5 = arith.addi %scan3A_3, %scan3A_4 : i32
    %scan3A_6 = arith.constant 1 : i32
    scf.for %scan3A_13 = %scan3A_3 to %scan3A_5 step %scan3A_6  : i32 {
      %add3A_14 = arith.constant 0 : i32
      %add3A_15 = arith.addi %add3A_14, %scan3A_13 : i32
      "tpu.region"() ({
        %run_scoped3A = tpu.sem_alloc : memref<!tpu.dma_semaphore, #tpu.memory_space<semaphore_mem>>
        %dma_start3A_60 = arith.constant 0 : i32
        %dma_start3A_61 = arith.constant 0 : i32
        %dma_start3A_62 = tpu.memref_slice %arg3[%add3A, %add3A_15, %dma_start3A_60, %dma_start3A_61] : memref<32x3x28x128xi32, #tpu.memory_space<hbm>> -> memref<1x1x28x128xi32, #tpu.memory_space<hbm>>
        %dma_start3A_63 = tpu.memref_squeeze %dma_start3A_62 : memref<1x1x28x128xi32, #tpu.memory_space<hbm>> -> memref<28x128xi32, #tpu.memory_space<hbm>>
        %dma_start3A_64 = arith.constant 0 : i32
        %dma_start3A_65 = arith.constant 0 : i32
        %dma_start3A_66 = tpu.memref_slice %arg3[%add3A, %add3A_15, %dma_start3A_64, %dma_start3A_65] : memref<32x3x28x128xi32, #tpu.memory_space<hbm>> -> memref<1x1x28x128xi32, #tpu.memory_space<hbm>>
        %dma_start3A_67 = tpu.memref_squeeze %dma_start3A_66 : memref<1x1x28x128xi32, #tpu.memory_space<hbm>> -> memref<28x128xi32, #tpu.memory_space<hbm>>
        tpu.enqueue_dma source(%dma_start3A_67 : memref<28x128xi32, #tpu.memory_space<hbm>>) target(%arg7 : memref<28x128xi32, #tpu.memory_space<vmem>>) target_semaphore(%run_scoped3A : memref<!tpu.dma_semaphore, #tpu.memory_space<semaphore_mem>>)
        %dma_wait3A_68 = arith.constant 0 : i32
        %dma_wait3A_69 = arith.constant 0 : i32
        %dma_wait3A_70 = tpu.memref_slice %arg3[%add3A, %add3A_15, %dma_wait3A_68, %dma_wait3A_69] : memref<32x3x28x128xi32, #tpu.memory_space<hbm>> -> memref<1x1x28x128xi32, #tpu.memory_space<hbm>>
        %dma_wait3A_71 = tpu.memref_squeeze %dma_wait3A_70 : memref<1x1x28x128xi32, #tpu.memory_space<hbm>> -> memref<28x128xi32, #tpu.memory_space<hbm>>
        %dma_wait3A_72 = arith.constant 0 : i32
        %dma_wait3A_73 = arith.constant 0 : i32
        %dma_wait3A_74 = tpu.memref_slice %arg3[%add3A, %add3A_15, %dma_wait3A_72, %dma_wait3A_73] : memref<32x3x28x128xi32, #tpu.memory_space<hbm>> -> memref<1x1x28x128xi32, #tpu.memory_space<hbm>>
        %dma_wait3A_75 = tpu.memref_squeeze %dma_wait3A_74 : memref<1x1x28x128xi32, #tpu.memory_space<hbm>> -> memref<28x128xi32, #tpu.memory_space<hbm>>
        tpu.wait_dma2 semaphore(%run_scoped3A : memref<!tpu.dma_semaphore, #tpu.memory_space<semaphore_mem>>) src(%dma_wait3A_75 : memref<28x128xi32, #tpu.memory_space<hbm>>) dst(%arg7 : memref<28x128xi32, #tpu.memory_space<vmem>>)
        tpu.yield
      }) : () -> ()
      %add3A_16 = arith.constant 0 : i32
      %add3A_17 = arith.addi %add3A_16, %scan3A_13 : i32
      "tpu.region"() ({
        %run_scoped3A = tpu.sem_alloc : memref<!tpu.dma_semaphore, #tpu.memory_space<semaphore_mem>>
        %dma_start3A_60 = arith.constant 0 : i32
        %dma_start3A_61 = arith.constant 0 : i32
        %dma_start3A_62 = tpu.memref_slice %arg4[%add3A, %add3A_17, %dma_start3A_60, %dma_start3A_61] : memref<32x3x28x128xi32, #tpu.memory_space<hbm>> -> memref<1x1x28x128xi32, #tpu.memory_space<hbm>>
        %dma_start3A_63 = tpu.memref_squeeze %dma_start3A_62 : memref<1x1x28x128xi32, #tpu.memory_space<hbm>> -> memref<28x128xi32, #tpu.memory_space<hbm>>
        %dma_start3A_64 = arith.constant 0 : i32
        %dma_start3A_65 = arith.constant 0 : i32
        %dma_start3A_66 = tpu.memref_slice %arg4[%add3A, %add3A_17, %dma_start3A_64, %dma_start3A_65] : memref<32x3x28x128xi32, #tpu.memory_space<hbm>> -> memref<1x1x28x128xi32, #tpu.memory_space<hbm>>
        %dma_start3A_67 = tpu.memref_squeeze %dma_start3A_66 : memref<1x1x28x128xi32, #tpu.memory_space<hbm>> -> memref<28x128xi32, #tpu.memory_space<hbm>>
        tpu.enqueue_dma source(%dma_start3A_67 : memref<28x128xi32, #tpu.memory_space<hbm>>) target(%arg8 : memref<28x128xi32, #tpu.memory_space<vmem>>) target_semaphore(%run_scoped3A : memref<!tpu.dma_semaphore, #tpu.memory_space<semaphore_mem>>)
        %dma_wait3A_68 = arith.constant 0 : i32
        %dma_wait3A_69 = arith.constant 0 : i32
        %dma_wait3A_70 = tpu.memref_slice %arg4[%add3A, %add3A_17, %dma_wait3A_68, %dma_wait3A_69] : memref<32x3x28x128xi32, #tpu.memory_space<hbm>> -> memref<1x1x28x128xi32, #tpu.memory_space<hbm>>
        %dma_wait3A_71 = tpu.memref_squeeze %dma_wait3A_70 : memref<1x1x28x128xi32, #tpu.memory_space<hbm>> -> memref<28x128xi32, #tpu.memory_space<hbm>>
        %dma_wait3A_72 = arith.constant 0 : i32
        %dma_wait3A_73 = arith.constant 0 : i32
        %dma_wait3A_74 = tpu.memref_slice %arg4[%add3A, %add3A_17, %dma_wait3A_72, %dma_wait3A_73] : memref<32x3x28x128xi32, #tpu.memory_space<hbm>> -> memref<1x1x28x128xi32, #tpu.memory_space<hbm>>
        %dma_wait3A_75 = tpu.memref_squeeze %dma_wait3A_74 : memref<1x1x28x128xi32, #tpu.memory_space<hbm>> -> memref<28x128xi32, #tpu.memory_space<hbm>>
        tpu.wait_dma2 semaphore(%run_scoped3A : memref<!tpu.dma_semaphore, #tpu.memory_space<semaphore_mem>>) src(%dma_wait3A_75 : memref<28x128xi32, #tpu.memory_space<hbm>>) dst(%arg8 : memref<28x128xi32, #tpu.memory_space<vmem>>)
        tpu.yield
      }) : () -> ()
      %dma_start3A = arith.constant 0 : i32
      %dma_start3A_18 = arith.constant 0 : i32
      %dma_start3A_19 = arith.constant 0 : i32
      %dma_start3A_20 = arith.constant 0 : i32
      %dma_start3A_21 = tpu.memref_slice %arg9[%dma_start3A_18, %dma_start3A_19, %dma_start3A_20] : memref<2x128x128xf32, #tpu.memory_space<vmem>> -> memref<1x64x128xf32, #tpu.memory_space<vmem>>
      %dma_start3A_22 = tpu.memref_squeeze %dma_start3A_21 : memref<1x64x128xf32, #tpu.memory_space<vmem>> -> memref<64x128xf32, #tpu.memory_space<vmem>>
      %dma_start3A_23 = arith.constant 0 : i32
      %dma_start3A_24 = tpu.memref_slice %arg7[%dma_start3A, %dma_start3A_23] : memref<28x128xi32, #tpu.memory_space<vmem>> -> memref<1x64xi32, #tpu.memory_space<vmem>>
      %dma_start3A_25 = tpu.memref_squeeze %dma_start3A_24 : memref<1x64xi32, #tpu.memory_space<vmem>> -> memref<64xi32, #tpu.memory_space<vmem>>
      %dma_start3A_26 = arith.constant 0 : i32
      %dma_start3A_27 = arith.constant 0 : i32
      %dma_start3A_28 = tpu.memref_slice %arg2[%dma_start3A_26, %dma_start3A_27] : memref<10240x128xf32, #tpu.memory_space<hbm>> -> memref<10240x128xf32, #tpu.memory_space<hbm>>
      tpu.enqueue_indirect_dma source(%dma_start3A_28 : memref<10240x128xf32, #tpu.memory_space<hbm>>) target(%dma_start3A_22 : memref<64x128xf32, #tpu.memory_space<vmem>>) offsets(%dma_start3A_25 : memref<64xi32, #tpu.memory_space<vmem>>) semaphore(%arg11 : memref<!tpu.dma_semaphore, #tpu.memory_space<semaphore_mem>>)
      %dma_start3A_29 = arith.constant 0 : i32
      %dma_start3A_30 = arith.constant 0 : i32
      %dma_start3A_31 = arith.constant 64 : i32
      %dma_start3A_32 = arith.constant 0 : i32
      %dma_start3A_33 = tpu.memref_slice %arg9[%dma_start3A_30, %dma_start3A_31, %dma_start3A_32] : memref<2x128x128xf32, #tpu.memory_space<vmem>> -> memref<1x64x128xf32, #tpu.memory_space<vmem>>
      %dma_start3A_34 = tpu.memref_squeeze %dma_start3A_33 : memref<1x64x128xf32, #tpu.memory_space<vmem>> -> memref<64x128xf32, #tpu.memory_space<vmem>>
      %dma_start3A_35 = arith.constant 64 : i32
      %dma_start3A_36 = tpu.memref_slice %arg7[%dma_start3A_29, %dma_start3A_35] : memref<28x128xi32, #tpu.memory_space<vmem>> -> memref<1x64xi32, #tpu.memory_space<vmem>>
      %dma_start3A_37 = tpu.memref_squeeze %dma_start3A_36 : memref<1x64xi32, #tpu.memory_space<vmem>> -> memref<64xi32, #tpu.memory_space<vmem>>
      %dma_start3A_38 = arith.constant 0 : i32
      %dma_start3A_39 = arith.constant 0 : i32
      %dma_start3A_40 = tpu.memref_slice %arg2[%dma_start3A_38, %dma_start3A_39] : memref<10240x128xf32, #tpu.memory_space<hbm>> -> memref<10240x128xf32, #tpu.memory_space<hbm>>
      tpu.enqueue_indirect_dma source(%dma_start3A_40 : memref<10240x128xf32, #tpu.memory_space<hbm>>) target(%dma_start3A_34 : memref<64x128xf32, #tpu.memory_space<vmem>>) offsets(%dma_start3A_37 : memref<64xi32, #tpu.memory_space<vmem>>) semaphore(%arg11 : memref<!tpu.dma_semaphore, #tpu.memory_space<semaphore_mem>>)
      %scan3A_41 = arith.constant 0 : i32
      %scan3A_42 = arith.constant 28 : i32
      %scan3A_43 = arith.addi %scan3A_41, %scan3A_42 : i32
      %scan3A_44 = arith.constant 1 : i32
      scf.for %scan3A_60 = %scan3A_41 to %scan3A_43 step %scan3A_44  : i32 {
        %jit3A = arith.constant 2 : i32
        %eq3A = arith.constant 0 : i32
        %eq3A_61 = arith.cmpi eq, %jit3A, %eq3A : i32
        %jit3A_62 = arith.constant 1 : i32
        %select_n3A = arith.select %eq3A_61, %jit3A_62, %jit3A : i32
        %rem3A = arith.remsi %scan3A_60, %select_n3A : i32
        %ne3A = arith.constant 0 : i32
        %ne3A_63 = arith.cmpi ne, %rem3A, %ne3A : i32
        %lt3A = arith.constant 0 : i32
        %lt3A_64 = arith.cmpi slt, %rem3A, %lt3A : i32
        %lt3A_65 = arith.constant 0 : i32
        %lt3A_66 = arith.cmpi slt, %select_n3A, %lt3A_65 : i32
        %ne3A_67 = arith.xori %lt3A_64, %lt3A_66 : i1
        %and3A = arith.andi %ne3A_67, %ne3A_63 : i1
        %add3A_68 = arith.addi %rem3A, %select_n3A : i32
        %select_n3A_69 = arith.select %and3A, %add3A_68, %rem3A : i32
        %dma_wait3A_70 = arith.constant 0 : i32
        %dma_wait3A_71 = arith.constant 0 : i32
        %dma_wait3A_72 = tpu.memref_slice %arg9[%select_n3A_69, %dma_wait3A_70, %dma_wait3A_71] : memref<2x128x128xf32, #tpu.memory_space<vmem>> -> memref<1x64x128xf32, #tpu.memory_space<vmem>>
        %dma_wait3A_73 = tpu.memref_squeeze %dma_wait3A_72 : memref<1x64x128xf32, #tpu.memory_space<vmem>> -> memref<64x128xf32, #tpu.memory_space<vmem>>
        %dma_wait3A_74 = arith.constant 0 : i32
        %dma_wait3A_75 = arith.constant 0 : i32
        %dma_wait3A_76 = tpu.memref_slice %arg2[%dma_wait3A_74, %dma_wait3A_75] : memref<10240x128xf32, #tpu.memory_space<hbm>> -> memref<64x128xf32, #tpu.memory_space<hbm>>
        %dma_wait3A_77 = arith.constant 0 : i32
        %dma_wait3A_78 = arith.constant 0 : i32
        %dma_wait3A_79 = tpu.memref_slice %arg9[%select_n3A_69, %dma_wait3A_77, %dma_wait3A_78] : memref<2x128x128xf32, #tpu.memory_space<vmem>> -> memref<1x64x128xf32, #tpu.memory_space<vmem>>
        %dma_wait3A_80 = tpu.memref_squeeze %dma_wait3A_79 : memref<1x64x128xf32, #tpu.memory_space<vmem>> -> memref<64x128xf32, #tpu.memory_space<vmem>>
        %dma_wait3A_81 = arith.constant 0 : i32
        %dma_wait3A_82 = arith.constant 0 : i32
        %dma_wait3A_83 = tpu.memref_slice %arg2[%dma_wait3A_81, %dma_wait3A_82] : memref<10240x128xf32, #tpu.memory_space<hbm>> -> memref<64x128xf32, #tpu.memory_space<hbm>>
        tpu.wait_dma2 semaphore(%arg11 : memref<!tpu.dma_semaphore, #tpu.memory_space<semaphore_mem>>) src(%dma_wait3A_83 : memref<64x128xf32, #tpu.memory_space<hbm>>) dst(%dma_wait3A_80 : memref<64x128xf32, #tpu.memory_space<vmem>>)
        %dma_wait3A_84 = arith.constant 64 : i32
        %dma_wait3A_85 = arith.constant 0 : i32
        %dma_wait3A_86 = tpu.memref_slice %arg9[%select_n3A_69, %dma_wait3A_84, %dma_wait3A_85] : memref<2x128x128xf32, #tpu.memory_space<vmem>> -> memref<1x64x128xf32, #tpu.memory_space<vmem>>
        %dma_wait3A_87 = tpu.memref_squeeze %dma_wait3A_86 : memref<1x64x128xf32, #tpu.memory_space<vmem>> -> memref<64x128xf32, #tpu.memory_space<vmem>>
        %dma_wait3A_88 = arith.constant 0 : i32
        %dma_wait3A_89 = arith.constant 0 : i32
        %dma_wait3A_90 = tpu.memref_slice %arg2[%dma_wait3A_88, %dma_wait3A_89] : memref<10240x128xf32, #tpu.memory_space<hbm>> -> memref<64x128xf32, #tpu.memory_space<hbm>>
        %dma_wait3A_91 = arith.constant 64 : i32
        %dma_wait3A_92 = arith.constant 0 : i32
        %dma_wait3A_93 = tpu.memref_slice %arg9[%select_n3A_69, %dma_wait3A_91, %dma_wait3A_92] : memref<2x128x128xf32, #tpu.memory_space<vmem>> -> memref<1x64x128xf32, #tpu.memory_space<vmem>>
        %dma_wait3A_94 = tpu.memref_squeeze %dma_wait3A_93 : memref<1x64x128xf32, #tpu.memory_space<vmem>> -> memref<64x128xf32, #tpu.memory_space<vmem>>
        %dma_wait3A_95 = arith.constant 0 : i32
        %dma_wait3A_96 = arith.constant 0 : i32
        %dma_wait3A_97 = tpu.memref_slice %arg2[%dma_wait3A_95, %dma_wait3A_96] : memref<10240x128xf32, #tpu.memory_space<hbm>> -> memref<64x128xf32, #tpu.memory_space<hbm>>
        tpu.wait_dma2 semaphore(%arg11 : memref<!tpu.dma_semaphore, #tpu.memory_space<semaphore_mem>>) src(%dma_wait3A_97 : memref<64x128xf32, #tpu.memory_space<hbm>>) dst(%dma_wait3A_94 : memref<64x128xf32, #tpu.memory_space<vmem>>)
        %ge3A = arith.constant 1 : i32
        %ge3A_98 = arith.cmpi sge, %scan3A_60, %ge3A : i32
        %convert_element_type3A = arith.extui %ge3A_98 : i1 to i32
        %cond3A = arith.constant 0 : i32
        %cond3A_99 = arith.cmpi ne, %convert_element_type3A, %cond3A : i32
        scf.if %cond3A_99 {
          %add3A_133 = arith.constant 1 : i32
          %add3A_134 = arith.addi %scan3A_60, %add3A_133 : i32
          %jit3A_135 = arith.constant 2 : i32
          %eq3A_136 = arith.constant 0 : i32
          %eq3A_137 = arith.cmpi eq, %jit3A_135, %eq3A_136 : i32
          %jit3A_138 = arith.constant 1 : i32
          %select_n3A_139 = arith.select %eq3A_137, %jit3A_138, %jit3A_135 : i32
          %rem3A_140 = arith.remsi %add3A_134, %select_n3A_139 : i32
          %ne3A_141 = arith.constant 0 : i32
          %ne3A_142 = arith.cmpi ne, %rem3A_140, %ne3A_141 : i32
          %lt3A_143 = arith.constant 0 : i32
          %lt3A_144 = arith.cmpi slt, %rem3A_140, %lt3A_143 : i32
          %lt3A_145 = arith.constant 0 : i32
          %lt3A_146 = arith.cmpi slt, %select_n3A_139, %lt3A_145 : i32
          %ne3A_147 = arith.xori %lt3A_144, %lt3A_146 : i1
          %and3A_148 = arith.andi %ne3A_147, %ne3A_142 : i1
          %add3A_149 = arith.addi %rem3A_140, %select_n3A_139 : i32
          %select_n3A_150 = arith.select %and3A_148, %add3A_149, %rem3A_140 : i32
          %dma_wait3A_151 = arith.constant 0 : i32
          %dma_wait3A_152 = arith.constant 0 : i32
          %dma_wait3A_153 = tpu.memref_slice %arg9[%select_n3A_150, %dma_wait3A_151, %dma_wait3A_152] : memref<2x128x128xf32, #tpu.memory_space<vmem>> -> memref<1x128x128xf32, #tpu.memory_space<vmem>>
          %dma_wait3A_154 = tpu.memref_squeeze %dma_wait3A_153 : memref<1x128x128xf32, #tpu.memory_space<vmem>> -> memref<128x128xf32, #tpu.memory_space<vmem>>
          %dma_wait3A_155 = arith.constant 0 : i32
          %dma_wait3A_156 = arith.constant 0 : i32
          %dma_wait3A_157 = tpu.memref_slice %arg2[%dma_wait3A_155, %dma_wait3A_156] : memref<10240x128xf32, #tpu.memory_space<hbm>> -> memref<128x128xf32, #tpu.memory_space<hbm>>
          %dma_wait3A_158 = arith.constant 0 : i32
          %dma_wait3A_159 = arith.constant 0 : i32
          %dma_wait3A_160 = tpu.memref_slice %arg9[%select_n3A_150, %dma_wait3A_158, %dma_wait3A_159] : memref<2x128x128xf32, #tpu.memory_space<vmem>> -> memref<1x128x128xf32, #tpu.memory_space<vmem>>
          %dma_wait3A_161 = tpu.memref_squeeze %dma_wait3A_160 : memref<1x128x128xf32, #tpu.memory_space<vmem>> -> memref<128x128xf32, #tpu.memory_space<vmem>>
          %dma_wait3A_162 = arith.constant 0 : i32
          %dma_wait3A_163 = arith.constant 0 : i32
          %dma_wait3A_164 = tpu.memref_slice %arg2[%dma_wait3A_162, %dma_wait3A_163] : memref<10240x128xf32, #tpu.memory_space<hbm>> -> memref<128x128xf32, #tpu.memory_space<hbm>>
          tpu.wait_dma2 semaphore(%arg12 : memref<!tpu.dma_semaphore, #tpu.memory_space<semaphore_mem>>) src(%dma_wait3A_164 : memref<128x128xf32, #tpu.memory_space<hbm>>) dst(%dma_wait3A_161 : memref<128x128xf32, #tpu.memory_space<vmem>>)
        } else {
        }
        %add3A_100 = arith.constant 1 : i32
        %add3A_101 = arith.addi %scan3A_60, %add3A_100 : i32
        %lt3A_102 = arith.constant 28 : i32
        %lt3A_103 = arith.cmpi slt, %add3A_101, %lt3A_102 : i32
        %convert_element_type3A_104 = arith.extui %lt3A_103 : i1 to i32
        %cond3A_105 = arith.constant 0 : i32
        %cond3A_106 = arith.cmpi ne, %convert_element_type3A_104, %cond3A_105 : i32
        scf.if %cond3A_106 {
          %add3A_133 = arith.constant 1 : i32
          %add3A_134 = arith.addi %scan3A_60, %add3A_133 : i32
          %add3A_135 = arith.constant 1 : i32
          %add3A_136 = arith.addi %scan3A_60, %add3A_135 : i32
          %jit3A_137 = arith.constant 2 : i32
          %eq3A_138 = arith.constant 0 : i32
          %eq3A_139 = arith.cmpi eq, %jit3A_137, %eq3A_138 : i32
          %jit3A_140 = arith.constant 1 : i32
          %select_n3A_141 = arith.select %eq3A_139, %jit3A_140, %jit3A_137 : i32
          %rem3A_142 = arith.remsi %add3A_136, %select_n3A_141 : i32
          %ne3A_143 = arith.constant 0 : i32
          %ne3A_144 = arith.cmpi ne, %rem3A_142, %ne3A_143 : i32
          %lt3A_145 = arith.constant 0 : i32
          %lt3A_146 = arith.cmpi slt, %rem3A_142, %lt3A_145 : i32
          %lt3A_147 = arith.constant 0 : i32
          %lt3A_148 = arith.cmpi slt, %select_n3A_141, %lt3A_147 : i32
          %ne3A_149 = arith.xori %lt3A_146, %lt3A_148 : i1
          %and3A_150 = arith.andi %ne3A_149, %ne3A_144 : i1
          %add3A_151 = arith.addi %rem3A_142, %select_n3A_141 : i32
          %select_n3A_152 = arith.select %and3A_150, %add3A_151, %rem3A_142 : i32
          %dma_start3A_153 = arith.constant 0 : i32
          %dma_start3A_154 = arith.constant 0 : i32
          %dma_start3A_155 = tpu.memref_slice %arg9[%select_n3A_152, %dma_start3A_153, %dma_start3A_154] : memref<2x128x128xf32, #tpu.memory_space<vmem>> -> memref<1x64x128xf32, #tpu.memory_space<vmem>>
          %dma_start3A_156 = tpu.memref_squeeze %dma_start3A_155 : memref<1x64x128xf32, #tpu.memory_space<vmem>> -> memref<64x128xf32, #tpu.memory_space<vmem>>
          %dma_start3A_157 = arith.constant 0 : i32
          %dma_start3A_158 = tpu.memref_slice %arg7[%add3A_134, %dma_start3A_157] : memref<28x128xi32, #tpu.memory_space<vmem>> -> memref<1x64xi32, #tpu.memory_space<vmem>>
          %dma_start3A_159 = tpu.memref_squeeze %dma_start3A_158 : memref<1x64xi32, #tpu.memory_space<vmem>> -> memref<64xi32, #tpu.memory_space<vmem>>
          %dma_start3A_160 = arith.constant 0 : i32
          %dma_start3A_161 = arith.constant 0 : i32
          %dma_start3A_162 = tpu.memref_slice %arg2[%dma_start3A_160, %dma_start3A_161] : memref<10240x128xf32, #tpu.memory_space<hbm>> -> memref<10240x128xf32, #tpu.memory_space<hbm>>
          tpu.enqueue_indirect_dma source(%dma_start3A_162 : memref<10240x128xf32, #tpu.memory_space<hbm>>) target(%dma_start3A_156 : memref<64x128xf32, #tpu.memory_space<vmem>>) offsets(%dma_start3A_159 : memref<64xi32, #tpu.memory_space<vmem>>) semaphore(%arg11 : memref<!tpu.dma_semaphore, #tpu.memory_space<semaphore_mem>>)
          %dma_start3A_163 = arith.constant 64 : i32
          %dma_start3A_164 = arith.constant 0 : i32
          %dma_start3A_165 = tpu.memref_slice %arg9[%select_n3A_152, %dma_start3A_163, %dma_start3A_164] : memref<2x128x128xf32, #tpu.memory_space<vmem>> -> memref<1x64x128xf32, #tpu.memory_space<vmem>>
          %dma_start3A_166 = tpu.memref_squeeze %dma_start3A_165 : memref<1x64x128xf32, #tpu.memory_space<vmem>> -> memref<64x128xf32, #tpu.memory_space<vmem>>
          %dma_start3A_167 = arith.constant 64 : i32
          %dma_start3A_168 = tpu.memref_slice %arg7[%add3A_134, %dma_start3A_167] : memref<28x128xi32, #tpu.memory_space<vmem>> -> memref<1x64xi32, #tpu.memory_space<vmem>>
          %dma_start3A_169 = tpu.memref_squeeze %dma_start3A_168 : memref<1x64xi32, #tpu.memory_space<vmem>> -> memref<64xi32, #tpu.memory_space<vmem>>
          %dma_start3A_170 = arith.constant 0 : i32
          %dma_start3A_171 = arith.constant 0 : i32
          %dma_start3A_172 = tpu.memref_slice %arg2[%dma_start3A_170, %dma_start3A_171] : memref<10240x128xf32, #tpu.memory_space<hbm>> -> memref<10240x128xf32, #tpu.memory_space<hbm>>
          tpu.enqueue_indirect_dma source(%dma_start3A_172 : memref<10240x128xf32, #tpu.memory_space<hbm>>) target(%dma_start3A_166 : memref<64x128xf32, #tpu.memory_space<vmem>>) offsets(%dma_start3A_169 : memref<64xi32, #tpu.memory_space<vmem>>) semaphore(%arg11 : memref<!tpu.dma_semaphore, #tpu.memory_space<semaphore_mem>>)
        } else {
        }
        %jit3A_107 = arith.constant 2 : i32
        %eq3A_108 = arith.constant 0 : i32
        %eq3A_109 = arith.cmpi eq, %jit3A_107, %eq3A_108 : i32
        %jit3A_110 = arith.constant 1 : i32
        %select_n3A_111 = arith.select %eq3A_109, %jit3A_110, %jit3A_107 : i32
        %rem3A_112 = arith.remsi %scan3A_60, %select_n3A_111 : i32
        %ne3A_113 = arith.constant 0 : i32
        %ne3A_114 = arith.cmpi ne, %rem3A_112, %ne3A_113 : i32
        %lt3A_115 = arith.constant 0 : i32
        %lt3A_116 = arith.cmpi slt, %rem3A_112, %lt3A_115 : i32
        %lt3A_117 = arith.constant 0 : i32
        %lt3A_118 = arith.cmpi slt, %select_n3A_111, %lt3A_117 : i32
        %ne3A_119 = arith.xori %lt3A_116, %lt3A_118 : i1
        %and3A_120 = arith.andi %ne3A_119, %ne3A_114 : i1
        %add3A_121 = arith.addi %rem3A_112, %select_n3A_111 : i32
        %select_n3A_122 = arith.select %and3A_120, %add3A_121, %rem3A_112 : i32
        %dma_start3A_123 = arith.constant 0 : i32
        %dma_start3A_124 = arith.constant 0 : i32
        %dma_start3A_125 = tpu.memref_slice %arg9[%select_n3A_122, %dma_start3A_123, %dma_start3A_124] : memref<2x128x128xf32, #tpu.memory_space<vmem>> -> memref<1x128x128xf32, #tpu.memory_space<vmem>>
        %dma_start3A_126 = tpu.memref_squeeze %dma_start3A_125 : memref<1x128x128xf32, #tpu.memory_space<vmem>> -> memref<128x128xf32, #tpu.memory_space<vmem>>
        %dma_start3A_127 = arith.constant 0 : i32
        %dma_start3A_128 = tpu.memref_slice %arg8[%scan3A_60, %dma_start3A_127] : memref<28x128xi32, #tpu.memory_space<vmem>> -> memref<1x128xi32, #tpu.memory_space<vmem>>
        %dma_start3A_129 = tpu.memref_squeeze %dma_start3A_128 : memref<1x128xi32, #tpu.memory_space<vmem>> -> memref<128xi32, #tpu.memory_space<vmem>>
        %dma_start3A_130 = arith.constant 0 : i32
        %dma_start3A_131 = arith.constant 0 : i32
        %dma_start3A_132 = tpu.memref_slice %arg10[%dma_start3A_130, %dma_start3A_131] : memref<10240x128xf32, #tpu.memory_space<vmem_shared>> -> memref<10240x128xf32, #tpu.memory_space<vmem_shared>>
        tpu.enqueue_indirect_dma source(%dma_start3A_126 : memref<128x128xf32, #tpu.memory_space<vmem>>) target(%dma_start3A_132 : memref<10240x128xf32, #tpu.memory_space<vmem_shared>>) offsets(%dma_start3A_129 : memref<128xi32, #tpu.memory_space<vmem>>) semaphore(%arg12 : memref<!tpu.dma_semaphore, #tpu.memory_space<semaphore_mem>>) {add = true}
      }
      %scan3A_45 = arith.constant 28 : i32
      %dma_wait3A = arith.constant 0 : i32
      %dma_wait3A_46 = arith.constant 0 : i32
      %dma_wait3A_47 = arith.constant 0 : i32
      %dma_wait3A_48 = tpu.memref_slice %arg9[%dma_wait3A, %dma_wait3A_46, %dma_wait3A_47] : memref<2x128x128xf32, #tpu.memory_space<vmem>> -> memref<1x128x128xf32, #tpu.memory_space<vmem>>
      %dma_wait3A_49 = tpu.memref_squeeze %dma_wait3A_48 : memref<1x128x128xf32, #tpu.memory_space<vmem>> -> memref<128x128xf32, #tpu.memory_space<vmem>>
      %dma_wait3A_50 = arith.constant 0 : i32
      %dma_wait3A_51 = arith.constant 0 : i32
      %dma_wait3A_52 = tpu.memref_slice %arg2[%dma_wait3A_50, %dma_wait3A_51] : memref<10240x128xf32, #tpu.memory_space<hbm>> -> memref<128x128xf32, #tpu.memory_space<hbm>>
      %dma_wait3A_53 = arith.constant 0 : i32
      %dma_wait3A_54 = arith.constant 0 : i32
      %dma_wait3A_55 = tpu.memref_slice %arg9[%dma_wait3A, %dma_wait3A_53, %dma_wait3A_54] : memref<2x128x128xf32, #tpu.memory_space<vmem>> -> memref<1x128x128xf32, #tpu.memory_space<vmem>>
      %dma_wait3A_56 = tpu.memref_squeeze %dma_wait3A_55 : memref<1x128x128xf32, #tpu.memory_space<vmem>> -> memref<128x128xf32, #tpu.memory_space<vmem>>
      %dma_wait3A_57 = arith.constant 0 : i32
      %dma_wait3A_58 = arith.constant 0 : i32
      %dma_wait3A_59 = tpu.memref_slice %arg2[%dma_wait3A_57, %dma_wait3A_58] : memref<10240x128xf32, #tpu.memory_space<hbm>> -> memref<128x128xf32, #tpu.memory_space<hbm>>
      tpu.wait_dma2 semaphore(%arg12 : memref<!tpu.dma_semaphore, #tpu.memory_space<semaphore_mem>>) src(%dma_wait3A_59 : memref<128x128xf32, #tpu.memory_space<hbm>>) dst(%dma_wait3A_56 : memref<128x128xf32, #tpu.memory_space<vmem>>)
    }
    %scan3A_7 = arith.constant 3 : i32
    %barrier3A_8 = arith.constant 0 : index
    tpu.barrier barrier_id(%barrier3A_8)
    %mul3A_9 = arith.constant 640 : i32
    %mul3A_10 = arith.muli %arg1, %mul3A_9 : i32
    %mul3A_11 = arith.constant 640 : i32
    %mul3A_12 = arith.muli %arg1, %mul3A_11 : i32
    "tpu.region"() ({
      %run_scoped3A = tpu.sem_alloc : memref<!tpu.dma_semaphore, #tpu.memory_space<semaphore_mem>>
      %dma_start3A = arith.constant 0 : i32
      %dma_start3A_13 = tpu.memref_slice %arg6[%arg0, %mul3A_12, %dma_start3A] : memref<2x10240x128xf32, #tpu.memory_space<hbm>> -> memref<1x640x128xf32, #tpu.memory_space<hbm>>
      %dma_start3A_14 = tpu.memref_squeeze %dma_start3A_13 : memref<1x640x128xf32, #tpu.memory_space<hbm>> -> memref<640x128xf32, #tpu.memory_space<hbm>>
      %dma_start3A_15 = arith.constant 0 : i32
      %dma_start3A_16 = tpu.memref_slice %arg10[%mul3A_10, %dma_start3A_15] : memref<10240x128xf32, #tpu.memory_space<vmem_shared>> -> memref<640x128xf32, #tpu.memory_space<vmem_shared>>
      tpu.enqueue_dma source(%dma_start3A_16 : memref<640x128xf32, #tpu.memory_space<vmem_shared>>) target(%dma_start3A_14 : memref<640x128xf32, #tpu.memory_space<hbm>>) target_semaphore(%run_scoped3A : memref<!tpu.dma_semaphore, #tpu.memory_space<semaphore_mem>>)
      %dma_wait3A = arith.constant 0 : i32
      %dma_wait3A_17 = tpu.memref_slice %arg6[%arg0, %mul3A_12, %dma_wait3A] : memref<2x10240x128xf32, #tpu.memory_space<hbm>> -> memref<1x640x128xf32, #tpu.memory_space<hbm>>
      %dma_wait3A_18 = tpu.memref_squeeze %dma_wait3A_17 : memref<1x640x128xf32, #tpu.memory_space<hbm>> -> memref<640x128xf32, #tpu.memory_space<hbm>>
      %dma_wait3A_19 = arith.constant 0 : i32
      %dma_wait3A_20 = tpu.memref_slice %arg10[%mul3A_10, %dma_wait3A_19] : memref<10240x128xf32, #tpu.memory_space<vmem_shared>> -> memref<640x128xf32, #tpu.memory_space<vmem_shared>>
      tpu.wait_dma2 semaphore(%run_scoped3A : memref<!tpu.dma_semaphore, #tpu.memory_space<semaphore_mem>>) src(%dma_wait3A_20 : memref<640x128xf32, #tpu.memory_space<vmem_shared>>) dst(%dma_wait3A_18 : memref<640x128xf32, #tpu.memory_space<hbm>>)
      tpu.yield
    }) : () -> ()
    return
  }
}

#map = affine_map<(d0, d1) -> (0, 0)>
#map1 = affine_map<(d0, d1) -> (0, 0, 0, 0)>
#map2 = affine_map<(d0, d1) -> (0, 0, 0)>
module attributes {stable_mosaic.version = 14 : i64} {
  func.func @sc_scatter(%arg0: i32, %arg1: i32, %arg2: memref<10240x128xf32, #tpu.memory_space<hbm>>, %arg3: memref<32x3x28x128xi32, #tpu.memory_space<hbm>>, %arg4: memref<32x3x28x128xi32, #tpu.memory_space<hbm>>, %arg5: memref<640x128xf32, #tpu.memory_space<hbm>>, %arg6: memref<2x10240x128xf32, #tpu.memory_space<hbm>>, %arg7: memref<28x128xi32, #tpu.memory_space<vmem>>, %arg8: memref<28x128xi32, #tpu.memory_space<vmem>>, %arg9: memref<2x128x128xf32, #tpu.memory_space<vmem>>, %arg10: memref<10240x128xf32, #tpu.memory_space<vmem_shared>>, %arg11: memref<!tpu.dma_semaphore, #tpu.memory_space<semaphore_mem>>, %arg12: memref<!tpu.dma_semaphore, #tpu.memory_space<semaphore_mem>>) attributes {dimension_semantics = [#tpu.dimension_semantics<core_parallel>, #tpu.dimension_semantics<subcore_parallel>], iteration_bounds = array<i64: 2, 16>, scalar_prefetch = 0 : i64, scratch_operands = 6 : i64, tpu.core_type = #tpu.core_type<sc_vector_subcore>, window_params = [{transform_indices = #map}, {transform_indices = #map1}, {transform_indices = #map1}, {transform_indices = #map}, {transform_indices = #map2}]} {
    %mul3A = arith.constant 640 : i32
    %mul3A_0 = arith.muli %arg1, %mul3A : i32
    "tpu.region"() ({
      %run_scoped3A = tpu.sem_alloc : memref<!tpu.dma_semaphore, #tpu.memory_space<semaphore_mem>>
      %dma_start3A = arith.constant 0 : i32
      %dma_start3A_13 = tpu.memref_slice %arg10[%mul3A_0, %dma_start3A] : memref<10240x128xf32, #tpu.memory_space<vmem_shared>> -> memref<640x128xf32, #tpu.memory_space<vmem_shared>>
      tpu.enqueue_dma source(%arg5 : memref<640x128xf32, #tpu.memory_space<hbm>>) target(%dma_start3A_13 : memref<640x128xf32, #tpu.memory_space<vmem_shared>>) target_semaphore(%run_scoped3A : memref<!tpu.dma_semaphore, #tpu.memory_space<semaphore_mem>>)
      %dma_wait3A = arith.constant 0 : i32
      %dma_wait3A_14 = tpu.memref_slice %arg10[%mul3A_0, %dma_wait3A] : memref<10240x128xf32, #tpu.memory_space<vmem_shared>> -> memref<640x128xf32, #tpu.memory_space<vmem_shared>>
      tpu.wait_dma2 semaphore(%run_scoped3A : memref<!tpu.dma_semaphore, #tpu.memory_space<semaphore_mem>>) src(%arg5 : memref<640x128xf32, #tpu.memory_space<hbm>>) dst(%dma_wait3A_14 : memref<640x128xf32, #tpu.memory_space<vmem_shared>>)
      tpu.yield
    }) : () -> ()
    %barrier3A = arith.constant 0 : index
    tpu.barrier barrier_id(%barrier3A)
    %mul3A_1 = arith.constant 2 : i32
    %mul3A_2 = arith.muli %arg1, %mul3A_1 : i32
    %add3A = arith.addi %mul3A_2, %arg0 : i32
    %scan3A = arith.constant 0 : i32
    %scan3A_3 = arith.constant 0 : i32
    %scan3A_4 = arith.constant 3 : i32
    %scan3A_5 = arith.addi %scan3A_3, %scan3A_4 : i32
    %scan3A_6 = arith.constant 1 : i32
    scf.for %scan3A_13 = %scan3A_3 to %scan3A_5 step %scan3A_6  : i32 {
      %add3A_14 = arith.constant 0 : i32
      %add3A_15 = arith.addi %add3A_14, %scan3A_13 : i32
      "tpu.region"() ({
        %run_scoped3A = tpu.sem_alloc : memref<!tpu.dma_semaphore, #tpu.memory_space<semaphore_mem>>
        %dma_start3A_60 = arith.constant 0 : i32
        %dma_start3A_61 = arith.constant 0 : i32
        %dma_start3A_62 = tpu.memref_slice %arg3[%add3A, %add3A_15, %dma_start3A_60, %dma_start3A_61] : memref<32x3x28x128xi32, #tpu.memory_space<hbm>> -> memref<1x1x28x128xi32, #tpu.memory_space<hbm>>
        %dma_start3A_63 = tpu.memref_squeeze %dma_start3A_62 : memref<1x1x28x128xi32, #tpu.memory_space<hbm>> -> memref<28x128xi32, #tpu.memory_space<hbm>>
        %dma_start3A_64 = arith.constant 0 : i32
        %dma_start3A_65 = arith.constant 0 : i32
        %dma_start3A_66 = tpu.memref_slice %arg3[%add3A, %add3A_15, %dma_start3A_64, %dma_start3A_65] : memref<32x3x28x128xi32, #tpu.memory_space<hbm>> -> memref<1x1x28x128xi32, #tpu.memory_space<hbm>>
        %dma_start3A_67 = tpu.memref_squeeze %dma_start3A_66 : memref<1x1x28x128xi32, #tpu.memory_space<hbm>> -> memref<28x128xi32, #tpu.memory_space<hbm>>
        tpu.enqueue_dma source(%dma_start3A_67 : memref<28x128xi32, #tpu.memory_space<hbm>>) target(%arg7 : memref<28x128xi32, #tpu.memory_space<vmem>>) target_semaphore(%run_scoped3A : memref<!tpu.dma_semaphore, #tpu.memory_space<semaphore_mem>>)
        %dma_wait3A_68 = arith.constant 0 : i32
        %dma_wait3A_69 = arith.constant 0 : i32
        %dma_wait3A_70 = tpu.memref_slice %arg3[%add3A, %add3A_15, %dma_wait3A_68, %dma_wait3A_69] : memref<32x3x28x128xi32, #tpu.memory_space<hbm>> -> memref<1x1x28x128xi32, #tpu.memory_space<hbm>>
        %dma_wait3A_71 = tpu.memref_squeeze %dma_wait3A_70 : memref<1x1x28x128xi32, #tpu.memory_space<hbm>> -> memref<28x128xi32, #tpu.memory_space<hbm>>
        %dma_wait3A_72 = arith.constant 0 : i32
        %dma_wait3A_73 = arith.constant 0 : i32
        %dma_wait3A_74 = tpu.memref_slice %arg3[%add3A, %add3A_15, %dma_wait3A_72, %dma_wait3A_73] : memref<32x3x28x128xi32, #tpu.memory_space<hbm>> -> memref<1x1x28x128xi32, #tpu.memory_space<hbm>>
        %dma_wait3A_75 = tpu.memref_squeeze %dma_wait3A_74 : memref<1x1x28x128xi32, #tpu.memory_space<hbm>> -> memref<28x128xi32, #tpu.memory_space<hbm>>
        tpu.wait_dma2 semaphore(%run_scoped3A : memref<!tpu.dma_semaphore, #tpu.memory_space<semaphore_mem>>) src(%dma_wait3A_75 : memref<28x128xi32, #tpu.memory_space<hbm>>) dst(%arg7 : memref<28x128xi32, #tpu.memory_space<vmem>>)
        tpu.yield
      }) : () -> ()
      %add3A_16 = arith.constant 0 : i32
      %add3A_17 = arith.addi %add3A_16, %scan3A_13 : i32
      "tpu.region"() ({
        %run_scoped3A = tpu.sem_alloc : memref<!tpu.dma_semaphore, #tpu.memory_space<semaphore_mem>>
        %dma_start3A_60 = arith.constant 0 : i32
        %dma_start3A_61 = arith.constant 0 : i32
        %dma_start3A_62 = tpu.memref_slice %arg4[%add3A, %add3A_17, %dma_start3A_60, %dma_start3A_61] : memref<32x3x28x128xi32, #tpu.memory_space<hbm>> -> memref<1x1x28x128xi32, #tpu.memory_space<hbm>>
        %dma_start3A_63 = tpu.memref_squeeze %dma_start3A_62 : memref<1x1x28x128xi32, #tpu.memory_space<hbm>> -> memref<28x128xi32, #tpu.memory_space<hbm>>
        %dma_start3A_64 = arith.constant 0 : i32
        %dma_start3A_65 = arith.constant 0 : i32
        %dma_start3A_66 = tpu.memref_slice %arg4[%add3A, %add3A_17, %dma_start3A_64, %dma_start3A_65] : memref<32x3x28x128xi32, #tpu.memory_space<hbm>> -> memref<1x1x28x128xi32, #tpu.memory_space<hbm>>
        %dma_start3A_67 = tpu.memref_squeeze %dma_start3A_66 : memref<1x1x28x128xi32, #tpu.memory_space<hbm>> -> memref<28x128xi32, #tpu.memory_space<hbm>>
        tpu.enqueue_dma source(%dma_start3A_67 : memref<28x128xi32, #tpu.memory_space<hbm>>) target(%arg8 : memref<28x128xi32, #tpu.memory_space<vmem>>) target_semaphore(%run_scoped3A : memref<!tpu.dma_semaphore, #tpu.memory_space<semaphore_mem>>)
        %dma_wait3A_68 = arith.constant 0 : i32
        %dma_wait3A_69 = arith.constant 0 : i32
        %dma_wait3A_70 = tpu.memref_slice %arg4[%add3A, %add3A_17, %dma_wait3A_68, %dma_wait3A_69] : memref<32x3x28x128xi32, #tpu.memory_space<hbm>> -> memref<1x1x28x128xi32, #tpu.memory_space<hbm>>
        %dma_wait3A_71 = tpu.memref_squeeze %dma_wait3A_70 : memref<1x1x28x128xi32, #tpu.memory_space<hbm>> -> memref<28x128xi32, #tpu.memory_space<hbm>>
        %dma_wait3A_72 = arith.constant 0 : i32
        %dma_wait3A_73 = arith.constant 0 : i32
        %dma_wait3A_74 = tpu.memref_slice %arg4[%add3A, %add3A_17, %dma_wait3A_72, %dma_wait3A_73] : memref<32x3x28x128xi32, #tpu.memory_space<hbm>> -> memref<1x1x28x128xi32, #tpu.memory_space<hbm>>
        %dma_wait3A_75 = tpu.memref_squeeze %dma_wait3A_74 : memref<1x1x28x128xi32, #tpu.memory_space<hbm>> -> memref<28x128xi32, #tpu.memory_space<hbm>>
        tpu.wait_dma2 semaphore(%run_scoped3A : memref<!tpu.dma_semaphore, #tpu.memory_space<semaphore_mem>>) src(%dma_wait3A_75 : memref<28x128xi32, #tpu.memory_space<hbm>>) dst(%arg8 : memref<28x128xi32, #tpu.memory_space<vmem>>)
        tpu.yield
      }) : () -> ()
      %dma_start3A = arith.constant 0 : i32
      %dma_start3A_18 = arith.constant 0 : i32
      %dma_start3A_19 = arith.constant 0 : i32
      %dma_start3A_20 = arith.constant 0 : i32
      %dma_start3A_21 = tpu.memref_slice %arg9[%dma_start3A_18, %dma_start3A_19, %dma_start3A_20] : memref<2x128x128xf32, #tpu.memory_space<vmem>> -> memref<1x64x128xf32, #tpu.memory_space<vmem>>
      %dma_start3A_22 = tpu.memref_squeeze %dma_start3A_21 : memref<1x64x128xf32, #tpu.memory_space<vmem>> -> memref<64x128xf32, #tpu.memory_space<vmem>>
      %dma_start3A_23 = arith.constant 0 : i32
      %dma_start3A_24 = tpu.memref_slice %arg7[%dma_start3A, %dma_start3A_23] : memref<28x128xi32, #tpu.memory_space<vmem>> -> memref<1x64xi32, #tpu.memory_space<vmem>>
      %dma_start3A_25 = tpu.memref_squeeze %dma_start3A_24 : memref<1x64xi32, #tpu.memory_space<vmem>> -> memref<64xi32, #tpu.memory_space<vmem>>
      %dma_start3A_26 = arith.constant 0 : i32
      %dma_start3A_27 = arith.constant 0 : i32
      %dma_start3A_28 = tpu.memref_slice %arg2[%dma_start3A_26, %dma_start3A_27] : memref<10240x128xf32, #tpu.memory_space<hbm>> -> memref<10240x128xf32, #tpu.memory_space<hbm>>
      tpu.enqueue_indirect_dma source(%dma_start3A_28 : memref<10240x128xf32, #tpu.memory_space<hbm>>) target(%dma_start3A_22 : memref<64x128xf32, #tpu.memory_space<vmem>>) offsets(%dma_start3A_25 : memref<64xi32, #tpu.memory_space<vmem>>) semaphore(%arg11 : memref<!tpu.dma_semaphore, #tpu.memory_space<semaphore_mem>>)
      %dma_start3A_29 = arith.constant 0 : i32
      %dma_start3A_30 = arith.constant 0 : i32
      %dma_start3A_31 = arith.constant 64 : i32
      %dma_start3A_32 = arith.constant 0 : i32
      %dma_start3A_33 = tpu.memref_slice %arg9[%dma_start3A_30, %dma_start3A_31, %dma_start3A_32] : memref<2x128x128xf32, #tpu.memory_space<vmem>> -> memref<1x64x128xf32, #tpu.memory_space<vmem>>
      %dma_start3A_34 = tpu.memref_squeeze %dma_start3A_33 : memref<1x64x128xf32, #tpu.memory_space<vmem>> -> memref<64x128xf32, #tpu.memory_space<vmem>>
      %dma_start3A_35 = arith.constant 64 : i32
      %dma_start3A_36 = tpu.memref_slice %arg7[%dma_start3A_29, %dma_start3A_35] : memref<28x128xi32, #tpu.memory_space<vmem>> -> memref<1x64xi32, #tpu.memory_space<vmem>>
      %dma_start3A_37 = tpu.memref_squeeze %dma_start3A_36 : memref<1x64xi32, #tpu.memory_space<vmem>> -> memref<64xi32, #tpu.memory_space<vmem>>
      %dma_start3A_38 = arith.constant 0 : i32
      %dma_start3A_39 = arith.constant 0 : i32
      %dma_start3A_40 = tpu.memref_slice %arg2[%dma_start3A_38, %dma_start3A_39] : memref<10240x128xf32, #tpu.memory_space<hbm>> -> memref<10240x128xf32, #tpu.memory_space<hbm>>
      tpu.enqueue_indirect_dma source(%dma_start3A_40 : memref<10240x128xf32, #tpu.memory_space<hbm>>) target(%dma_start3A_34 : memref<64x128xf32, #tpu.memory_space<vmem>>) offsets(%dma_start3A_37 : memref<64xi32, #tpu.memory_space<vmem>>) semaphore(%arg11 : memref<!tpu.dma_semaphore, #tpu.memory_space<semaphore_mem>>)
      %scan3A_41 = arith.constant 0 : i32
      %scan3A_42 = arith.constant 28 : i32
      %scan3A_43 = arith.addi %scan3A_41, %scan3A_42 : i32
      %scan3A_44 = arith.constant 1 : i32
      scf.for %scan3A_60 = %scan3A_41 to %scan3A_43 step %scan3A_44  : i32 {
        %jit3A = arith.constant 2 : i32
        %eq3A = arith.constant 0 : i32
        %eq3A_61 = arith.cmpi eq, %jit3A, %eq3A : i32
        %jit3A_62 = arith.constant 1 : i32
        %select_n3A = arith.select %eq3A_61, %jit3A_62, %jit3A : i32
        %rem3A = arith.remsi %scan3A_60, %select_n3A : i32
        %ne3A = arith.constant 0 : i32
        %ne3A_63 = arith.cmpi ne, %rem3A, %ne3A : i32
        %lt3A = arith.constant 0 : i32
        %lt3A_64 = arith.cmpi slt, %rem3A, %lt3A : i32
        %lt3A_65 = arith.constant 0 : i32
        %lt3A_66 = arith.cmpi slt, %select_n3A, %lt3A_65 : i32
        %ne3A_67 = arith.xori %lt3A_64, %lt3A_66 : i1
        %and3A = arith.andi %ne3A_67, %ne3A_63 : i1
        %add3A_68 = arith.addi %rem3A, %select_n3A : i32
        %select_n3A_69 = arith.select %and3A, %add3A_68, %rem3A : i32
        %dma_wait3A_70 = arith.constant 0 : i32
        %dma_wait3A_71 = arith.constant 0 : i32
        %dma_wait3A_72 = tpu.memref_slice %arg9[%select_n3A_69, %dma_wait3A_70, %dma_wait3A_71] : memref<2x128x128xf32, #tpu.memory_space<vmem>> -> memref<1x64x128xf32, #tpu.memory_space<vmem>>
        %dma_wait3A_73 = tpu.memref_squeeze %dma_wait3A_72 : memref<1x64x128xf32, #tpu.memory_space<vmem>> -> memref<64x128xf32, #tpu.memory_space<vmem>>
        %dma_wait3A_74 = arith.constant 0 : i32
        %dma_wait3A_75 = arith.constant 0 : i32
        %dma_wait3A_76 = tpu.memref_slice %arg2[%dma_wait3A_74, %dma_wait3A_75] : memref<10240x128xf32, #tpu.memory_space<hbm>> -> memref<64x128xf32, #tpu.memory_space<hbm>>
        %dma_wait3A_77 = arith.constant 0 : i32
        %dma_wait3A_78 = arith.constant 0 : i32
        %dma_wait3A_79 = tpu.memref_slice %arg9[%select_n3A_69, %dma_wait3A_77, %dma_wait3A_78] : memref<2x128x128xf32, #tpu.memory_space<vmem>> -> memref<1x64x128xf32, #tpu.memory_space<vmem>>
        %dma_wait3A_80 = tpu.memref_squeeze %dma_wait3A_79 : memref<1x64x128xf32, #tpu.memory_space<vmem>> -> memref<64x128xf32, #tpu.memory_space<vmem>>
        %dma_wait3A_81 = arith.constant 0 : i32
        %dma_wait3A_82 = arith.constant 0 : i32
        %dma_wait3A_83 = tpu.memref_slice %arg2[%dma_wait3A_81, %dma_wait3A_82] : memref<10240x128xf32, #tpu.memory_space<hbm>> -> memref<64x128xf32, #tpu.memory_space<hbm>>
        tpu.wait_dma2 semaphore(%arg11 : memref<!tpu.dma_semaphore, #tpu.memory_space<semaphore_mem>>) src(%dma_wait3A_83 : memref<64x128xf32, #tpu.memory_space<hbm>>) dst(%dma_wait3A_80 : memref<64x128xf32, #tpu.memory_space<vmem>>)
        %dma_wait3A_84 = arith.constant 64 : i32
        %dma_wait3A_85 = arith.constant 0 : i32
        %dma_wait3A_86 = tpu.memref_slice %arg9[%select_n3A_69, %dma_wait3A_84, %dma_wait3A_85] : memref<2x128x128xf32, #tpu.memory_space<vmem>> -> memref<1x64x128xf32, #tpu.memory_space<vmem>>
        %dma_wait3A_87 = tpu.memref_squeeze %dma_wait3A_86 : memref<1x64x128xf32, #tpu.memory_space<vmem>> -> memref<64x128xf32, #tpu.memory_space<vmem>>
        %dma_wait3A_88 = arith.constant 0 : i32
        %dma_wait3A_89 = arith.constant 0 : i32
        %dma_wait3A_90 = tpu.memref_slice %arg2[%dma_wait3A_88, %dma_wait3A_89] : memref<10240x128xf32, #tpu.memory_space<hbm>> -> memref<64x128xf32, #tpu.memory_space<hbm>>
        %dma_wait3A_91 = arith.constant 64 : i32
        %dma_wait3A_92 = arith.constant 0 : i32
        %dma_wait3A_93 = tpu.memref_slice %arg9[%select_n3A_69, %dma_wait3A_91, %dma_wait3A_92] : memref<2x128x128xf32, #tpu.memory_space<vmem>> -> memref<1x64x128xf32, #tpu.memory_space<vmem>>
        %dma_wait3A_94 = tpu.memref_squeeze %dma_wait3A_93 : memref<1x64x128xf32, #tpu.memory_space<vmem>> -> memref<64x128xf32, #tpu.memory_space<vmem>>
        %dma_wait3A_95 = arith.constant 0 : i32
        %dma_wait3A_96 = arith.constant 0 : i32
        %dma_wait3A_97 = tpu.memref_slice %arg2[%dma_wait3A_95, %dma_wait3A_96] : memref<10240x128xf32, #tpu.memory_space<hbm>> -> memref<64x128xf32, #tpu.memory_space<hbm>>
        tpu.wait_dma2 semaphore(%arg11 : memref<!tpu.dma_semaphore, #tpu.memory_space<semaphore_mem>>) src(%dma_wait3A_97 : memref<64x128xf32, #tpu.memory_space<hbm>>) dst(%dma_wait3A_94 : memref<64x128xf32, #tpu.memory_space<vmem>>)
        %ge3A = arith.constant 1 : i32
        %ge3A_98 = arith.cmpi sge, %scan3A_60, %ge3A : i32
        %convert_element_type3A = arith.extui %ge3A_98 : i1 to i32
        %cond3A = arith.constant 0 : i32
        %cond3A_99 = arith.cmpi ne, %convert_element_type3A, %cond3A : i32
        scf.if %cond3A_99 {
          %add3A_133 = arith.constant 1 : i32
          %add3A_134 = arith.addi %scan3A_60, %add3A_133 : i32
          %jit3A_135 = arith.constant 2 : i32
          %eq3A_136 = arith.constant 0 : i32
          %eq3A_137 = arith.cmpi eq, %jit3A_135, %eq3A_136 : i32
          %jit3A_138 = arith.constant 1 : i32
          %select_n3A_139 = arith.select %eq3A_137, %jit3A_138, %jit3A_135 : i32
          %rem3A_140 = arith.remsi %add3A_134, %select_n3A_139 : i32
          %ne3A_141 = arith.constant 0 : i32
          %ne3A_142 = arith.cmpi ne, %rem3A_140, %ne3A_141 : i32
          %lt3A_143 = arith.constant 0 : i32
          %lt3A_144 = arith.cmpi slt, %rem3A_140, %lt3A_143 : i32
          %lt3A_145 = arith.constant 0 : i32
          %lt3A_146 = arith.cmpi slt, %select_n3A_139, %lt3A_145 : i32
          %ne3A_147 = arith.xori %lt3A_144, %lt3A_146 : i1
          %and3A_148 = arith.andi %ne3A_147, %ne3A_142 : i1
          %add3A_149 = arith.addi %rem3A_140, %select_n3A_139 : i32
          %select_n3A_150 = arith.select %and3A_148, %add3A_149, %rem3A_140 : i32
          %dma_wait3A_151 = arith.constant 0 : i32
          %dma_wait3A_152 = arith.constant 0 : i32
          %dma_wait3A_153 = tpu.memref_slice %arg9[%select_n3A_150, %dma_wait3A_151, %dma_wait3A_152] : memref<2x128x128xf32, #tpu.memory_space<vmem>> -> memref<1x128x128xf32, #tpu.memory_space<vmem>>
          %dma_wait3A_154 = tpu.memref_squeeze %dma_wait3A_153 : memref<1x128x128xf32, #tpu.memory_space<vmem>> -> memref<128x128xf32, #tpu.memory_space<vmem>>
          %dma_wait3A_155 = arith.constant 0 : i32
          %dma_wait3A_156 = arith.constant 0 : i32
          %dma_wait3A_157 = tpu.memref_slice %arg2[%dma_wait3A_155, %dma_wait3A_156] : memref<10240x128xf32, #tpu.memory_space<hbm>> -> memref<128x128xf32, #tpu.memory_space<hbm>>
          %dma_wait3A_158 = arith.constant 0 : i32
          %dma_wait3A_159 = arith.constant 0 : i32
          %dma_wait3A_160 = tpu.memref_slice %arg9[%select_n3A_150, %dma_wait3A_158, %dma_wait3A_159] : memref<2x128x128xf32, #tpu.memory_space<vmem>> -> memref<1x128x128xf32, #tpu.memory_space<vmem>>
          %dma_wait3A_161 = tpu.memref_squeeze %dma_wait3A_160 : memref<1x128x128xf32, #tpu.memory_space<vmem>> -> memref<128x128xf32, #tpu.memory_space<vmem>>
          %dma_wait3A_162 = arith.constant 0 : i32
          %dma_wait3A_163 = arith.constant 0 : i32
          %dma_wait3A_164 = tpu.memref_slice %arg2[%dma_wait3A_162, %dma_wait3A_163] : memref<10240x128xf32, #tpu.memory_space<hbm>> -> memref<128x128xf32, #tpu.memory_space<hbm>>
          tpu.wait_dma2 semaphore(%arg12 : memref<!tpu.dma_semaphore, #tpu.memory_space<semaphore_mem>>) src(%dma_wait3A_164 : memref<128x128xf32, #tpu.memory_space<hbm>>) dst(%dma_wait3A_161 : memref<128x128xf32, #tpu.memory_space<vmem>>)
        } else {
        }
        %add3A_100 = arith.constant 1 : i32
        %add3A_101 = arith.addi %scan3A_60, %add3A_100 : i32
        %lt3A_102 = arith.constant 28 : i32
        %lt3A_103 = arith.cmpi slt, %add3A_101, %lt3A_102 : i32
        %convert_element_type3A_104 = arith.extui %lt3A_103 : i1 to i32
        %cond3A_105 = arith.constant 0 : i32
        %cond3A_106 = arith.cmpi ne, %convert_element_type3A_104, %cond3A_105 : i32
        scf.if %cond3A_106 {
          %add3A_133 = arith.constant 1 : i32
          %add3A_134 = arith.addi %scan3A_60, %add3A_133 : i32
          %add3A_135 = arith.constant 1 : i32
          %add3A_136 = arith.addi %scan3A_60, %add3A_135 : i32
          %jit3A_137 = arith.constant 2 : i32
          %eq3A_138 = arith.constant 0 : i32
          %eq3A_139 = arith.cmpi eq, %jit3A_137, %eq3A_138 : i32
          %jit3A_140 = arith.constant 1 : i32
          %select_n3A_141 = arith.select %eq3A_139, %jit3A_140, %jit3A_137 : i32
          %rem3A_142 = arith.remsi %add3A_136, %select_n3A_141 : i32
          %ne3A_143 = arith.constant 0 : i32
          %ne3A_144 = arith.cmpi ne, %rem3A_142, %ne3A_143 : i32
          %lt3A_145 = arith.constant 0 : i32
          %lt3A_146 = arith.cmpi slt, %rem3A_142, %lt3A_145 : i32
          %lt3A_147 = arith.constant 0 : i32
          %lt3A_148 = arith.cmpi slt, %select_n3A_141, %lt3A_147 : i32
          %ne3A_149 = arith.xori %lt3A_146, %lt3A_148 : i1
          %and3A_150 = arith.andi %ne3A_149, %ne3A_144 : i1
          %add3A_151 = arith.addi %rem3A_142, %select_n3A_141 : i32
          %select_n3A_152 = arith.select %and3A_150, %add3A_151, %rem3A_142 : i32
          %dma_start3A_153 = arith.constant 0 : i32
          %dma_start3A_154 = arith.constant 0 : i32
          %dma_start3A_155 = tpu.memref_slice %arg9[%select_n3A_152, %dma_start3A_153, %dma_start3A_154] : memref<2x128x128xf32, #tpu.memory_space<vmem>> -> memref<1x64x128xf32, #tpu.memory_space<vmem>>
          %dma_start3A_156 = tpu.memref_squeeze %dma_start3A_155 : memref<1x64x128xf32, #tpu.memory_space<vmem>> -> memref<64x128xf32, #tpu.memory_space<vmem>>
          %dma_start3A_157 = arith.constant 0 : i32
          %dma_start3A_158 = tpu.memref_slice %arg7[%add3A_134, %dma_start3A_157] : memref<28x128xi32, #tpu.memory_space<vmem>> -> memref<1x64xi32, #tpu.memory_space<vmem>>
          %dma_start3A_159 = tpu.memref_squeeze %dma_start3A_158 : memref<1x64xi32, #tpu.memory_space<vmem>> -> memref<64xi32, #tpu.memory_space<vmem>>
          %dma_start3A_160 = arith.constant 0 : i32
          %dma_start3A_161 = arith.constant 0 : i32
          %dma_start3A_162 = tpu.memref_slice %arg2[%dma_start3A_160, %dma_start3A_161] : memref<10240x128xf32, #tpu.memory_space<hbm>> -> memref<10240x128xf32, #tpu.memory_space<hbm>>
          tpu.enqueue_indirect_dma source(%dma_start3A_162 : memref<10240x128xf32, #tpu.memory_space<hbm>>) target(%dma_start3A_156 : memref<64x128xf32, #tpu.memory_space<vmem>>) offsets(%dma_start3A_159 : memref<64xi32, #tpu.memory_space<vmem>>) semaphore(%arg11 : memref<!tpu.dma_semaphore, #tpu.memory_space<semaphore_mem>>)
          %dma_start3A_163 = arith.constant 64 : i32
          %dma_start3A_164 = arith.constant 0 : i32
          %dma_start3A_165 = tpu.memref_slice %arg9[%select_n3A_152, %dma_start3A_163, %dma_start3A_164] : memref<2x128x128xf32, #tpu.memory_space<vmem>> -> memref<1x64x128xf32, #tpu.memory_space<vmem>>
          %dma_start3A_166 = tpu.memref_squeeze %dma_start3A_165 : memref<1x64x128xf32, #tpu.memory_space<vmem>> -> memref<64x128xf32, #tpu.memory_space<vmem>>
          %dma_start3A_167 = arith.constant 64 : i32
          %dma_start3A_168 = tpu.memref_slice %arg7[%add3A_134, %dma_start3A_167] : memref<28x128xi32, #tpu.memory_space<vmem>> -> memref<1x64xi32, #tpu.memory_space<vmem>>
          %dma_start3A_169 = tpu.memref_squeeze %dma_start3A_168 : memref<1x64xi32, #tpu.memory_space<vmem>> -> memref<64xi32, #tpu.memory_space<vmem>>
          %dma_start3A_170 = arith.constant 0 : i32
          %dma_start3A_171 = arith.constant 0 : i32
          %dma_start3A_172 = tpu.memref_slice %arg2[%dma_start3A_170, %dma_start3A_171] : memref<10240x128xf32, #tpu.memory_space<hbm>> -> memref<10240x128xf32, #tpu.memory_space<hbm>>
          tpu.enqueue_indirect_dma source(%dma_start3A_172 : memref<10240x128xf32, #tpu.memory_space<hbm>>) target(%dma_start3A_166 : memref<64x128xf32, #tpu.memory_space<vmem>>) offsets(%dma_start3A_169 : memref<64xi32, #tpu.memory_space<vmem>>) semaphore(%arg11 : memref<!tpu.dma_semaphore, #tpu.memory_space<semaphore_mem>>)
        } else {
        }
        %jit3A_107 = arith.constant 2 : i32
        %eq3A_108 = arith.constant 0 : i32
        %eq3A_109 = arith.cmpi eq, %jit3A_107, %eq3A_108 : i32
        %jit3A_110 = arith.constant 1 : i32
        %select_n3A_111 = arith.select %eq3A_109, %jit3A_110, %jit3A_107 : i32
        %rem3A_112 = arith.remsi %scan3A_60, %select_n3A_111 : i32
        %ne3A_113 = arith.constant 0 : i32
        %ne3A_114 = arith.cmpi ne, %rem3A_112, %ne3A_113 : i32
        %lt3A_115 = arith.constant 0 : i32
        %lt3A_116 = arith.cmpi slt, %rem3A_112, %lt3A_115 : i32
        %lt3A_117 = arith.constant 0 : i32
        %lt3A_118 = arith.cmpi slt, %select_n3A_111, %lt3A_117 : i32
        %ne3A_119 = arith.xori %lt3A_116, %lt3A_118 : i1
        %and3A_120 = arith.andi %ne3A_119, %ne3A_114 : i1
        %add3A_121 = arith.addi %rem3A_112, %select_n3A_111 : i32
        %select_n3A_122 = arith.select %and3A_120, %add3A_121, %rem3A_112 : i32
        %dma_start3A_123 = arith.constant 0 : i32
        %dma_start3A_124 = arith.constant 0 : i32
        %dma_start3A_125 = tpu.memref_slice %arg9[%select_n3A_122, %dma_start3A_123, %dma_start3A_124] : memref<2x128x128xf32, #tpu.memory_space<vmem>> -> memref<1x128x128xf32, #tpu.memory_space<vmem>>
        %dma_start3A_126 = tpu.memref_squeeze %dma_start3A_125 : memref<1x128x128xf32, #tpu.memory_space<vmem>> -> memref<128x128xf32, #tpu.memory_space<vmem>>
        %dma_start3A_127 = arith.constant 0 : i32
        %dma_start3A_128 = tpu.memref_slice %arg8[%scan3A_60, %dma_start3A_127] : memref<28x128xi32, #tpu.memory_space<vmem>> -> memref<1x128xi32, #tpu.memory_space<vmem>>
        %dma_start3A_129 = tpu.memref_squeeze %dma_start3A_128 : memref<1x128xi32, #tpu.memory_space<vmem>> -> memref<128xi32, #tpu.memory_space<vmem>>
        %dma_start3A_130 = arith.constant 0 : i32
        %dma_start3A_131 = arith.constant 0 : i32
        %dma_start3A_132 = tpu.memref_slice %arg10[%dma_start3A_130, %dma_start3A_131] : memref<10240x128xf32, #tpu.memory_space<vmem_shared>> -> memref<10240x128xf32, #tpu.memory_space<vmem_shared>>
        tpu.enqueue_indirect_dma source(%dma_start3A_126 : memref<128x128xf32, #tpu.memory_space<vmem>>) target(%dma_start3A_132 : memref<10240x128xf32, #tpu.memory_space<vmem_shared>>) offsets(%dma_start3A_129 : memref<128xi32, #tpu.memory_space<vmem>>) semaphore(%arg12 : memref<!tpu.dma_semaphore, #tpu.memory_space<semaphore_mem>>) {add = true}
      }
      %scan3A_45 = arith.constant 28 : i32
      %dma_wait3A = arith.constant 0 : i32
      %dma_wait3A_46 = arith.constant 0 : i32
      %dma_wait3A_47 = arith.constant 0 : i32
      %dma_wait3A_48 = tpu.memref_slice %arg9[%dma_wait3A, %dma_wait3A_46, %dma_wait3A_47] : memref<2x128x128xf32, #tpu.memory_space<vmem>> -> memref<1x128x128xf32, #tpu.memory_space<vmem>>
      %dma_wait3A_49 = tpu.memref_squeeze %dma_wait3A_48 : memref<1x128x128xf32, #tpu.memory_space<vmem>> -> memref<128x128xf32, #tpu.memory_space<vmem>>
      %dma_wait3A_50 = arith.constant 0 : i32
      %dma_wait3A_51 = arith.constant 0 : i32
      %dma_wait3A_52 = tpu.memref_slice %arg2[%dma_wait3A_50, %dma_wait3A_51] : memref<10240x128xf32, #tpu.memory_space<hbm>> -> memref<128x128xf32, #tpu.memory_space<hbm>>
      %dma_wait3A_53 = arith.constant 0 : i32
      %dma_wait3A_54 = arith.constant 0 : i32
      %dma_wait3A_55 = tpu.memref_slice %arg9[%dma_wait3A, %dma_wait3A_53, %dma_wait3A_54] : memref<2x128x128xf32, #tpu.memory_space<vmem>> -> memref<1x128x128xf32, #tpu.memory_space<vmem>>
      %dma_wait3A_56 = tpu.memref_squeeze %dma_wait3A_55 : memref<1x128x128xf32, #tpu.memory_space<vmem>> -> memref<128x128xf32, #tpu.memory_space<vmem>>
      %dma_wait3A_57 = arith.constant 0 : i32
      %dma_wait3A_58 = arith.constant 0 : i32
      %dma_wait3A_59 = tpu.memref_slice %arg2[%dma_wait3A_57, %dma_wait3A_58] : memref<10240x128xf32, #tpu.memory_space<hbm>> -> memref<128x128xf32, #tpu.memory_space<hbm>>
      tpu.wait_dma2 semaphore(%arg12 : memref<!tpu.dma_semaphore, #tpu.memory_space<semaphore_mem>>) src(%dma_wait3A_59 : memref<128x128xf32, #tpu.memory_space<hbm>>) dst(%dma_wait3A_56 : memref<128x128xf32, #tpu.memory_space<vmem>>)
    }
    %scan3A_7 = arith.constant 3 : i32
    %barrier3A_8 = arith.constant 0 : index
    tpu.barrier barrier_id(%barrier3A_8)
    %mul3A_9 = arith.constant 640 : i32
    %mul3A_10 = arith.muli %arg1, %mul3A_9 : i32
    %mul3A_11 = arith.constant 640 : i32
    %mul3A_12 = arith.muli %arg1, %mul3A_11 : i32
    "tpu.region"() ({
      %run_scoped3A = tpu.sem_alloc : memref<!tpu.dma_semaphore, #tpu.memory_space<semaphore_mem>>
      %dma_start3A = arith.constant 0 : i32
      %dma_start3A_13 = tpu.memref_slice %arg6[%arg0, %mul3A_12, %dma_start3A] : memref<2x10240x128xf32, #tpu.memory_space<hbm>> -> memref<1x640x128xf32, #tpu.memory_space<hbm>>
      %dma_start3A_14 = tpu.memref_squeeze %dma_start3A_13 : memref<1x640x128xf32, #tpu.memory_space<hbm>> -> memref<640x128xf32, #tpu.memory_space<hbm>>
      %dma_start3A_15 = arith.constant 0 : i32
      %dma_start3A_16 = tpu.memref_slice %arg10[%mul3A_10, %dma_start3A_15] : memref<10240x128xf32, #tpu.memory_space<vmem_shared>> -> memref<640x128xf32, #tpu.memory_space<vmem_shared>>
      tpu.enqueue_dma source(%dma_start3A_16 : memref<640x128xf32, #tpu.memory_space<vmem_shared>>) target(%dma_start3A_14 : memref<640x128xf32, #tpu.memory_space<hbm>>) target_semaphore(%run_scoped3A : memref<!tpu.dma_semaphore, #tpu.memory_space<semaphore_mem>>)
      %dma_wait3A = arith.constant 0 : i32
      %dma_wait3A_17 = tpu.memref_slice %arg6[%arg0, %mul3A_12, %dma_wait3A] : memref<2x10240x128xf32, #tpu.memory_space<hbm>> -> memref<1x640x128xf32, #tpu.memory_space<hbm>>
      %dma_wait3A_18 = tpu.memref_squeeze %dma_wait3A_17 : memref<1x640x128xf32, #tpu.memory_space<hbm>> -> memref<640x128xf32, #tpu.memory_space<hbm>>
      %dma_wait3A_19 = arith.constant 0 : i32
      %dma_wait3A_20 = tpu.memref_slice %arg10[%mul3A_10, %dma_wait3A_19] : memref<10240x128xf32, #tpu.memory_space<vmem_shared>> -> memref<640x128xf32, #tpu.memory_space<vmem_shared>>
      tpu.wait_dma2 semaphore(%run_scoped3A : memref<!tpu.dma_semaphore, #tpu.memory_space<semaphore_mem>>) src(%dma_wait3A_20 : memref<640x128xf32, #tpu.memory_space<vmem_shared>>) dst(%dma_wait3A_18 : memref<640x128xf32, #tpu.memory_space<hbm>>)
      tpu.yield
    }) : () -> ()
    return
  }
}

#map = affine_map<(d0, d1) -> (0, 0)>
#map1 = affine_map<(d0, d1) -> (0, 0, 0, 0)>
#map2 = affine_map<(d0, d1) -> (0, 0, 0)>
module attributes {stable_mosaic.version = 14 : i64} {
  func.func @sc_degree(%arg0: i32, %arg1: i32, %arg2: memref<128x128xf32, #tpu.memory_space<hbm>>, %arg3: memref<32x3x27x128xi32, #tpu.memory_space<hbm>>, %arg4: memref<640x128xf32, #tpu.memory_space<hbm>>, %arg5: memref<2x10240x128xf32, #tpu.memory_space<hbm>>, %arg6: memref<27x128xi32, #tpu.memory_space<vmem>>, %arg7: memref<128x128xf32, #tpu.memory_space<vmem>>, %arg8: memref<10240x128xf32, #tpu.memory_space<vmem_shared>>, %arg9: memref<!tpu.dma_semaphore, #tpu.memory_space<semaphore_mem>>) attributes {dimension_semantics = [#tpu.dimension_semantics<core_parallel>, #tpu.dimension_semantics<subcore_parallel>], iteration_bounds = array<i64: 2, 16>, scalar_prefetch = 0 : i64, scratch_operands = 4 : i64, tpu.core_type = #tpu.core_type<sc_vector_subcore>, window_params = [{transform_indices = #map}, {transform_indices = #map1}, {transform_indices = #map}, {transform_indices = #map2}]} {
    %mul3A = arith.constant 2 : i32
    %mul3A_0 = arith.muli %arg1, %mul3A : i32
    %add3A = arith.addi %mul3A_0, %arg0 : i32
    %mul3A_1 = arith.constant 640 : i32
    %mul3A_2 = arith.muli %arg1, %mul3A_1 : i32
    "tpu.region"() ({
      %run_scoped3A = tpu.sem_alloc : memref<!tpu.dma_semaphore, #tpu.memory_space<semaphore_mem>>
      %dma_start3A = arith.constant 0 : i32
      %dma_start3A_13 = tpu.memref_slice %arg8[%mul3A_2, %dma_start3A] : memref<10240x128xf32, #tpu.memory_space<vmem_shared>> -> memref<640x128xf32, #tpu.memory_space<vmem_shared>>
      tpu.enqueue_dma source(%arg4 : memref<640x128xf32, #tpu.memory_space<hbm>>) target(%dma_start3A_13 : memref<640x128xf32, #tpu.memory_space<vmem_shared>>) target_semaphore(%run_scoped3A : memref<!tpu.dma_semaphore, #tpu.memory_space<semaphore_mem>>)
      %dma_wait3A = arith.constant 0 : i32
      %dma_wait3A_14 = tpu.memref_slice %arg8[%mul3A_2, %dma_wait3A] : memref<10240x128xf32, #tpu.memory_space<vmem_shared>> -> memref<640x128xf32, #tpu.memory_space<vmem_shared>>
      tpu.wait_dma2 semaphore(%run_scoped3A : memref<!tpu.dma_semaphore, #tpu.memory_space<semaphore_mem>>) src(%arg4 : memref<640x128xf32, #tpu.memory_space<hbm>>) dst(%dma_wait3A_14 : memref<640x128xf32, #tpu.memory_space<vmem_shared>>)
      tpu.yield
    }) : () -> ()
    "tpu.region"() ({
      %run_scoped3A = tpu.sem_alloc : memref<!tpu.dma_semaphore, #tpu.memory_space<semaphore_mem>>
      tpu.enqueue_dma source(%arg2 : memref<128x128xf32, #tpu.memory_space<hbm>>) target(%arg7 : memref<128x128xf32, #tpu.memory_space<vmem>>) target_semaphore(%run_scoped3A : memref<!tpu.dma_semaphore, #tpu.memory_space<semaphore_mem>>)
      tpu.wait_dma2 semaphore(%run_scoped3A : memref<!tpu.dma_semaphore, #tpu.memory_space<semaphore_mem>>) src(%arg2 : memref<128x128xf32, #tpu.memory_space<hbm>>) dst(%arg7 : memref<128x128xf32, #tpu.memory_space<vmem>>)
      tpu.yield
    }) : () -> ()
    %barrier3A = arith.constant 0 : index
    tpu.barrier barrier_id(%barrier3A)
    %scan3A = arith.constant 0 : i32
    %scan3A_3 = arith.constant 0 : i32
    %scan3A_4 = arith.constant 3 : i32
    %scan3A_5 = arith.addi %scan3A_3, %scan3A_4 : i32
    %scan3A_6 = arith.constant 1 : i32
    scf.for %scan3A_13 = %scan3A_3 to %scan3A_5 step %scan3A_6  : i32 {
      "tpu.region"() ({
        %run_scoped3A = tpu.sem_alloc : memref<!tpu.dma_semaphore, #tpu.memory_space<semaphore_mem>>
        %dma_start3A = arith.constant 0 : i32
        %dma_start3A_19 = arith.constant 0 : i32
        %dma_start3A_20 = tpu.memref_slice %arg3[%add3A, %scan3A_13, %dma_start3A, %dma_start3A_19] : memref<32x3x27x128xi32, #tpu.memory_space<hbm>> -> memref<1x1x27x128xi32, #tpu.memory_space<hbm>>
        %dma_start3A_21 = tpu.memref_squeeze %dma_start3A_20 : memref<1x1x27x128xi32, #tpu.memory_space<hbm>> -> memref<27x128xi32, #tpu.memory_space<hbm>>
        %dma_start3A_22 = arith.constant 0 : i32
        %dma_start3A_23 = arith.constant 0 : i32
        %dma_start3A_24 = tpu.memref_slice %arg3[%add3A, %scan3A_13, %dma_start3A_22, %dma_start3A_23] : memref<32x3x27x128xi32, #tpu.memory_space<hbm>> -> memref<1x1x27x128xi32, #tpu.memory_space<hbm>>
        %dma_start3A_25 = tpu.memref_squeeze %dma_start3A_24 : memref<1x1x27x128xi32, #tpu.memory_space<hbm>> -> memref<27x128xi32, #tpu.memory_space<hbm>>
        tpu.enqueue_dma source(%dma_start3A_25 : memref<27x128xi32, #tpu.memory_space<hbm>>) target(%arg6 : memref<27x128xi32, #tpu.memory_space<vmem>>) target_semaphore(%run_scoped3A : memref<!tpu.dma_semaphore, #tpu.memory_space<semaphore_mem>>)
        %dma_wait3A = arith.constant 0 : i32
        %dma_wait3A_26 = arith.constant 0 : i32
        %dma_wait3A_27 = tpu.memref_slice %arg3[%add3A, %scan3A_13, %dma_wait3A, %dma_wait3A_26] : memref<32x3x27x128xi32, #tpu.memory_space<hbm>> -> memref<1x1x27x128xi32, #tpu.memory_space<hbm>>
        %dma_wait3A_28 = tpu.memref_squeeze %dma_wait3A_27 : memref<1x1x27x128xi32, #tpu.memory_space<hbm>> -> memref<27x128xi32, #tpu.memory_space<hbm>>
        %dma_wait3A_29 = arith.constant 0 : i32
        %dma_wait3A_30 = arith.constant 0 : i32
        %dma_wait3A_31 = tpu.memref_slice %arg3[%add3A, %scan3A_13, %dma_wait3A_29, %dma_wait3A_30] : memref<32x3x27x128xi32, #tpu.memory_space<hbm>> -> memref<1x1x27x128xi32, #tpu.memory_space<hbm>>
        %dma_wait3A_32 = tpu.memref_squeeze %dma_wait3A_31 : memref<1x1x27x128xi32, #tpu.memory_space<hbm>> -> memref<27x128xi32, #tpu.memory_space<hbm>>
        tpu.wait_dma2 semaphore(%run_scoped3A : memref<!tpu.dma_semaphore, #tpu.memory_space<semaphore_mem>>) src(%dma_wait3A_32 : memref<27x128xi32, #tpu.memory_space<hbm>>) dst(%arg6 : memref<27x128xi32, #tpu.memory_space<vmem>>)
        tpu.yield
      }) : () -> ()
      %scan3A_14 = arith.constant 0 : i32
      %scan3A_15 = arith.constant 27 : i32
      %scan3A_16 = arith.addi %scan3A_14, %scan3A_15 : i32
      %scan3A_17 = arith.constant 1 : i32
      scf.for %scan3A_19 = %scan3A_14 to %scan3A_16 step %scan3A_17  : i32 {
        "tpu.region"() ({
          %run_scoped3A = tpu.sem_alloc : memref<!tpu.dma_semaphore, #tpu.memory_space<semaphore_mem>>
          %dma_start3A = arith.constant 0 : i32
          %dma_start3A_20 = tpu.memref_slice %arg6[%scan3A_19, %dma_start3A] : memref<27x128xi32, #tpu.memory_space<vmem>> -> memref<1x128xi32, #tpu.memory_space<vmem>>
          %dma_start3A_21 = tpu.memref_squeeze %dma_start3A_20 : memref<1x128xi32, #tpu.memory_space<vmem>> -> memref<128xi32, #tpu.memory_space<vmem>>
          %dma_start3A_22 = arith.constant 0 : i32
          %dma_start3A_23 = arith.constant 0 : i32
          %dma_start3A_24 = tpu.memref_slice %arg8[%dma_start3A_22, %dma_start3A_23] : memref<10240x128xf32, #tpu.memory_space<vmem_shared>> -> memref<10240x128xf32, #tpu.memory_space<vmem_shared>>
          tpu.enqueue_indirect_dma source(%arg7 : memref<128x128xf32, #tpu.memory_space<vmem>>) target(%dma_start3A_24 : memref<10240x128xf32, #tpu.memory_space<vmem_shared>>) offsets(%dma_start3A_21 : memref<128xi32, #tpu.memory_space<vmem>>) semaphore(%run_scoped3A : memref<!tpu.dma_semaphore, #tpu.memory_space<semaphore_mem>>) {add = true}
          %dma_wait3A = arith.constant 0 : i32
          %dma_wait3A_25 = tpu.memref_slice %arg6[%scan3A_19, %dma_wait3A] : memref<27x128xi32, #tpu.memory_space<vmem>> -> memref<1x128xi32, #tpu.memory_space<vmem>>
          %dma_wait3A_26 = tpu.memref_squeeze %dma_wait3A_25 : memref<1x128xi32, #tpu.memory_space<vmem>> -> memref<128xi32, #tpu.memory_space<vmem>>
          %dma_wait3A_27 = arith.constant 0 : i32
          %dma_wait3A_28 = arith.constant 0 : i32
          %dma_wait3A_29 = tpu.memref_slice %arg8[%dma_wait3A_27, %dma_wait3A_28] : memref<10240x128xf32, #tpu.memory_space<vmem_shared>> -> memref<10240x128xf32, #tpu.memory_space<vmem_shared>>
          tpu.wait_indirect_dma semaphore(%run_scoped3A : memref<!tpu.dma_semaphore, #tpu.memory_space<semaphore_mem>>) src(%arg7 : memref<128x128xf32, #tpu.memory_space<vmem>>) dst(%dma_wait3A_29 : memref<10240x128xf32, #tpu.memory_space<vmem_shared>>)
          tpu.yield
        }) : () -> ()
      }
      %scan3A_18 = arith.constant 27 : i32
    }
    %scan3A_7 = arith.constant 3 : i32
    %barrier3A_8 = arith.constant 0 : index
    tpu.barrier barrier_id(%barrier3A_8)
    %mul3A_9 = arith.constant 640 : i32
    %mul3A_10 = arith.muli %arg1, %mul3A_9 : i32
    %mul3A_11 = arith.constant 640 : i32
    %mul3A_12 = arith.muli %arg1, %mul3A_11 : i32
    "tpu.region"() ({
      %run_scoped3A = tpu.sem_alloc : memref<!tpu.dma_semaphore, #tpu.memory_space<semaphore_mem>>
      %dma_start3A = arith.constant 0 : i32
      %dma_start3A_13 = tpu.memref_slice %arg5[%arg0, %mul3A_12, %dma_start3A] : memref<2x10240x128xf32, #tpu.memory_space<hbm>> -> memref<1x640x128xf32, #tpu.memory_space<hbm>>
      %dma_start3A_14 = tpu.memref_squeeze %dma_start3A_13 : memref<1x640x128xf32, #tpu.memory_space<hbm>> -> memref<640x128xf32, #tpu.memory_space<hbm>>
      %dma_start3A_15 = arith.constant 0 : i32
      %dma_start3A_16 = tpu.memref_slice %arg8[%mul3A_10, %dma_start3A_15] : memref<10240x128xf32, #tpu.memory_space<vmem_shared>> -> memref<640x128xf32, #tpu.memory_space<vmem_shared>>
      tpu.enqueue_dma source(%dma_start3A_16 : memref<640x128xf32, #tpu.memory_space<vmem_shared>>) target(%dma_start3A_14 : memref<640x128xf32, #tpu.memory_space<hbm>>) target_semaphore(%run_scoped3A : memref<!tpu.dma_semaphore, #tpu.memory_space<semaphore_mem>>)
      %dma_wait3A = arith.constant 0 : i32
      %dma_wait3A_17 = tpu.memref_slice %arg5[%arg0, %mul3A_12, %dma_wait3A] : memref<2x10240x128xf32, #tpu.memory_space<hbm>> -> memref<1x640x128xf32, #tpu.memory_space<hbm>>
      %dma_wait3A_18 = tpu.memref_squeeze %dma_wait3A_17 : memref<1x640x128xf32, #tpu.memory_space<hbm>> -> memref<640x128xf32, #tpu.memory_space<hbm>>
      %dma_wait3A_19 = arith.constant 0 : i32
      %dma_wait3A_20 = tpu.memref_slice %arg8[%mul3A_10, %dma_wait3A_19] : memref<10240x128xf32, #tpu.memory_space<vmem_shared>> -> memref<640x128xf32, #tpu.memory_space<vmem_shared>>
      tpu.wait_dma2 semaphore(%run_scoped3A : memref<!tpu.dma_semaphore, #tpu.memory_space<semaphore_mem>>) src(%dma_wait3A_20 : memref<640x128xf32, #tpu.memory_space<vmem_shared>>) dst(%dma_wait3A_18 : memref<640x128xf32, #tpu.memory_space<hbm>>)
      tpu.yield
    }) : () -> ()
    return
  }
}

#map = affine_map<(d0, d1) -> (0, 0)>
#map1 = affine_map<(d0, d1) -> (0, 0, 0, 0)>
#map2 = affine_map<(d0, d1) -> (0, 0, 0)>
module attributes {stable_mosaic.version = 14 : i64} {
  func.func @sc_scatter(%arg0: i32, %arg1: i32, %arg2: memref<10240x128xf32, #tpu.memory_space<hbm>>, %arg3: memref<32x3x28x128xi32, #tpu.memory_space<hbm>>, %arg4: memref<32x3x28x128xi32, #tpu.memory_space<hbm>>, %arg5: memref<640x128xf32, #tpu.memory_space<hbm>>, %arg6: memref<2x10240x128xf32, #tpu.memory_space<hbm>>, %arg7: memref<28x128xi32, #tpu.memory_space<vmem>>, %arg8: memref<28x128xi32, #tpu.memory_space<vmem>>, %arg9: memref<2x128x128xf32, #tpu.memory_space<vmem>>, %arg10: memref<10240x128xf32, #tpu.memory_space<vmem_shared>>, %arg11: memref<!tpu.dma_semaphore, #tpu.memory_space<semaphore_mem>>, %arg12: memref<!tpu.dma_semaphore, #tpu.memory_space<semaphore_mem>>) attributes {dimension_semantics = [#tpu.dimension_semantics<core_parallel>, #tpu.dimension_semantics<subcore_parallel>], iteration_bounds = array<i64: 2, 16>, scalar_prefetch = 0 : i64, scratch_operands = 6 : i64, tpu.core_type = #tpu.core_type<sc_vector_subcore>, window_params = [{transform_indices = #map}, {transform_indices = #map1}, {transform_indices = #map1}, {transform_indices = #map}, {transform_indices = #map2}]} {
    %mul3A = arith.constant 640 : i32
    %mul3A_0 = arith.muli %arg1, %mul3A : i32
    "tpu.region"() ({
      %run_scoped3A = tpu.sem_alloc : memref<!tpu.dma_semaphore, #tpu.memory_space<semaphore_mem>>
      %dma_start3A = arith.constant 0 : i32
      %dma_start3A_13 = tpu.memref_slice %arg10[%mul3A_0, %dma_start3A] : memref<10240x128xf32, #tpu.memory_space<vmem_shared>> -> memref<640x128xf32, #tpu.memory_space<vmem_shared>>
      tpu.enqueue_dma source(%arg5 : memref<640x128xf32, #tpu.memory_space<hbm>>) target(%dma_start3A_13 : memref<640x128xf32, #tpu.memory_space<vmem_shared>>) target_semaphore(%run_scoped3A : memref<!tpu.dma_semaphore, #tpu.memory_space<semaphore_mem>>)
      %dma_wait3A = arith.constant 0 : i32
      %dma_wait3A_14 = tpu.memref_slice %arg10[%mul3A_0, %dma_wait3A] : memref<10240x128xf32, #tpu.memory_space<vmem_shared>> -> memref<640x128xf32, #tpu.memory_space<vmem_shared>>
      tpu.wait_dma2 semaphore(%run_scoped3A : memref<!tpu.dma_semaphore, #tpu.memory_space<semaphore_mem>>) src(%arg5 : memref<640x128xf32, #tpu.memory_space<hbm>>) dst(%dma_wait3A_14 : memref<640x128xf32, #tpu.memory_space<vmem_shared>>)
      tpu.yield
    }) : () -> ()
    %barrier3A = arith.constant 0 : index
    tpu.barrier barrier_id(%barrier3A)
    %mul3A_1 = arith.constant 2 : i32
    %mul3A_2 = arith.muli %arg1, %mul3A_1 : i32
    %add3A = arith.addi %mul3A_2, %arg0 : i32
    %scan3A = arith.constant 0 : i32
    %scan3A_3 = arith.constant 0 : i32
    %scan3A_4 = arith.constant 3 : i32
    %scan3A_5 = arith.addi %scan3A_3, %scan3A_4 : i32
    %scan3A_6 = arith.constant 1 : i32
    scf.for %scan3A_13 = %scan3A_3 to %scan3A_5 step %scan3A_6  : i32 {
      %add3A_14 = arith.constant 0 : i32
      %add3A_15 = arith.addi %add3A_14, %scan3A_13 : i32
      "tpu.region"() ({
        %run_scoped3A = tpu.sem_alloc : memref<!tpu.dma_semaphore, #tpu.memory_space<semaphore_mem>>
        %dma_start3A_60 = arith.constant 0 : i32
        %dma_start3A_61 = arith.constant 0 : i32
        %dma_start3A_62 = tpu.memref_slice %arg3[%add3A, %add3A_15, %dma_start3A_60, %dma_start3A_61] : memref<32x3x28x128xi32, #tpu.memory_space<hbm>> -> memref<1x1x28x128xi32, #tpu.memory_space<hbm>>
        %dma_start3A_63 = tpu.memref_squeeze %dma_start3A_62 : memref<1x1x28x128xi32, #tpu.memory_space<hbm>> -> memref<28x128xi32, #tpu.memory_space<hbm>>
        %dma_start3A_64 = arith.constant 0 : i32
        %dma_start3A_65 = arith.constant 0 : i32
        %dma_start3A_66 = tpu.memref_slice %arg3[%add3A, %add3A_15, %dma_start3A_64, %dma_start3A_65] : memref<32x3x28x128xi32, #tpu.memory_space<hbm>> -> memref<1x1x28x128xi32, #tpu.memory_space<hbm>>
        %dma_start3A_67 = tpu.memref_squeeze %dma_start3A_66 : memref<1x1x28x128xi32, #tpu.memory_space<hbm>> -> memref<28x128xi32, #tpu.memory_space<hbm>>
        tpu.enqueue_dma source(%dma_start3A_67 : memref<28x128xi32, #tpu.memory_space<hbm>>) target(%arg7 : memref<28x128xi32, #tpu.memory_space<vmem>>) target_semaphore(%run_scoped3A : memref<!tpu.dma_semaphore, #tpu.memory_space<semaphore_mem>>)
        %dma_wait3A_68 = arith.constant 0 : i32
        %dma_wait3A_69 = arith.constant 0 : i32
        %dma_wait3A_70 = tpu.memref_slice %arg3[%add3A, %add3A_15, %dma_wait3A_68, %dma_wait3A_69] : memref<32x3x28x128xi32, #tpu.memory_space<hbm>> -> memref<1x1x28x128xi32, #tpu.memory_space<hbm>>
        %dma_wait3A_71 = tpu.memref_squeeze %dma_wait3A_70 : memref<1x1x28x128xi32, #tpu.memory_space<hbm>> -> memref<28x128xi32, #tpu.memory_space<hbm>>
        %dma_wait3A_72 = arith.constant 0 : i32
        %dma_wait3A_73 = arith.constant 0 : i32
        %dma_wait3A_74 = tpu.memref_slice %arg3[%add3A, %add3A_15, %dma_wait3A_72, %dma_wait3A_73] : memref<32x3x28x128xi32, #tpu.memory_space<hbm>> -> memref<1x1x28x128xi32, #tpu.memory_space<hbm>>
        %dma_wait3A_75 = tpu.memref_squeeze %dma_wait3A_74 : memref<1x1x28x128xi32, #tpu.memory_space<hbm>> -> memref<28x128xi32, #tpu.memory_space<hbm>>
        tpu.wait_dma2 semaphore(%run_scoped3A : memref<!tpu.dma_semaphore, #tpu.memory_space<semaphore_mem>>) src(%dma_wait3A_75 : memref<28x128xi32, #tpu.memory_space<hbm>>) dst(%arg7 : memref<28x128xi32, #tpu.memory_space<vmem>>)
        tpu.yield
      }) : () -> ()
      %add3A_16 = arith.constant 0 : i32
      %add3A_17 = arith.addi %add3A_16, %scan3A_13 : i32
      "tpu.region"() ({
        %run_scoped3A = tpu.sem_alloc : memref<!tpu.dma_semaphore, #tpu.memory_space<semaphore_mem>>
        %dma_start3A_60 = arith.constant 0 : i32
        %dma_start3A_61 = arith.constant 0 : i32
        %dma_start3A_62 = tpu.memref_slice %arg4[%add3A, %add3A_17, %dma_start3A_60, %dma_start3A_61] : memref<32x3x28x128xi32, #tpu.memory_space<hbm>> -> memref<1x1x28x128xi32, #tpu.memory_space<hbm>>
        %dma_start3A_63 = tpu.memref_squeeze %dma_start3A_62 : memref<1x1x28x128xi32, #tpu.memory_space<hbm>> -> memref<28x128xi32, #tpu.memory_space<hbm>>
        %dma_start3A_64 = arith.constant 0 : i32
        %dma_start3A_65 = arith.constant 0 : i32
        %dma_start3A_66 = tpu.memref_slice %arg4[%add3A, %add3A_17, %dma_start3A_64, %dma_start3A_65] : memref<32x3x28x128xi32, #tpu.memory_space<hbm>> -> memref<1x1x28x128xi32, #tpu.memory_space<hbm>>
        %dma_start3A_67 = tpu.memref_squeeze %dma_start3A_66 : memref<1x1x28x128xi32, #tpu.memory_space<hbm>> -> memref<28x128xi32, #tpu.memory_space<hbm>>
        tpu.enqueue_dma source(%dma_start3A_67 : memref<28x128xi32, #tpu.memory_space<hbm>>) target(%arg8 : memref<28x128xi32, #tpu.memory_space<vmem>>) target_semaphore(%run_scoped3A : memref<!tpu.dma_semaphore, #tpu.memory_space<semaphore_mem>>)
        %dma_wait3A_68 = arith.constant 0 : i32
        %dma_wait3A_69 = arith.constant 0 : i32
        %dma_wait3A_70 = tpu.memref_slice %arg4[%add3A, %add3A_17, %dma_wait3A_68, %dma_wait3A_69] : memref<32x3x28x128xi32, #tpu.memory_space<hbm>> -> memref<1x1x28x128xi32, #tpu.memory_space<hbm>>
        %dma_wait3A_71 = tpu.memref_squeeze %dma_wait3A_70 : memref<1x1x28x128xi32, #tpu.memory_space<hbm>> -> memref<28x128xi32, #tpu.memory_space<hbm>>
        %dma_wait3A_72 = arith.constant 0 : i32
        %dma_wait3A_73 = arith.constant 0 : i32
        %dma_wait3A_74 = tpu.memref_slice %arg4[%add3A, %add3A_17, %dma_wait3A_72, %dma_wait3A_73] : memref<32x3x28x128xi32, #tpu.memory_space<hbm>> -> memref<1x1x28x128xi32, #tpu.memory_space<hbm>>
        %dma_wait3A_75 = tpu.memref_squeeze %dma_wait3A_74 : memref<1x1x28x128xi32, #tpu.memory_space<hbm>> -> memref<28x128xi32, #tpu.memory_space<hbm>>
        tpu.wait_dma2 semaphore(%run_scoped3A : memref<!tpu.dma_semaphore, #tpu.memory_space<semaphore_mem>>) src(%dma_wait3A_75 : memref<28x128xi32, #tpu.memory_space<hbm>>) dst(%arg8 : memref<28x128xi32, #tpu.memory_space<vmem>>)
        tpu.yield
      }) : () -> ()
      %dma_start3A = arith.constant 0 : i32
      %dma_start3A_18 = arith.constant 0 : i32
      %dma_start3A_19 = arith.constant 0 : i32
      %dma_start3A_20 = arith.constant 0 : i32
      %dma_start3A_21 = tpu.memref_slice %arg9[%dma_start3A_18, %dma_start3A_19, %dma_start3A_20] : memref<2x128x128xf32, #tpu.memory_space<vmem>> -> memref<1x64x128xf32, #tpu.memory_space<vmem>>
      %dma_start3A_22 = tpu.memref_squeeze %dma_start3A_21 : memref<1x64x128xf32, #tpu.memory_space<vmem>> -> memref<64x128xf32, #tpu.memory_space<vmem>>
      %dma_start3A_23 = arith.constant 0 : i32
      %dma_start3A_24 = tpu.memref_slice %arg7[%dma_start3A, %dma_start3A_23] : memref<28x128xi32, #tpu.memory_space<vmem>> -> memref<1x64xi32, #tpu.memory_space<vmem>>
      %dma_start3A_25 = tpu.memref_squeeze %dma_start3A_24 : memref<1x64xi32, #tpu.memory_space<vmem>> -> memref<64xi32, #tpu.memory_space<vmem>>
      %dma_start3A_26 = arith.constant 0 : i32
      %dma_start3A_27 = arith.constant 0 : i32
      %dma_start3A_28 = tpu.memref_slice %arg2[%dma_start3A_26, %dma_start3A_27] : memref<10240x128xf32, #tpu.memory_space<hbm>> -> memref<10240x128xf32, #tpu.memory_space<hbm>>
      tpu.enqueue_indirect_dma source(%dma_start3A_28 : memref<10240x128xf32, #tpu.memory_space<hbm>>) target(%dma_start3A_22 : memref<64x128xf32, #tpu.memory_space<vmem>>) offsets(%dma_start3A_25 : memref<64xi32, #tpu.memory_space<vmem>>) semaphore(%arg11 : memref<!tpu.dma_semaphore, #tpu.memory_space<semaphore_mem>>)
      %dma_start3A_29 = arith.constant 0 : i32
      %dma_start3A_30 = arith.constant 0 : i32
      %dma_start3A_31 = arith.constant 64 : i32
      %dma_start3A_32 = arith.constant 0 : i32
      %dma_start3A_33 = tpu.memref_slice %arg9[%dma_start3A_30, %dma_start3A_31, %dma_start3A_32] : memref<2x128x128xf32, #tpu.memory_space<vmem>> -> memref<1x64x128xf32, #tpu.memory_space<vmem>>
      %dma_start3A_34 = tpu.memref_squeeze %dma_start3A_33 : memref<1x64x128xf32, #tpu.memory_space<vmem>> -> memref<64x128xf32, #tpu.memory_space<vmem>>
      %dma_start3A_35 = arith.constant 64 : i32
      %dma_start3A_36 = tpu.memref_slice %arg7[%dma_start3A_29, %dma_start3A_35] : memref<28x128xi32, #tpu.memory_space<vmem>> -> memref<1x64xi32, #tpu.memory_space<vmem>>
      %dma_start3A_37 = tpu.memref_squeeze %dma_start3A_36 : memref<1x64xi32, #tpu.memory_space<vmem>> -> memref<64xi32, #tpu.memory_space<vmem>>
      %dma_start3A_38 = arith.constant 0 : i32
      %dma_start3A_39 = arith.constant 0 : i32
      %dma_start3A_40 = tpu.memref_slice %arg2[%dma_start3A_38, %dma_start3A_39] : memref<10240x128xf32, #tpu.memory_space<hbm>> -> memref<10240x128xf32, #tpu.memory_space<hbm>>
      tpu.enqueue_indirect_dma source(%dma_start3A_40 : memref<10240x128xf32, #tpu.memory_space<hbm>>) target(%dma_start3A_34 : memref<64x128xf32, #tpu.memory_space<vmem>>) offsets(%dma_start3A_37 : memref<64xi32, #tpu.memory_space<vmem>>) semaphore(%arg11 : memref<!tpu.dma_semaphore, #tpu.memory_space<semaphore_mem>>)
      %scan3A_41 = arith.constant 0 : i32
      %scan3A_42 = arith.constant 28 : i32
      %scan3A_43 = arith.addi %scan3A_41, %scan3A_42 : i32
      %scan3A_44 = arith.constant 1 : i32
      scf.for %scan3A_60 = %scan3A_41 to %scan3A_43 step %scan3A_44  : i32 {
        %jit3A = arith.constant 2 : i32
        %eq3A = arith.constant 0 : i32
        %eq3A_61 = arith.cmpi eq, %jit3A, %eq3A : i32
        %jit3A_62 = arith.constant 1 : i32
        %select_n3A = arith.select %eq3A_61, %jit3A_62, %jit3A : i32
        %rem3A = arith.remsi %scan3A_60, %select_n3A : i32
        %ne3A = arith.constant 0 : i32
        %ne3A_63 = arith.cmpi ne, %rem3A, %ne3A : i32
        %lt3A = arith.constant 0 : i32
        %lt3A_64 = arith.cmpi slt, %rem3A, %lt3A : i32
        %lt3A_65 = arith.constant 0 : i32
        %lt3A_66 = arith.cmpi slt, %select_n3A, %lt3A_65 : i32
        %ne3A_67 = arith.xori %lt3A_64, %lt3A_66 : i1
        %and3A = arith.andi %ne3A_67, %ne3A_63 : i1
        %add3A_68 = arith.addi %rem3A, %select_n3A : i32
        %select_n3A_69 = arith.select %and3A, %add3A_68, %rem3A : i32
        %dma_wait3A_70 = arith.constant 0 : i32
        %dma_wait3A_71 = arith.constant 0 : i32
        %dma_wait3A_72 = tpu.memref_slice %arg9[%select_n3A_69, %dma_wait3A_70, %dma_wait3A_71] : memref<2x128x128xf32, #tpu.memory_space<vmem>> -> memref<1x64x128xf32, #tpu.memory_space<vmem>>
        %dma_wait3A_73 = tpu.memref_squeeze %dma_wait3A_72 : memref<1x64x128xf32, #tpu.memory_space<vmem>> -> memref<64x128xf32, #tpu.memory_space<vmem>>
        %dma_wait3A_74 = arith.constant 0 : i32
        %dma_wait3A_75 = arith.constant 0 : i32
        %dma_wait3A_76 = tpu.memref_slice %arg2[%dma_wait3A_74, %dma_wait3A_75] : memref<10240x128xf32, #tpu.memory_space<hbm>> -> memref<64x128xf32, #tpu.memory_space<hbm>>
        %dma_wait3A_77 = arith.constant 0 : i32
        %dma_wait3A_78 = arith.constant 0 : i32
        %dma_wait3A_79 = tpu.memref_slice %arg9[%select_n3A_69, %dma_wait3A_77, %dma_wait3A_78] : memref<2x128x128xf32, #tpu.memory_space<vmem>> -> memref<1x64x128xf32, #tpu.memory_space<vmem>>
        %dma_wait3A_80 = tpu.memref_squeeze %dma_wait3A_79 : memref<1x64x128xf32, #tpu.memory_space<vmem>> -> memref<64x128xf32, #tpu.memory_space<vmem>>
        %dma_wait3A_81 = arith.constant 0 : i32
        %dma_wait3A_82 = arith.constant 0 : i32
        %dma_wait3A_83 = tpu.memref_slice %arg2[%dma_wait3A_81, %dma_wait3A_82] : memref<10240x128xf32, #tpu.memory_space<hbm>> -> memref<64x128xf32, #tpu.memory_space<hbm>>
        tpu.wait_dma2 semaphore(%arg11 : memref<!tpu.dma_semaphore, #tpu.memory_space<semaphore_mem>>) src(%dma_wait3A_83 : memref<64x128xf32, #tpu.memory_space<hbm>>) dst(%dma_wait3A_80 : memref<64x128xf32, #tpu.memory_space<vmem>>)
        %dma_wait3A_84 = arith.constant 64 : i32
        %dma_wait3A_85 = arith.constant 0 : i32
        %dma_wait3A_86 = tpu.memref_slice %arg9[%select_n3A_69, %dma_wait3A_84, %dma_wait3A_85] : memref<2x128x128xf32, #tpu.memory_space<vmem>> -> memref<1x64x128xf32, #tpu.memory_space<vmem>>
        %dma_wait3A_87 = tpu.memref_squeeze %dma_wait3A_86 : memref<1x64x128xf32, #tpu.memory_space<vmem>> -> memref<64x128xf32, #tpu.memory_space<vmem>>
        %dma_wait3A_88 = arith.constant 0 : i32
        %dma_wait3A_89 = arith.constant 0 : i32
        %dma_wait3A_90 = tpu.memref_slice %arg2[%dma_wait3A_88, %dma_wait3A_89] : memref<10240x128xf32, #tpu.memory_space<hbm>> -> memref<64x128xf32, #tpu.memory_space<hbm>>
        %dma_wait3A_91 = arith.constant 64 : i32
        %dma_wait3A_92 = arith.constant 0 : i32
        %dma_wait3A_93 = tpu.memref_slice %arg9[%select_n3A_69, %dma_wait3A_91, %dma_wait3A_92] : memref<2x128x128xf32, #tpu.memory_space<vmem>> -> memref<1x64x128xf32, #tpu.memory_space<vmem>>
        %dma_wait3A_94 = tpu.memref_squeeze %dma_wait3A_93 : memref<1x64x128xf32, #tpu.memory_space<vmem>> -> memref<64x128xf32, #tpu.memory_space<vmem>>
        %dma_wait3A_95 = arith.constant 0 : i32
        %dma_wait3A_96 = arith.constant 0 : i32
        %dma_wait3A_97 = tpu.memref_slice %arg2[%dma_wait3A_95, %dma_wait3A_96] : memref<10240x128xf32, #tpu.memory_space<hbm>> -> memref<64x128xf32, #tpu.memory_space<hbm>>
        tpu.wait_dma2 semaphore(%arg11 : memref<!tpu.dma_semaphore, #tpu.memory_space<semaphore_mem>>) src(%dma_wait3A_97 : memref<64x128xf32, #tpu.memory_space<hbm>>) dst(%dma_wait3A_94 : memref<64x128xf32, #tpu.memory_space<vmem>>)
        %ge3A = arith.constant 1 : i32
        %ge3A_98 = arith.cmpi sge, %scan3A_60, %ge3A : i32
        %convert_element_type3A = arith.extui %ge3A_98 : i1 to i32
        %cond3A = arith.constant 0 : i32
        %cond3A_99 = arith.cmpi ne, %convert_element_type3A, %cond3A : i32
        scf.if %cond3A_99 {
          %add3A_133 = arith.constant 1 : i32
          %add3A_134 = arith.addi %scan3A_60, %add3A_133 : i32
          %jit3A_135 = arith.constant 2 : i32
          %eq3A_136 = arith.constant 0 : i32
          %eq3A_137 = arith.cmpi eq, %jit3A_135, %eq3A_136 : i32
          %jit3A_138 = arith.constant 1 : i32
          %select_n3A_139 = arith.select %eq3A_137, %jit3A_138, %jit3A_135 : i32
          %rem3A_140 = arith.remsi %add3A_134, %select_n3A_139 : i32
          %ne3A_141 = arith.constant 0 : i32
          %ne3A_142 = arith.cmpi ne, %rem3A_140, %ne3A_141 : i32
          %lt3A_143 = arith.constant 0 : i32
          %lt3A_144 = arith.cmpi slt, %rem3A_140, %lt3A_143 : i32
          %lt3A_145 = arith.constant 0 : i32
          %lt3A_146 = arith.cmpi slt, %select_n3A_139, %lt3A_145 : i32
          %ne3A_147 = arith.xori %lt3A_144, %lt3A_146 : i1
          %and3A_148 = arith.andi %ne3A_147, %ne3A_142 : i1
          %add3A_149 = arith.addi %rem3A_140, %select_n3A_139 : i32
          %select_n3A_150 = arith.select %and3A_148, %add3A_149, %rem3A_140 : i32
          %dma_wait3A_151 = arith.constant 0 : i32
          %dma_wait3A_152 = arith.constant 0 : i32
          %dma_wait3A_153 = tpu.memref_slice %arg9[%select_n3A_150, %dma_wait3A_151, %dma_wait3A_152] : memref<2x128x128xf32, #tpu.memory_space<vmem>> -> memref<1x128x128xf32, #tpu.memory_space<vmem>>
          %dma_wait3A_154 = tpu.memref_squeeze %dma_wait3A_153 : memref<1x128x128xf32, #tpu.memory_space<vmem>> -> memref<128x128xf32, #tpu.memory_space<vmem>>
          %dma_wait3A_155 = arith.constant 0 : i32
          %dma_wait3A_156 = arith.constant 0 : i32
          %dma_wait3A_157 = tpu.memref_slice %arg2[%dma_wait3A_155, %dma_wait3A_156] : memref<10240x128xf32, #tpu.memory_space<hbm>> -> memref<128x128xf32, #tpu.memory_space<hbm>>
          %dma_wait3A_158 = arith.constant 0 : i32
          %dma_wait3A_159 = arith.constant 0 : i32
          %dma_wait3A_160 = tpu.memref_slice %arg9[%select_n3A_150, %dma_wait3A_158, %dma_wait3A_159] : memref<2x128x128xf32, #tpu.memory_space<vmem>> -> memref<1x128x128xf32, #tpu.memory_space<vmem>>
          %dma_wait3A_161 = tpu.memref_squeeze %dma_wait3A_160 : memref<1x128x128xf32, #tpu.memory_space<vmem>> -> memref<128x128xf32, #tpu.memory_space<vmem>>
          %dma_wait3A_162 = arith.constant 0 : i32
          %dma_wait3A_163 = arith.constant 0 : i32
          %dma_wait3A_164 = tpu.memref_slice %arg2[%dma_wait3A_162, %dma_wait3A_163] : memref<10240x128xf32, #tpu.memory_space<hbm>> -> memref<128x128xf32, #tpu.memory_space<hbm>>
          tpu.wait_dma2 semaphore(%arg12 : memref<!tpu.dma_semaphore, #tpu.memory_space<semaphore_mem>>) src(%dma_wait3A_164 : memref<128x128xf32, #tpu.memory_space<hbm>>) dst(%dma_wait3A_161 : memref<128x128xf32, #tpu.memory_space<vmem>>)
        } else {
        }
        %add3A_100 = arith.constant 1 : i32
        %add3A_101 = arith.addi %scan3A_60, %add3A_100 : i32
        %lt3A_102 = arith.constant 28 : i32
        %lt3A_103 = arith.cmpi slt, %add3A_101, %lt3A_102 : i32
        %convert_element_type3A_104 = arith.extui %lt3A_103 : i1 to i32
        %cond3A_105 = arith.constant 0 : i32
        %cond3A_106 = arith.cmpi ne, %convert_element_type3A_104, %cond3A_105 : i32
        scf.if %cond3A_106 {
          %add3A_133 = arith.constant 1 : i32
          %add3A_134 = arith.addi %scan3A_60, %add3A_133 : i32
          %add3A_135 = arith.constant 1 : i32
          %add3A_136 = arith.addi %scan3A_60, %add3A_135 : i32
          %jit3A_137 = arith.constant 2 : i32
          %eq3A_138 = arith.constant 0 : i32
          %eq3A_139 = arith.cmpi eq, %jit3A_137, %eq3A_138 : i32
          %jit3A_140 = arith.constant 1 : i32
          %select_n3A_141 = arith.select %eq3A_139, %jit3A_140, %jit3A_137 : i32
          %rem3A_142 = arith.remsi %add3A_136, %select_n3A_141 : i32
          %ne3A_143 = arith.constant 0 : i32
          %ne3A_144 = arith.cmpi ne, %rem3A_142, %ne3A_143 : i32
          %lt3A_145 = arith.constant 0 : i32
          %lt3A_146 = arith.cmpi slt, %rem3A_142, %lt3A_145 : i32
          %lt3A_147 = arith.constant 0 : i32
          %lt3A_148 = arith.cmpi slt, %select_n3A_141, %lt3A_147 : i32
          %ne3A_149 = arith.xori %lt3A_146, %lt3A_148 : i1
          %and3A_150 = arith.andi %ne3A_149, %ne3A_144 : i1
          %add3A_151 = arith.addi %rem3A_142, %select_n3A_141 : i32
          %select_n3A_152 = arith.select %and3A_150, %add3A_151, %rem3A_142 : i32
          %dma_start3A_153 = arith.constant 0 : i32
          %dma_start3A_154 = arith.constant 0 : i32
          %dma_start3A_155 = tpu.memref_slice %arg9[%select_n3A_152, %dma_start3A_153, %dma_start3A_154] : memref<2x128x128xf32, #tpu.memory_space<vmem>> -> memref<1x64x128xf32, #tpu.memory_space<vmem>>
          %dma_start3A_156 = tpu.memref_squeeze %dma_start3A_155 : memref<1x64x128xf32, #tpu.memory_space<vmem>> -> memref<64x128xf32, #tpu.memory_space<vmem>>
          %dma_start3A_157 = arith.constant 0 : i32
          %dma_start3A_158 = tpu.memref_slice %arg7[%add3A_134, %dma_start3A_157] : memref<28x128xi32, #tpu.memory_space<vmem>> -> memref<1x64xi32, #tpu.memory_space<vmem>>
          %dma_start3A_159 = tpu.memref_squeeze %dma_start3A_158 : memref<1x64xi32, #tpu.memory_space<vmem>> -> memref<64xi32, #tpu.memory_space<vmem>>
          %dma_start3A_160 = arith.constant 0 : i32
          %dma_start3A_161 = arith.constant 0 : i32
          %dma_start3A_162 = tpu.memref_slice %arg2[%dma_start3A_160, %dma_start3A_161] : memref<10240x128xf32, #tpu.memory_space<hbm>> -> memref<10240x128xf32, #tpu.memory_space<hbm>>
          tpu.enqueue_indirect_dma source(%dma_start3A_162 : memref<10240x128xf32, #tpu.memory_space<hbm>>) target(%dma_start3A_156 : memref<64x128xf32, #tpu.memory_space<vmem>>) offsets(%dma_start3A_159 : memref<64xi32, #tpu.memory_space<vmem>>) semaphore(%arg11 : memref<!tpu.dma_semaphore, #tpu.memory_space<semaphore_mem>>)
          %dma_start3A_163 = arith.constant 64 : i32
          %dma_start3A_164 = arith.constant 0 : i32
          %dma_start3A_165 = tpu.memref_slice %arg9[%select_n3A_152, %dma_start3A_163, %dma_start3A_164] : memref<2x128x128xf32, #tpu.memory_space<vmem>> -> memref<1x64x128xf32, #tpu.memory_space<vmem>>
          %dma_start3A_166 = tpu.memref_squeeze %dma_start3A_165 : memref<1x64x128xf32, #tpu.memory_space<vmem>> -> memref<64x128xf32, #tpu.memory_space<vmem>>
          %dma_start3A_167 = arith.constant 64 : i32
          %dma_start3A_168 = tpu.memref_slice %arg7[%add3A_134, %dma_start3A_167] : memref<28x128xi32, #tpu.memory_space<vmem>> -> memref<1x64xi32, #tpu.memory_space<vmem>>
          %dma_start3A_169 = tpu.memref_squeeze %dma_start3A_168 : memref<1x64xi32, #tpu.memory_space<vmem>> -> memref<64xi32, #tpu.memory_space<vmem>>
          %dma_start3A_170 = arith.constant 0 : i32
          %dma_start3A_171 = arith.constant 0 : i32
          %dma_start3A_172 = tpu.memref_slice %arg2[%dma_start3A_170, %dma_start3A_171] : memref<10240x128xf32, #tpu.memory_space<hbm>> -> memref<10240x128xf32, #tpu.memory_space<hbm>>
          tpu.enqueue_indirect_dma source(%dma_start3A_172 : memref<10240x128xf32, #tpu.memory_space<hbm>>) target(%dma_start3A_166 : memref<64x128xf32, #tpu.memory_space<vmem>>) offsets(%dma_start3A_169 : memref<64xi32, #tpu.memory_space<vmem>>) semaphore(%arg11 : memref<!tpu.dma_semaphore, #tpu.memory_space<semaphore_mem>>)
        } else {
        }
        %jit3A_107 = arith.constant 2 : i32
        %eq3A_108 = arith.constant 0 : i32
        %eq3A_109 = arith.cmpi eq, %jit3A_107, %eq3A_108 : i32
        %jit3A_110 = arith.constant 1 : i32
        %select_n3A_111 = arith.select %eq3A_109, %jit3A_110, %jit3A_107 : i32
        %rem3A_112 = arith.remsi %scan3A_60, %select_n3A_111 : i32
        %ne3A_113 = arith.constant 0 : i32
        %ne3A_114 = arith.cmpi ne, %rem3A_112, %ne3A_113 : i32
        %lt3A_115 = arith.constant 0 : i32
        %lt3A_116 = arith.cmpi slt, %rem3A_112, %lt3A_115 : i32
        %lt3A_117 = arith.constant 0 : i32
        %lt3A_118 = arith.cmpi slt, %select_n3A_111, %lt3A_117 : i32
        %ne3A_119 = arith.xori %lt3A_116, %lt3A_118 : i1
        %and3A_120 = arith.andi %ne3A_119, %ne3A_114 : i1
        %add3A_121 = arith.addi %rem3A_112, %select_n3A_111 : i32
        %select_n3A_122 = arith.select %and3A_120, %add3A_121, %rem3A_112 : i32
        %dma_start3A_123 = arith.constant 0 : i32
        %dma_start3A_124 = arith.constant 0 : i32
        %dma_start3A_125 = tpu.memref_slice %arg9[%select_n3A_122, %dma_start3A_123, %dma_start3A_124] : memref<2x128x128xf32, #tpu.memory_space<vmem>> -> memref<1x128x128xf32, #tpu.memory_space<vmem>>
        %dma_start3A_126 = tpu.memref_squeeze %dma_start3A_125 : memref<1x128x128xf32, #tpu.memory_space<vmem>> -> memref<128x128xf32, #tpu.memory_space<vmem>>
        %dma_start3A_127 = arith.constant 0 : i32
        %dma_start3A_128 = tpu.memref_slice %arg8[%scan3A_60, %dma_start3A_127] : memref<28x128xi32, #tpu.memory_space<vmem>> -> memref<1x128xi32, #tpu.memory_space<vmem>>
        %dma_start3A_129 = tpu.memref_squeeze %dma_start3A_128 : memref<1x128xi32, #tpu.memory_space<vmem>> -> memref<128xi32, #tpu.memory_space<vmem>>
        %dma_start3A_130 = arith.constant 0 : i32
        %dma_start3A_131 = arith.constant 0 : i32
        %dma_start3A_132 = tpu.memref_slice %arg10[%dma_start3A_130, %dma_start3A_131] : memref<10240x128xf32, #tpu.memory_space<vmem_shared>> -> memref<10240x128xf32, #tpu.memory_space<vmem_shared>>
        tpu.enqueue_indirect_dma source(%dma_start3A_126 : memref<128x128xf32, #tpu.memory_space<vmem>>) target(%dma_start3A_132 : memref<10240x128xf32, #tpu.memory_space<vmem_shared>>) offsets(%dma_start3A_129 : memref<128xi32, #tpu.memory_space<vmem>>) semaphore(%arg12 : memref<!tpu.dma_semaphore, #tpu.memory_space<semaphore_mem>>) {add = true}
      }
      %scan3A_45 = arith.constant 28 : i32
      %dma_wait3A = arith.constant 0 : i32
      %dma_wait3A_46 = arith.constant 0 : i32
      %dma_wait3A_47 = arith.constant 0 : i32
      %dma_wait3A_48 = tpu.memref_slice %arg9[%dma_wait3A, %dma_wait3A_46, %dma_wait3A_47] : memref<2x128x128xf32, #tpu.memory_space<vmem>> -> memref<1x128x128xf32, #tpu.memory_space<vmem>>
      %dma_wait3A_49 = tpu.memref_squeeze %dma_wait3A_48 : memref<1x128x128xf32, #tpu.memory_space<vmem>> -> memref<128x128xf32, #tpu.memory_space<vmem>>
      %dma_wait3A_50 = arith.constant 0 : i32
      %dma_wait3A_51 = arith.constant 0 : i32
      %dma_wait3A_52 = tpu.memref_slice %arg2[%dma_wait3A_50, %dma_wait3A_51] : memref<10240x128xf32, #tpu.memory_space<hbm>> -> memref<128x128xf32, #tpu.memory_space<hbm>>
      %dma_wait3A_53 = arith.constant 0 : i32
      %dma_wait3A_54 = arith.constant 0 : i32
      %dma_wait3A_55 = tpu.memref_slice %arg9[%dma_wait3A, %dma_wait3A_53, %dma_wait3A_54] : memref<2x128x128xf32, #tpu.memory_space<vmem>> -> memref<1x128x128xf32, #tpu.memory_space<vmem>>
      %dma_wait3A_56 = tpu.memref_squeeze %dma_wait3A_55 : memref<1x128x128xf32, #tpu.memory_space<vmem>> -> memref<128x128xf32, #tpu.memory_space<vmem>>
      %dma_wait3A_57 = arith.constant 0 : i32
      %dma_wait3A_58 = arith.constant 0 : i32
      %dma_wait3A_59 = tpu.memref_slice %arg2[%dma_wait3A_57, %dma_wait3A_58] : memref<10240x128xf32, #tpu.memory_space<hbm>> -> memref<128x128xf32, #tpu.memory_space<hbm>>
      tpu.wait_dma2 semaphore(%arg12 : memref<!tpu.dma_semaphore, #tpu.memory_space<semaphore_mem>>) src(%dma_wait3A_59 : memref<128x128xf32, #tpu.memory_space<hbm>>) dst(%dma_wait3A_56 : memref<128x128xf32, #tpu.memory_space<vmem>>)
    }
    %scan3A_7 = arith.constant 3 : i32
    %barrier3A_8 = arith.constant 0 : index
    tpu.barrier barrier_id(%barrier3A_8)
    %mul3A_9 = arith.constant 640 : i32
    %mul3A_10 = arith.muli %arg1, %mul3A_9 : i32
    %mul3A_11 = arith.constant 640 : i32
    %mul3A_12 = arith.muli %arg1, %mul3A_11 : i32
    "tpu.region"() ({
      %run_scoped3A = tpu.sem_alloc : memref<!tpu.dma_semaphore, #tpu.memory_space<semaphore_mem>>
      %dma_start3A = arith.constant 0 : i32
      %dma_start3A_13 = tpu.memref_slice %arg6[%arg0, %mul3A_12, %dma_start3A] : memref<2x10240x128xf32, #tpu.memory_space<hbm>> -> memref<1x640x128xf32, #tpu.memory_space<hbm>>
      %dma_start3A_14 = tpu.memref_squeeze %dma_start3A_13 : memref<1x640x128xf32, #tpu.memory_space<hbm>> -> memref<640x128xf32, #tpu.memory_space<hbm>>
      %dma_start3A_15 = arith.constant 0 : i32
      %dma_start3A_16 = tpu.memref_slice %arg10[%mul3A_10, %dma_start3A_15] : memref<10240x128xf32, #tpu.memory_space<vmem_shared>> -> memref<640x128xf32, #tpu.memory_space<vmem_shared>>
      tpu.enqueue_dma source(%dma_start3A_16 : memref<640x128xf32, #tpu.memory_space<vmem_shared>>) target(%dma_start3A_14 : memref<640x128xf32, #tpu.memory_space<hbm>>) target_semaphore(%run_scoped3A : memref<!tpu.dma_semaphore, #tpu.memory_space<semaphore_mem>>)
      %dma_wait3A = arith.constant 0 : i32
      %dma_wait3A_17 = tpu.memref_slice %arg6[%arg0, %mul3A_12, %dma_wait3A] : memref<2x10240x128xf32, #tpu.memory_space<hbm>> -> memref<1x640x128xf32, #tpu.memory_space<hbm>>
      %dma_wait3A_18 = tpu.memref_squeeze %dma_wait3A_17 : memref<1x640x128xf32, #tpu.memory_space<hbm>> -> memref<640x128xf32, #tpu.memory_space<hbm>>
      %dma_wait3A_19 = arith.constant 0 : i32
      %dma_wait3A_20 = tpu.memref_slice %arg10[%mul3A_10, %dma_wait3A_19] : memref<10240x128xf32, #tpu.memory_space<vmem_shared>> -> memref<640x128xf32, #tpu.memory_space<vmem_shared>>
      tpu.wait_dma2 semaphore(%run_scoped3A : memref<!tpu.dma_semaphore, #tpu.memory_space<semaphore_mem>>) src(%dma_wait3A_20 : memref<640x128xf32, #tpu.memory_space<vmem_shared>>) dst(%dma_wait3A_18 : memref<640x128xf32, #tpu.memory_space<hbm>>)
      tpu.yield
    }) : () -> ()
    return
  }
}

#map = affine_map<(d0, d1) -> (0, 0)>
#map1 = affine_map<(d0, d1) -> (0, 0, 0, 0)>
#map2 = affine_map<(d0, d1) -> (0, 0, 0)>
module attributes {stable_mosaic.version = 14 : i64} {
  func.func @sc_scatter(%arg0: i32, %arg1: i32, %arg2: memref<10240x128xf32, #tpu.memory_space<hbm>>, %arg3: memref<32x3x28x128xi32, #tpu.memory_space<hbm>>, %arg4: memref<32x3x28x128xi32, #tpu.memory_space<hbm>>, %arg5: memref<640x128xf32, #tpu.memory_space<hbm>>, %arg6: memref<2x10240x128xf32, #tpu.memory_space<hbm>>, %arg7: memref<28x128xi32, #tpu.memory_space<vmem>>, %arg8: memref<28x128xi32, #tpu.memory_space<vmem>>, %arg9: memref<2x128x128xf32, #tpu.memory_space<vmem>>, %arg10: memref<10240x128xf32, #tpu.memory_space<vmem_shared>>, %arg11: memref<!tpu.dma_semaphore, #tpu.memory_space<semaphore_mem>>, %arg12: memref<!tpu.dma_semaphore, #tpu.memory_space<semaphore_mem>>) attributes {dimension_semantics = [#tpu.dimension_semantics<core_parallel>, #tpu.dimension_semantics<subcore_parallel>], iteration_bounds = array<i64: 2, 16>, scalar_prefetch = 0 : i64, scratch_operands = 6 : i64, tpu.core_type = #tpu.core_type<sc_vector_subcore>, window_params = [{transform_indices = #map}, {transform_indices = #map1}, {transform_indices = #map1}, {transform_indices = #map}, {transform_indices = #map2}]} {
    %mul3A = arith.constant 640 : i32
    %mul3A_0 = arith.muli %arg1, %mul3A : i32
    "tpu.region"() ({
      %run_scoped3A = tpu.sem_alloc : memref<!tpu.dma_semaphore, #tpu.memory_space<semaphore_mem>>
      %dma_start3A = arith.constant 0 : i32
      %dma_start3A_13 = tpu.memref_slice %arg10[%mul3A_0, %dma_start3A] : memref<10240x128xf32, #tpu.memory_space<vmem_shared>> -> memref<640x128xf32, #tpu.memory_space<vmem_shared>>
      tpu.enqueue_dma source(%arg5 : memref<640x128xf32, #tpu.memory_space<hbm>>) target(%dma_start3A_13 : memref<640x128xf32, #tpu.memory_space<vmem_shared>>) target_semaphore(%run_scoped3A : memref<!tpu.dma_semaphore, #tpu.memory_space<semaphore_mem>>)
      %dma_wait3A = arith.constant 0 : i32
      %dma_wait3A_14 = tpu.memref_slice %arg10[%mul3A_0, %dma_wait3A] : memref<10240x128xf32, #tpu.memory_space<vmem_shared>> -> memref<640x128xf32, #tpu.memory_space<vmem_shared>>
      tpu.wait_dma2 semaphore(%run_scoped3A : memref<!tpu.dma_semaphore, #tpu.memory_space<semaphore_mem>>) src(%arg5 : memref<640x128xf32, #tpu.memory_space<hbm>>) dst(%dma_wait3A_14 : memref<640x128xf32, #tpu.memory_space<vmem_shared>>)
      tpu.yield
    }) : () -> ()
    %barrier3A = arith.constant 0 : index
    tpu.barrier barrier_id(%barrier3A)
    %mul3A_1 = arith.constant 2 : i32
    %mul3A_2 = arith.muli %arg1, %mul3A_1 : i32
    %add3A = arith.addi %mul3A_2, %arg0 : i32
    %scan3A = arith.constant 0 : i32
    %scan3A_3 = arith.constant 0 : i32
    %scan3A_4 = arith.constant 3 : i32
    %scan3A_5 = arith.addi %scan3A_3, %scan3A_4 : i32
    %scan3A_6 = arith.constant 1 : i32
    scf.for %scan3A_13 = %scan3A_3 to %scan3A_5 step %scan3A_6  : i32 {
      %add3A_14 = arith.constant 0 : i32
      %add3A_15 = arith.addi %add3A_14, %scan3A_13 : i32
      "tpu.region"() ({
        %run_scoped3A = tpu.sem_alloc : memref<!tpu.dma_semaphore, #tpu.memory_space<semaphore_mem>>
        %dma_start3A_60 = arith.constant 0 : i32
        %dma_start3A_61 = arith.constant 0 : i32
        %dma_start3A_62 = tpu.memref_slice %arg3[%add3A, %add3A_15, %dma_start3A_60, %dma_start3A_61] : memref<32x3x28x128xi32, #tpu.memory_space<hbm>> -> memref<1x1x28x128xi32, #tpu.memory_space<hbm>>
        %dma_start3A_63 = tpu.memref_squeeze %dma_start3A_62 : memref<1x1x28x128xi32, #tpu.memory_space<hbm>> -> memref<28x128xi32, #tpu.memory_space<hbm>>
        %dma_start3A_64 = arith.constant 0 : i32
        %dma_start3A_65 = arith.constant 0 : i32
        %dma_start3A_66 = tpu.memref_slice %arg3[%add3A, %add3A_15, %dma_start3A_64, %dma_start3A_65] : memref<32x3x28x128xi32, #tpu.memory_space<hbm>> -> memref<1x1x28x128xi32, #tpu.memory_space<hbm>>
        %dma_start3A_67 = tpu.memref_squeeze %dma_start3A_66 : memref<1x1x28x128xi32, #tpu.memory_space<hbm>> -> memref<28x128xi32, #tpu.memory_space<hbm>>
        tpu.enqueue_dma source(%dma_start3A_67 : memref<28x128xi32, #tpu.memory_space<hbm>>) target(%arg7 : memref<28x128xi32, #tpu.memory_space<vmem>>) target_semaphore(%run_scoped3A : memref<!tpu.dma_semaphore, #tpu.memory_space<semaphore_mem>>)
        %dma_wait3A_68 = arith.constant 0 : i32
        %dma_wait3A_69 = arith.constant 0 : i32
        %dma_wait3A_70 = tpu.memref_slice %arg3[%add3A, %add3A_15, %dma_wait3A_68, %dma_wait3A_69] : memref<32x3x28x128xi32, #tpu.memory_space<hbm>> -> memref<1x1x28x128xi32, #tpu.memory_space<hbm>>
        %dma_wait3A_71 = tpu.memref_squeeze %dma_wait3A_70 : memref<1x1x28x128xi32, #tpu.memory_space<hbm>> -> memref<28x128xi32, #tpu.memory_space<hbm>>
        %dma_wait3A_72 = arith.constant 0 : i32
        %dma_wait3A_73 = arith.constant 0 : i32
        %dma_wait3A_74 = tpu.memref_slice %arg3[%add3A, %add3A_15, %dma_wait3A_72, %dma_wait3A_73] : memref<32x3x28x128xi32, #tpu.memory_space<hbm>> -> memref<1x1x28x128xi32, #tpu.memory_space<hbm>>
        %dma_wait3A_75 = tpu.memref_squeeze %dma_wait3A_74 : memref<1x1x28x128xi32, #tpu.memory_space<hbm>> -> memref<28x128xi32, #tpu.memory_space<hbm>>
        tpu.wait_dma2 semaphore(%run_scoped3A : memref<!tpu.dma_semaphore, #tpu.memory_space<semaphore_mem>>) src(%dma_wait3A_75 : memref<28x128xi32, #tpu.memory_space<hbm>>) dst(%arg7 : memref<28x128xi32, #tpu.memory_space<vmem>>)
        tpu.yield
      }) : () -> ()
      %add3A_16 = arith.constant 0 : i32
      %add3A_17 = arith.addi %add3A_16, %scan3A_13 : i32
      "tpu.region"() ({
        %run_scoped3A = tpu.sem_alloc : memref<!tpu.dma_semaphore, #tpu.memory_space<semaphore_mem>>
        %dma_start3A_60 = arith.constant 0 : i32
        %dma_start3A_61 = arith.constant 0 : i32
        %dma_start3A_62 = tpu.memref_slice %arg4[%add3A, %add3A_17, %dma_start3A_60, %dma_start3A_61] : memref<32x3x28x128xi32, #tpu.memory_space<hbm>> -> memref<1x1x28x128xi32, #tpu.memory_space<hbm>>
        %dma_start3A_63 = tpu.memref_squeeze %dma_start3A_62 : memref<1x1x28x128xi32, #tpu.memory_space<hbm>> -> memref<28x128xi32, #tpu.memory_space<hbm>>
        %dma_start3A_64 = arith.constant 0 : i32
        %dma_start3A_65 = arith.constant 0 : i32
        %dma_start3A_66 = tpu.memref_slice %arg4[%add3A, %add3A_17, %dma_start3A_64, %dma_start3A_65] : memref<32x3x28x128xi32, #tpu.memory_space<hbm>> -> memref<1x1x28x128xi32, #tpu.memory_space<hbm>>
        %dma_start3A_67 = tpu.memref_squeeze %dma_start3A_66 : memref<1x1x28x128xi32, #tpu.memory_space<hbm>> -> memref<28x128xi32, #tpu.memory_space<hbm>>
        tpu.enqueue_dma source(%dma_start3A_67 : memref<28x128xi32, #tpu.memory_space<hbm>>) target(%arg8 : memref<28x128xi32, #tpu.memory_space<vmem>>) target_semaphore(%run_scoped3A : memref<!tpu.dma_semaphore, #tpu.memory_space<semaphore_mem>>)
        %dma_wait3A_68 = arith.constant 0 : i32
        %dma_wait3A_69 = arith.constant 0 : i32
        %dma_wait3A_70 = tpu.memref_slice %arg4[%add3A, %add3A_17, %dma_wait3A_68, %dma_wait3A_69] : memref<32x3x28x128xi32, #tpu.memory_space<hbm>> -> memref<1x1x28x128xi32, #tpu.memory_space<hbm>>
        %dma_wait3A_71 = tpu.memref_squeeze %dma_wait3A_70 : memref<1x1x28x128xi32, #tpu.memory_space<hbm>> -> memref<28x128xi32, #tpu.memory_space<hbm>>
        %dma_wait3A_72 = arith.constant 0 : i32
        %dma_wait3A_73 = arith.constant 0 : i32
        %dma_wait3A_74 = tpu.memref_slice %arg4[%add3A, %add3A_17, %dma_wait3A_72, %dma_wait3A_73] : memref<32x3x28x128xi32, #tpu.memory_space<hbm>> -> memref<1x1x28x128xi32, #tpu.memory_space<hbm>>
        %dma_wait3A_75 = tpu.memref_squeeze %dma_wait3A_74 : memref<1x1x28x128xi32, #tpu.memory_space<hbm>> -> memref<28x128xi32, #tpu.memory_space<hbm>>
        tpu.wait_dma2 semaphore(%run_scoped3A : memref<!tpu.dma_semaphore, #tpu.memory_space<semaphore_mem>>) src(%dma_wait3A_75 : memref<28x128xi32, #tpu.memory_space<hbm>>) dst(%arg8 : memref<28x128xi32, #tpu.memory_space<vmem>>)
        tpu.yield
      }) : () -> ()
      %dma_start3A = arith.constant 0 : i32
      %dma_start3A_18 = arith.constant 0 : i32
      %dma_start3A_19 = arith.constant 0 : i32
      %dma_start3A_20 = arith.constant 0 : i32
      %dma_start3A_21 = tpu.memref_slice %arg9[%dma_start3A_18, %dma_start3A_19, %dma_start3A_20] : memref<2x128x128xf32, #tpu.memory_space<vmem>> -> memref<1x64x128xf32, #tpu.memory_space<vmem>>
      %dma_start3A_22 = tpu.memref_squeeze %dma_start3A_21 : memref<1x64x128xf32, #tpu.memory_space<vmem>> -> memref<64x128xf32, #tpu.memory_space<vmem>>
      %dma_start3A_23 = arith.constant 0 : i32
      %dma_start3A_24 = tpu.memref_slice %arg7[%dma_start3A, %dma_start3A_23] : memref<28x128xi32, #tpu.memory_space<vmem>> -> memref<1x64xi32, #tpu.memory_space<vmem>>
      %dma_start3A_25 = tpu.memref_squeeze %dma_start3A_24 : memref<1x64xi32, #tpu.memory_space<vmem>> -> memref<64xi32, #tpu.memory_space<vmem>>
      %dma_start3A_26 = arith.constant 0 : i32
      %dma_start3A_27 = arith.constant 0 : i32
      %dma_start3A_28 = tpu.memref_slice %arg2[%dma_start3A_26, %dma_start3A_27] : memref<10240x128xf32, #tpu.memory_space<hbm>> -> memref<10240x128xf32, #tpu.memory_space<hbm>>
      tpu.enqueue_indirect_dma source(%dma_start3A_28 : memref<10240x128xf32, #tpu.memory_space<hbm>>) target(%dma_start3A_22 : memref<64x128xf32, #tpu.memory_space<vmem>>) offsets(%dma_start3A_25 : memref<64xi32, #tpu.memory_space<vmem>>) semaphore(%arg11 : memref<!tpu.dma_semaphore, #tpu.memory_space<semaphore_mem>>)
      %dma_start3A_29 = arith.constant 0 : i32
      %dma_start3A_30 = arith.constant 0 : i32
      %dma_start3A_31 = arith.constant 64 : i32
      %dma_start3A_32 = arith.constant 0 : i32
      %dma_start3A_33 = tpu.memref_slice %arg9[%dma_start3A_30, %dma_start3A_31, %dma_start3A_32] : memref<2x128x128xf32, #tpu.memory_space<vmem>> -> memref<1x64x128xf32, #tpu.memory_space<vmem>>
      %dma_start3A_34 = tpu.memref_squeeze %dma_start3A_33 : memref<1x64x128xf32, #tpu.memory_space<vmem>> -> memref<64x128xf32, #tpu.memory_space<vmem>>
      %dma_start3A_35 = arith.constant 64 : i32
      %dma_start3A_36 = tpu.memref_slice %arg7[%dma_start3A_29, %dma_start3A_35] : memref<28x128xi32, #tpu.memory_space<vmem>> -> memref<1x64xi32, #tpu.memory_space<vmem>>
      %dma_start3A_37 = tpu.memref_squeeze %dma_start3A_36 : memref<1x64xi32, #tpu.memory_space<vmem>> -> memref<64xi32, #tpu.memory_space<vmem>>
      %dma_start3A_38 = arith.constant 0 : i32
      %dma_start3A_39 = arith.constant 0 : i32
      %dma_start3A_40 = tpu.memref_slice %arg2[%dma_start3A_38, %dma_start3A_39] : memref<10240x128xf32, #tpu.memory_space<hbm>> -> memref<10240x128xf32, #tpu.memory_space<hbm>>
      tpu.enqueue_indirect_dma source(%dma_start3A_40 : memref<10240x128xf32, #tpu.memory_space<hbm>>) target(%dma_start3A_34 : memref<64x128xf32, #tpu.memory_space<vmem>>) offsets(%dma_start3A_37 : memref<64xi32, #tpu.memory_space<vmem>>) semaphore(%arg11 : memref<!tpu.dma_semaphore, #tpu.memory_space<semaphore_mem>>)
      %scan3A_41 = arith.constant 0 : i32
      %scan3A_42 = arith.constant 28 : i32
      %scan3A_43 = arith.addi %scan3A_41, %scan3A_42 : i32
      %scan3A_44 = arith.constant 1 : i32
      scf.for %scan3A_60 = %scan3A_41 to %scan3A_43 step %scan3A_44  : i32 {
        %jit3A = arith.constant 2 : i32
        %eq3A = arith.constant 0 : i32
        %eq3A_61 = arith.cmpi eq, %jit3A, %eq3A : i32
        %jit3A_62 = arith.constant 1 : i32
        %select_n3A = arith.select %eq3A_61, %jit3A_62, %jit3A : i32
        %rem3A = arith.remsi %scan3A_60, %select_n3A : i32
        %ne3A = arith.constant 0 : i32
        %ne3A_63 = arith.cmpi ne, %rem3A, %ne3A : i32
        %lt3A = arith.constant 0 : i32
        %lt3A_64 = arith.cmpi slt, %rem3A, %lt3A : i32
        %lt3A_65 = arith.constant 0 : i32
        %lt3A_66 = arith.cmpi slt, %select_n3A, %lt3A_65 : i32
        %ne3A_67 = arith.xori %lt3A_64, %lt3A_66 : i1
        %and3A = arith.andi %ne3A_67, %ne3A_63 : i1
        %add3A_68 = arith.addi %rem3A, %select_n3A : i32
        %select_n3A_69 = arith.select %and3A, %add3A_68, %rem3A : i32
        %dma_wait3A_70 = arith.constant 0 : i32
        %dma_wait3A_71 = arith.constant 0 : i32
        %dma_wait3A_72 = tpu.memref_slice %arg9[%select_n3A_69, %dma_wait3A_70, %dma_wait3A_71] : memref<2x128x128xf32, #tpu.memory_space<vmem>> -> memref<1x64x128xf32, #tpu.memory_space<vmem>>
        %dma_wait3A_73 = tpu.memref_squeeze %dma_wait3A_72 : memref<1x64x128xf32, #tpu.memory_space<vmem>> -> memref<64x128xf32, #tpu.memory_space<vmem>>
        %dma_wait3A_74 = arith.constant 0 : i32
        %dma_wait3A_75 = arith.constant 0 : i32
        %dma_wait3A_76 = tpu.memref_slice %arg2[%dma_wait3A_74, %dma_wait3A_75] : memref<10240x128xf32, #tpu.memory_space<hbm>> -> memref<64x128xf32, #tpu.memory_space<hbm>>
        %dma_wait3A_77 = arith.constant 0 : i32
        %dma_wait3A_78 = arith.constant 0 : i32
        %dma_wait3A_79 = tpu.memref_slice %arg9[%select_n3A_69, %dma_wait3A_77, %dma_wait3A_78] : memref<2x128x128xf32, #tpu.memory_space<vmem>> -> memref<1x64x128xf32, #tpu.memory_space<vmem>>
        %dma_wait3A_80 = tpu.memref_squeeze %dma_wait3A_79 : memref<1x64x128xf32, #tpu.memory_space<vmem>> -> memref<64x128xf32, #tpu.memory_space<vmem>>
        %dma_wait3A_81 = arith.constant 0 : i32
        %dma_wait3A_82 = arith.constant 0 : i32
        %dma_wait3A_83 = tpu.memref_slice %arg2[%dma_wait3A_81, %dma_wait3A_82] : memref<10240x128xf32, #tpu.memory_space<hbm>> -> memref<64x128xf32, #tpu.memory_space<hbm>>
        tpu.wait_dma2 semaphore(%arg11 : memref<!tpu.dma_semaphore, #tpu.memory_space<semaphore_mem>>) src(%dma_wait3A_83 : memref<64x128xf32, #tpu.memory_space<hbm>>) dst(%dma_wait3A_80 : memref<64x128xf32, #tpu.memory_space<vmem>>)
        %dma_wait3A_84 = arith.constant 64 : i32
        %dma_wait3A_85 = arith.constant 0 : i32
        %dma_wait3A_86 = tpu.memref_slice %arg9[%select_n3A_69, %dma_wait3A_84, %dma_wait3A_85] : memref<2x128x128xf32, #tpu.memory_space<vmem>> -> memref<1x64x128xf32, #tpu.memory_space<vmem>>
        %dma_wait3A_87 = tpu.memref_squeeze %dma_wait3A_86 : memref<1x64x128xf32, #tpu.memory_space<vmem>> -> memref<64x128xf32, #tpu.memory_space<vmem>>
        %dma_wait3A_88 = arith.constant 0 : i32
        %dma_wait3A_89 = arith.constant 0 : i32
        %dma_wait3A_90 = tpu.memref_slice %arg2[%dma_wait3A_88, %dma_wait3A_89] : memref<10240x128xf32, #tpu.memory_space<hbm>> -> memref<64x128xf32, #tpu.memory_space<hbm>>
        %dma_wait3A_91 = arith.constant 64 : i32
        %dma_wait3A_92 = arith.constant 0 : i32
        %dma_wait3A_93 = tpu.memref_slice %arg9[%select_n3A_69, %dma_wait3A_91, %dma_wait3A_92] : memref<2x128x128xf32, #tpu.memory_space<vmem>> -> memref<1x64x128xf32, #tpu.memory_space<vmem>>
        %dma_wait3A_94 = tpu.memref_squeeze %dma_wait3A_93 : memref<1x64x128xf32, #tpu.memory_space<vmem>> -> memref<64x128xf32, #tpu.memory_space<vmem>>
        %dma_wait3A_95 = arith.constant 0 : i32
        %dma_wait3A_96 = arith.constant 0 : i32
        %dma_wait3A_97 = tpu.memref_slice %arg2[%dma_wait3A_95, %dma_wait3A_96] : memref<10240x128xf32, #tpu.memory_space<hbm>> -> memref<64x128xf32, #tpu.memory_space<hbm>>
        tpu.wait_dma2 semaphore(%arg11 : memref<!tpu.dma_semaphore, #tpu.memory_space<semaphore_mem>>) src(%dma_wait3A_97 : memref<64x128xf32, #tpu.memory_space<hbm>>) dst(%dma_wait3A_94 : memref<64x128xf32, #tpu.memory_space<vmem>>)
        %ge3A = arith.constant 1 : i32
        %ge3A_98 = arith.cmpi sge, %scan3A_60, %ge3A : i32
        %convert_element_type3A = arith.extui %ge3A_98 : i1 to i32
        %cond3A = arith.constant 0 : i32
        %cond3A_99 = arith.cmpi ne, %convert_element_type3A, %cond3A : i32
        scf.if %cond3A_99 {
          %add3A_133 = arith.constant 1 : i32
          %add3A_134 = arith.addi %scan3A_60, %add3A_133 : i32
          %jit3A_135 = arith.constant 2 : i32
          %eq3A_136 = arith.constant 0 : i32
          %eq3A_137 = arith.cmpi eq, %jit3A_135, %eq3A_136 : i32
          %jit3A_138 = arith.constant 1 : i32
          %select_n3A_139 = arith.select %eq3A_137, %jit3A_138, %jit3A_135 : i32
          %rem3A_140 = arith.remsi %add3A_134, %select_n3A_139 : i32
          %ne3A_141 = arith.constant 0 : i32
          %ne3A_142 = arith.cmpi ne, %rem3A_140, %ne3A_141 : i32
          %lt3A_143 = arith.constant 0 : i32
          %lt3A_144 = arith.cmpi slt, %rem3A_140, %lt3A_143 : i32
          %lt3A_145 = arith.constant 0 : i32
          %lt3A_146 = arith.cmpi slt, %select_n3A_139, %lt3A_145 : i32
          %ne3A_147 = arith.xori %lt3A_144, %lt3A_146 : i1
          %and3A_148 = arith.andi %ne3A_147, %ne3A_142 : i1
          %add3A_149 = arith.addi %rem3A_140, %select_n3A_139 : i32
          %select_n3A_150 = arith.select %and3A_148, %add3A_149, %rem3A_140 : i32
          %dma_wait3A_151 = arith.constant 0 : i32
          %dma_wait3A_152 = arith.constant 0 : i32
          %dma_wait3A_153 = tpu.memref_slice %arg9[%select_n3A_150, %dma_wait3A_151, %dma_wait3A_152] : memref<2x128x128xf32, #tpu.memory_space<vmem>> -> memref<1x128x128xf32, #tpu.memory_space<vmem>>
          %dma_wait3A_154 = tpu.memref_squeeze %dma_wait3A_153 : memref<1x128x128xf32, #tpu.memory_space<vmem>> -> memref<128x128xf32, #tpu.memory_space<vmem>>
          %dma_wait3A_155 = arith.constant 0 : i32
          %dma_wait3A_156 = arith.constant 0 : i32
          %dma_wait3A_157 = tpu.memref_slice %arg2[%dma_wait3A_155, %dma_wait3A_156] : memref<10240x128xf32, #tpu.memory_space<hbm>> -> memref<128x128xf32, #tpu.memory_space<hbm>>
          %dma_wait3A_158 = arith.constant 0 : i32
          %dma_wait3A_159 = arith.constant 0 : i32
          %dma_wait3A_160 = tpu.memref_slice %arg9[%select_n3A_150, %dma_wait3A_158, %dma_wait3A_159] : memref<2x128x128xf32, #tpu.memory_space<vmem>> -> memref<1x128x128xf32, #tpu.memory_space<vmem>>
          %dma_wait3A_161 = tpu.memref_squeeze %dma_wait3A_160 : memref<1x128x128xf32, #tpu.memory_space<vmem>> -> memref<128x128xf32, #tpu.memory_space<vmem>>
          %dma_wait3A_162 = arith.constant 0 : i32
          %dma_wait3A_163 = arith.constant 0 : i32
          %dma_wait3A_164 = tpu.memref_slice %arg2[%dma_wait3A_162, %dma_wait3A_163] : memref<10240x128xf32, #tpu.memory_space<hbm>> -> memref<128x128xf32, #tpu.memory_space<hbm>>
          tpu.wait_dma2 semaphore(%arg12 : memref<!tpu.dma_semaphore, #tpu.memory_space<semaphore_mem>>) src(%dma_wait3A_164 : memref<128x128xf32, #tpu.memory_space<hbm>>) dst(%dma_wait3A_161 : memref<128x128xf32, #tpu.memory_space<vmem>>)
        } else {
        }
        %add3A_100 = arith.constant 1 : i32
        %add3A_101 = arith.addi %scan3A_60, %add3A_100 : i32
        %lt3A_102 = arith.constant 28 : i32
        %lt3A_103 = arith.cmpi slt, %add3A_101, %lt3A_102 : i32
        %convert_element_type3A_104 = arith.extui %lt3A_103 : i1 to i32
        %cond3A_105 = arith.constant 0 : i32
        %cond3A_106 = arith.cmpi ne, %convert_element_type3A_104, %cond3A_105 : i32
        scf.if %cond3A_106 {
          %add3A_133 = arith.constant 1 : i32
          %add3A_134 = arith.addi %scan3A_60, %add3A_133 : i32
          %add3A_135 = arith.constant 1 : i32
          %add3A_136 = arith.addi %scan3A_60, %add3A_135 : i32
          %jit3A_137 = arith.constant 2 : i32
          %eq3A_138 = arith.constant 0 : i32
          %eq3A_139 = arith.cmpi eq, %jit3A_137, %eq3A_138 : i32
          %jit3A_140 = arith.constant 1 : i32
          %select_n3A_141 = arith.select %eq3A_139, %jit3A_140, %jit3A_137 : i32
          %rem3A_142 = arith.remsi %add3A_136, %select_n3A_141 : i32
          %ne3A_143 = arith.constant 0 : i32
          %ne3A_144 = arith.cmpi ne, %rem3A_142, %ne3A_143 : i32
          %lt3A_145 = arith.constant 0 : i32
          %lt3A_146 = arith.cmpi slt, %rem3A_142, %lt3A_145 : i32
          %lt3A_147 = arith.constant 0 : i32
          %lt3A_148 = arith.cmpi slt, %select_n3A_141, %lt3A_147 : i32
          %ne3A_149 = arith.xori %lt3A_146, %lt3A_148 : i1
          %and3A_150 = arith.andi %ne3A_149, %ne3A_144 : i1
          %add3A_151 = arith.addi %rem3A_142, %select_n3A_141 : i32
          %select_n3A_152 = arith.select %and3A_150, %add3A_151, %rem3A_142 : i32
          %dma_start3A_153 = arith.constant 0 : i32
          %dma_start3A_154 = arith.constant 0 : i32
          %dma_start3A_155 = tpu.memref_slice %arg9[%select_n3A_152, %dma_start3A_153, %dma_start3A_154] : memref<2x128x128xf32, #tpu.memory_space<vmem>> -> memref<1x64x128xf32, #tpu.memory_space<vmem>>
          %dma_start3A_156 = tpu.memref_squeeze %dma_start3A_155 : memref<1x64x128xf32, #tpu.memory_space<vmem>> -> memref<64x128xf32, #tpu.memory_space<vmem>>
          %dma_start3A_157 = arith.constant 0 : i32
          %dma_start3A_158 = tpu.memref_slice %arg7[%add3A_134, %dma_start3A_157] : memref<28x128xi32, #tpu.memory_space<vmem>> -> memref<1x64xi32, #tpu.memory_space<vmem>>
          %dma_start3A_159 = tpu.memref_squeeze %dma_start3A_158 : memref<1x64xi32, #tpu.memory_space<vmem>> -> memref<64xi32, #tpu.memory_space<vmem>>
          %dma_start3A_160 = arith.constant 0 : i32
          %dma_start3A_161 = arith.constant 0 : i32
          %dma_start3A_162 = tpu.memref_slice %arg2[%dma_start3A_160, %dma_start3A_161] : memref<10240x128xf32, #tpu.memory_space<hbm>> -> memref<10240x128xf32, #tpu.memory_space<hbm>>
          tpu.enqueue_indirect_dma source(%dma_start3A_162 : memref<10240x128xf32, #tpu.memory_space<hbm>>) target(%dma_start3A_156 : memref<64x128xf32, #tpu.memory_space<vmem>>) offsets(%dma_start3A_159 : memref<64xi32, #tpu.memory_space<vmem>>) semaphore(%arg11 : memref<!tpu.dma_semaphore, #tpu.memory_space<semaphore_mem>>)
          %dma_start3A_163 = arith.constant 64 : i32
          %dma_start3A_164 = arith.constant 0 : i32
          %dma_start3A_165 = tpu.memref_slice %arg9[%select_n3A_152, %dma_start3A_163, %dma_start3A_164] : memref<2x128x128xf32, #tpu.memory_space<vmem>> -> memref<1x64x128xf32, #tpu.memory_space<vmem>>
          %dma_start3A_166 = tpu.memref_squeeze %dma_start3A_165 : memref<1x64x128xf32, #tpu.memory_space<vmem>> -> memref<64x128xf32, #tpu.memory_space<vmem>>
          %dma_start3A_167 = arith.constant 64 : i32
          %dma_start3A_168 = tpu.memref_slice %arg7[%add3A_134, %dma_start3A_167] : memref<28x128xi32, #tpu.memory_space<vmem>> -> memref<1x64xi32, #tpu.memory_space<vmem>>
          %dma_start3A_169 = tpu.memref_squeeze %dma_start3A_168 : memref<1x64xi32, #tpu.memory_space<vmem>> -> memref<64xi32, #tpu.memory_space<vmem>>
          %dma_start3A_170 = arith.constant 0 : i32
          %dma_start3A_171 = arith.constant 0 : i32
          %dma_start3A_172 = tpu.memref_slice %arg2[%dma_start3A_170, %dma_start3A_171] : memref<10240x128xf32, #tpu.memory_space<hbm>> -> memref<10240x128xf32, #tpu.memory_space<hbm>>
          tpu.enqueue_indirect_dma source(%dma_start3A_172 : memref<10240x128xf32, #tpu.memory_space<hbm>>) target(%dma_start3A_166 : memref<64x128xf32, #tpu.memory_space<vmem>>) offsets(%dma_start3A_169 : memref<64xi32, #tpu.memory_space<vmem>>) semaphore(%arg11 : memref<!tpu.dma_semaphore, #tpu.memory_space<semaphore_mem>>)
        } else {
        }
        %jit3A_107 = arith.constant 2 : i32
        %eq3A_108 = arith.constant 0 : i32
        %eq3A_109 = arith.cmpi eq, %jit3A_107, %eq3A_108 : i32
        %jit3A_110 = arith.constant 1 : i32
        %select_n3A_111 = arith.select %eq3A_109, %jit3A_110, %jit3A_107 : i32
        %rem3A_112 = arith.remsi %scan3A_60, %select_n3A_111 : i32
        %ne3A_113 = arith.constant 0 : i32
        %ne3A_114 = arith.cmpi ne, %rem3A_112, %ne3A_113 : i32
        %lt3A_115 = arith.constant 0 : i32
        %lt3A_116 = arith.cmpi slt, %rem3A_112, %lt3A_115 : i32
        %lt3A_117 = arith.constant 0 : i32
        %lt3A_118 = arith.cmpi slt, %select_n3A_111, %lt3A_117 : i32
        %ne3A_119 = arith.xori %lt3A_116, %lt3A_118 : i1
        %and3A_120 = arith.andi %ne3A_119, %ne3A_114 : i1
        %add3A_121 = arith.addi %rem3A_112, %select_n3A_111 : i32
        %select_n3A_122 = arith.select %and3A_120, %add3A_121, %rem3A_112 : i32
        %dma_start3A_123 = arith.constant 0 : i32
        %dma_start3A_124 = arith.constant 0 : i32
        %dma_start3A_125 = tpu.memref_slice %arg9[%select_n3A_122, %dma_start3A_123, %dma_start3A_124] : memref<2x128x128xf32, #tpu.memory_space<vmem>> -> memref<1x128x128xf32, #tpu.memory_space<vmem>>
        %dma_start3A_126 = tpu.memref_squeeze %dma_start3A_125 : memref<1x128x128xf32, #tpu.memory_space<vmem>> -> memref<128x128xf32, #tpu.memory_space<vmem>>
        %dma_start3A_127 = arith.constant 0 : i32
        %dma_start3A_128 = tpu.memref_slice %arg8[%scan3A_60, %dma_start3A_127] : memref<28x128xi32, #tpu.memory_space<vmem>> -> memref<1x128xi32, #tpu.memory_space<vmem>>
        %dma_start3A_129 = tpu.memref_squeeze %dma_start3A_128 : memref<1x128xi32, #tpu.memory_space<vmem>> -> memref<128xi32, #tpu.memory_space<vmem>>
        %dma_start3A_130 = arith.constant 0 : i32
        %dma_start3A_131 = arith.constant 0 : i32
        %dma_start3A_132 = tpu.memref_slice %arg10[%dma_start3A_130, %dma_start3A_131] : memref<10240x128xf32, #tpu.memory_space<vmem_shared>> -> memref<10240x128xf32, #tpu.memory_space<vmem_shared>>
        tpu.enqueue_indirect_dma source(%dma_start3A_126 : memref<128x128xf32, #tpu.memory_space<vmem>>) target(%dma_start3A_132 : memref<10240x128xf32, #tpu.memory_space<vmem_shared>>) offsets(%dma_start3A_129 : memref<128xi32, #tpu.memory_space<vmem>>) semaphore(%arg12 : memref<!tpu.dma_semaphore, #tpu.memory_space<semaphore_mem>>) {add = true}
      }
      %scan3A_45 = arith.constant 28 : i32
      %dma_wait3A = arith.constant 0 : i32
      %dma_wait3A_46 = arith.constant 0 : i32
      %dma_wait3A_47 = arith.constant 0 : i32
      %dma_wait3A_48 = tpu.memref_slice %arg9[%dma_wait3A, %dma_wait3A_46, %dma_wait3A_47] : memref<2x128x128xf32, #tpu.memory_space<vmem>> -> memref<1x128x128xf32, #tpu.memory_space<vmem>>
      %dma_wait3A_49 = tpu.memref_squeeze %dma_wait3A_48 : memref<1x128x128xf32, #tpu.memory_space<vmem>> -> memref<128x128xf32, #tpu.memory_space<vmem>>
      %dma_wait3A_50 = arith.constant 0 : i32
      %dma_wait3A_51 = arith.constant 0 : i32
      %dma_wait3A_52 = tpu.memref_slice %arg2[%dma_wait3A_50, %dma_wait3A_51] : memref<10240x128xf32, #tpu.memory_space<hbm>> -> memref<128x128xf32, #tpu.memory_space<hbm>>
      %dma_wait3A_53 = arith.constant 0 : i32
      %dma_wait3A_54 = arith.constant 0 : i32
      %dma_wait3A_55 = tpu.memref_slice %arg9[%dma_wait3A, %dma_wait3A_53, %dma_wait3A_54] : memref<2x128x128xf32, #tpu.memory_space<vmem>> -> memref<1x128x128xf32, #tpu.memory_space<vmem>>
      %dma_wait3A_56 = tpu.memref_squeeze %dma_wait3A_55 : memref<1x128x128xf32, #tpu.memory_space<vmem>> -> memref<128x128xf32, #tpu.memory_space<vmem>>
      %dma_wait3A_57 = arith.constant 0 : i32
      %dma_wait3A_58 = arith.constant 0 : i32
      %dma_wait3A_59 = tpu.memref_slice %arg2[%dma_wait3A_57, %dma_wait3A_58] : memref<10240x128xf32, #tpu.memory_space<hbm>> -> memref<128x128xf32, #tpu.memory_space<hbm>>
      tpu.wait_dma2 semaphore(%arg12 : memref<!tpu.dma_semaphore, #tpu.memory_space<semaphore_mem>>) src(%dma_wait3A_59 : memref<128x128xf32, #tpu.memory_space<hbm>>) dst(%dma_wait3A_56 : memref<128x128xf32, #tpu.memory_space<vmem>>)
    }
    %scan3A_7 = arith.constant 3 : i32
    %barrier3A_8 = arith.constant 0 : index
    tpu.barrier barrier_id(%barrier3A_8)
    %mul3A_9 = arith.constant 640 : i32
    %mul3A_10 = arith.muli %arg1, %mul3A_9 : i32
    %mul3A_11 = arith.constant 640 : i32
    %mul3A_12 = arith.muli %arg1, %mul3A_11 : i32
    "tpu.region"() ({
      %run_scoped3A = tpu.sem_alloc : memref<!tpu.dma_semaphore, #tpu.memory_space<semaphore_mem>>
      %dma_start3A = arith.constant 0 : i32
      %dma_start3A_13 = tpu.memref_slice %arg6[%arg0, %mul3A_12, %dma_start3A] : memref<2x10240x128xf32, #tpu.memory_space<hbm>> -> memref<1x640x128xf32, #tpu.memory_space<hbm>>
      %dma_start3A_14 = tpu.memref_squeeze %dma_start3A_13 : memref<1x640x128xf32, #tpu.memory_space<hbm>> -> memref<640x128xf32, #tpu.memory_space<hbm>>
      %dma_start3A_15 = arith.constant 0 : i32
      %dma_start3A_16 = tpu.memref_slice %arg10[%mul3A_10, %dma_start3A_15] : memref<10240x128xf32, #tpu.memory_space<vmem_shared>> -> memref<640x128xf32, #tpu.memory_space<vmem_shared>>
      tpu.enqueue_dma source(%dma_start3A_16 : memref<640x128xf32, #tpu.memory_space<vmem_shared>>) target(%dma_start3A_14 : memref<640x128xf32, #tpu.memory_space<hbm>>) target_semaphore(%run_scoped3A : memref<!tpu.dma_semaphore, #tpu.memory_space<semaphore_mem>>)
      %dma_wait3A = arith.constant 0 : i32
      %dma_wait3A_17 = tpu.memref_slice %arg6[%arg0, %mul3A_12, %dma_wait3A] : memref<2x10240x128xf32, #tpu.memory_space<hbm>> -> memref<1x640x128xf32, #tpu.memory_space<hbm>>
      %dma_wait3A_18 = tpu.memref_squeeze %dma_wait3A_17 : memref<1x640x128xf32, #tpu.memory_space<hbm>> -> memref<640x128xf32, #tpu.memory_space<hbm>>
      %dma_wait3A_19 = arith.constant 0 : i32
      %dma_wait3A_20 = tpu.memref_slice %arg10[%mul3A_10, %dma_wait3A_19] : memref<10240x128xf32, #tpu.memory_space<vmem_shared>> -> memref<640x128xf32, #tpu.memory_space<vmem_shared>>
      tpu.wait_dma2 semaphore(%run_scoped3A : memref<!tpu.dma_semaphore, #tpu.memory_space<semaphore_mem>>) src(%dma_wait3A_20 : memref<640x128xf32, #tpu.memory_space<vmem_shared>>) dst(%dma_wait3A_18 : memref<640x128xf32, #tpu.memory_space<hbm>>)
      tpu.yield
    }) : () -> ()
    return
  }
}

module attributes {stable_mosaic.version = 14 : i64} {
  func.func @_tc0_body(%arg0: i32, %arg1: memref<512x128xf32, #tpu.memory_space<vmem>>, %arg2: memref<2x512x128xf32, #tpu.memory_space<vmem>>, %arg3: memref<512x128xf32, #tpu.memory_space<vmem>>, %arg4: memref<128x128xf32, #tpu.memory_space<vmem>>, %arg5: memref<512x128xf32, #tpu.memory_space<vmem>>, %arg6: memref<512x128xf32, #tpu.memory_space<vmem>>) attributes {dimension_semantics = [#tpu.dimension_semantics<arbitrary>], iteration_bounds = array<i64: 20>, scalar_prefetch = 0 : i64, scratch_operands = 0 : i64, tpu.core_type = #tpu.core_type<tc>, window_params = [{transform_indices = @transform_0, window_bounds = array<i64: 512, 128>}, {transform_indices = @transform_1, window_bounds = array<i64: 2, 512, 128>}, {transform_indices = @transform_2, window_bounds = array<i64: 512, 128>}, {pipeline_mode = #tpu.pipeline_mode<synchronous>, transform_indices = @transform_3, window_bounds = array<i64: 128, 128>}, {transform_indices = @transform_4, window_bounds = array<i64: 512, 128>}, {transform_indices = @transform_5, window_bounds = array<i64: 512, 128>}]} {
    %get3A = arith.constant 0 : index
    %get3A_0 = arith.constant 0 : index
    %get3A_1 = arith.constant 0 : index
    %get3A_2 = vector.load %arg2[%get3A, %get3A_0, %get3A_1] : memref<2x512x128xf32, #tpu.memory_space<vmem>>, vector<1x512x128xf32>
    %get3A_3 = vector.shape_cast %get3A_2 : vector<1x512x128xf32> to vector<512x128xf32>
    %get3A_4 = arith.constant 1 : index
    %get3A_5 = arith.constant 0 : index
    %get3A_6 = arith.constant 0 : index
    %get3A_7 = vector.load %arg2[%get3A_4, %get3A_5, %get3A_6] : memref<2x512x128xf32, #tpu.memory_space<vmem>>, vector<1x512x128xf32>
    %get3A_8 = vector.shape_cast %get3A_7 : vector<1x512x128xf32> to vector<512x128xf32>
    %add3A = arith.addf %get3A_3, %get3A_8 : vector<512x128xf32>
    %get3A_9 = arith.constant 0 : index
    %get3A_10 = arith.constant 0 : index
    %get3A_11 = vector.load %arg3[%get3A_9, %get3A_10] : memref<512x128xf32, #tpu.memory_space<vmem>>, vector<512x128xf32>
    %max3A = arith.constant 1.000000e+00 : f32
    %max3A_12 = vector.broadcast %max3A : f32 to vector<512x128xf32>
    %max3A_13 = arith.maximumf %add3A, %max3A_12 : vector<512x128xf32>
    %rsqrt3A = math.rsqrt %max3A_13 : vector<512x128xf32>
    %mul3A = arith.mulf %get3A_11, %rsqrt3A : vector<512x128xf32>
    %swap3A = arith.constant 0 : index
    %swap3A_14 = arith.constant 0 : index
    %swap3A_15 = vector.load %arg6[%swap3A, %swap3A_14] : memref<512x128xf32, #tpu.memory_space<vmem>>, vector<512x128xf32>
    tpu.vector_store %arg6[%swap3A, %swap3A_14], %mul3A {strides = array<i32>} : memref<512x128xf32, #tpu.memory_space<vmem>>, vector<512x128xf32>,
    %get3A_16 = arith.constant 0 : index
    %get3A_17 = arith.constant 0 : index
    %get3A_18 = vector.load %arg1[%get3A_16, %get3A_17] : memref<512x128xf32, #tpu.memory_space<vmem>>, vector<512x128xf32>
    %get3A_19 = arith.constant 0 : index
    %get3A_20 = arith.constant 0 : index
    %get3A_21 = vector.load %arg4[%get3A_19, %get3A_20] : memref<128x128xf32, #tpu.memory_space<vmem>>, vector<128x128xf32>
    %dot_general3A = arith.constant dense<0.000000e+00> : vector<512x128xf32>
    %dot_general3A_22 = tpu.matmul %get3A_18, %get3A_21, %dot_general3A {dimension_numbers = #tpu.dot_dimension_numbers<[1], [0], [0], [1], [0, 0, 1, 1], [], []>, transpose_lhs_hint = false} : vector<512x128xf32>, vector<128x128xf32>, vector<512x128xf32> -> vector<512x128xf32>
    %mul3A_23 = arith.mulf %mul3A, %dot_general3A_22 : vector<512x128xf32>
    %swap3A_24 = arith.constant 0 : index
    %swap3A_25 = arith.constant 0 : index
    %swap3A_26 = vector.load %arg5[%swap3A_24, %swap3A_25] : memref<512x128xf32, #tpu.memory_space<vmem>>, vector<512x128xf32>
    tpu.vector_store %arg5[%swap3A_24, %swap3A_25], %mul3A_23 {strides = array<i32>} : memref<512x128xf32, #tpu.memory_space<vmem>>, vector<512x128xf32>,
    return
  }
  func.func @transform_0(%arg0: i32) -> (i32, i32) {
    %c0_i32 = arith.constant 0 : i32
    %c0_i32_0 = arith.constant 0 : i32
    return %arg0, %c0_i32 : i32, i32
  }
  func.func @transform_1(%arg0: i32) -> (i32, i32, i32) {
    %c0_i32 = arith.constant 0 : i32
    %c0_i32_0 = arith.constant 0 : i32
    %c0_i32_1 = arith.constant 0 : i32
    return %c0_i32, %arg0, %c0_i32_0 : i32, i32, i32
  }
  func.func @transform_2(%arg0: i32) -> (i32, i32) {
    %c0_i32 = arith.constant 0 : i32
    %c0_i32_0 = arith.constant 0 : i32
    return %arg0, %c0_i32 : i32, i32
  }
  func.func @transform_3(%arg0: i32) -> (i32, i32) {
    %c0_i32 = arith.constant 0 : i32
    %c0_i32_0 = arith.constant 0 : i32
    %c0_i32_1 = arith.constant 0 : i32
    return %c0_i32, %c0_i32_0 : i32, i32
  }
  func.func @transform_4(%arg0: i32) -> (i32, i32) {
    %c0_i32 = arith.constant 0 : i32
    %c0_i32_0 = arith.constant 0 : i32
    return %arg0, %c0_i32 : i32, i32
  }
  func.func @transform_5(%arg0: i32) -> (i32, i32) {
    %c0_i32 = arith.constant 0 : i32
    %c0_i32_0 = arith.constant 0 : i32
    return %arg0, %c0_i32 : i32, i32
  }
}

module attributes {stable_mosaic.version = 14 : i64} {
  func.func @_tc_layer_body(%arg0: i32, %arg1: memref<2x512x128xf32, #tpu.memory_space<vmem>>, %arg2: memref<512x128xf32, #tpu.memory_space<vmem>>, %arg3: memref<512x128xf32, #tpu.memory_space<vmem>>, %arg4: memref<1x128xf32, #tpu.memory_space<vmem>>, %arg5: memref<128x128xf32, #tpu.memory_space<vmem>>, %arg6: memref<512x128xf32, #tpu.memory_space<vmem>>, %arg7: memref<512x128xf32, #tpu.memory_space<vmem>>) attributes {dimension_semantics = [#tpu.dimension_semantics<arbitrary>], iteration_bounds = array<i64: 20>, scalar_prefetch = 0 : i64, scratch_operands = 0 : i64, tpu.core_type = #tpu.core_type<tc>, window_params = [{transform_indices = @transform_0, window_bounds = array<i64: 2, 512, 128>}, {transform_indices = @transform_1, window_bounds = array<i64: 512, 128>}, {transform_indices = @transform_2, window_bounds = array<i64: 512, 128>}, {pipeline_mode = #tpu.pipeline_mode<synchronous>, transform_indices = @transform_3, window_bounds = array<i64: 1, 128>}, {pipeline_mode = #tpu.pipeline_mode<synchronous>, transform_indices = @transform_4, window_bounds = array<i64: 128, 128>}, {transform_indices = @transform_5, window_bounds = array<i64: 512, 128>}, {transform_indices = @transform_6, window_bounds = array<i64: 512, 128>}]} {
    %get3A = arith.constant 0 : index
    %get3A_0 = arith.constant 0 : index
    %get3A_1 = vector.load %arg3[%get3A, %get3A_0] : memref<512x128xf32, #tpu.memory_space<vmem>>, vector<512x128xf32>
    %get3A_2 = arith.constant 0 : index
    %get3A_3 = arith.constant 0 : index
    %get3A_4 = arith.constant 0 : index
    %get3A_5 = vector.load %arg1[%get3A_2, %get3A_3, %get3A_4] : memref<2x512x128xf32, #tpu.memory_space<vmem>>, vector<1x512x128xf32>
    %get3A_6 = vector.shape_cast %get3A_5 : vector<1x512x128xf32> to vector<512x128xf32>
    %get3A_7 = arith.constant 1 : index
    %get3A_8 = arith.constant 0 : index
    %get3A_9 = arith.constant 0 : index
    %get3A_10 = vector.load %arg1[%get3A_7, %get3A_8, %get3A_9] : memref<2x512x128xf32, #tpu.memory_space<vmem>>, vector<1x512x128xf32>
    %get3A_11 = vector.shape_cast %get3A_10 : vector<1x512x128xf32> to vector<512x128xf32>
    %add3A = arith.addf %get3A_6, %get3A_11 : vector<512x128xf32>
    %get3A_12 = arith.constant 0 : index
    %get3A_13 = arith.constant 0 : index
    %get3A_14 = vector.load %arg2[%get3A_12, %get3A_13] : memref<512x128xf32, #tpu.memory_space<vmem>>, vector<512x128xf32>
    %add3A_15 = arith.addf %add3A, %get3A_14 : vector<512x128xf32>
    %mul3A = arith.mulf %get3A_1, %add3A_15 : vector<512x128xf32>
    %get3A_16 = arith.constant 0 : index
    %get3A_17 = arith.constant 0 : index
    %get3A_18 = vector.load %arg4[%get3A_16, %get3A_17] : memref<1x128xf32, #tpu.memory_space<vmem>>, vector<1x128xf32>
    %add3A_19 = vector.broadcast %get3A_18 : vector<1x128xf32> to vector<512x128xf32>
    %add3A_20 = arith.addf %mul3A, %add3A_19 : vector<512x128xf32>
    %swap3A = arith.constant 0 : index
    %swap3A_21 = arith.constant 0 : index
    %swap3A_22 = vector.load %arg6[%swap3A, %swap3A_21] : memref<512x128xf32, #tpu.memory_space<vmem>>, vector<512x128xf32>
    tpu.vector_store %arg6[%swap3A, %swap3A_21], %add3A_20 {strides = array<i32>} : memref<512x128xf32, #tpu.memory_space<vmem>>, vector<512x128xf32>,
    %get3A_23 = arith.constant 0 : index
    %get3A_24 = arith.constant 0 : index
    %get3A_25 = vector.load %arg5[%get3A_23, %get3A_24] : memref<128x128xf32, #tpu.memory_space<vmem>>, vector<128x128xf32>
    %dot_general3A = arith.constant dense<0.000000e+00> : vector<512x128xf32>
    %dot_general3A_26 = tpu.matmul %add3A_20, %get3A_25, %dot_general3A {dimension_numbers = #tpu.dot_dimension_numbers<[1], [0], [0], [1], [0, 0, 1, 1], [], []>, transpose_lhs_hint = false} : vector<512x128xf32>, vector<128x128xf32>, vector<512x128xf32> -> vector<512x128xf32>
    %mul3A_27 = arith.mulf %get3A_1, %dot_general3A_26 : vector<512x128xf32>
    %swap3A_28 = arith.constant 0 : index
    %swap3A_29 = arith.constant 0 : index
    %swap3A_30 = vector.load %arg7[%swap3A_28, %swap3A_29] : memref<512x128xf32, #tpu.memory_space<vmem>>, vector<512x128xf32>
    tpu.vector_store %arg7[%swap3A_28, %swap3A_29], %mul3A_27 {strides = array<i32>} : memref<512x128xf32, #tpu.memory_space<vmem>>, vector<512x128xf32>,
    return
  }
  func.func @transform_0(%arg0: i32) -> (i32, i32, i32) {
    %c0_i32 = arith.constant 0 : i32
    %c0_i32_0 = arith.constant 0 : i32
    %c0_i32_1 = arith.constant 0 : i32
    return %c0_i32, %arg0, %c0_i32_0 : i32, i32, i32
  }
  func.func @transform_1(%arg0: i32) -> (i32, i32) {
    %c0_i32 = arith.constant 0 : i32
    %c0_i32_0 = arith.constant 0 : i32
    return %arg0, %c0_i32 : i32, i32
  }
  func.func @transform_2(%arg0: i32) -> (i32, i32) {
    %c0_i32 = arith.constant 0 : i32
    %c0_i32_0 = arith.constant 0 : i32
    return %arg0, %c0_i32 : i32, i32
  }
  func.func @transform_3(%arg0: i32) -> (i32, i32) {
    %c0_i32 = arith.constant 0 : i32
    %c0_i32_0 = arith.constant 0 : i32
    %c0_i32_1 = arith.constant 0 : i32
    return %c0_i32, %c0_i32_0 : i32, i32
  }
  func.func @transform_4(%arg0: i32) -> (i32, i32) {
    %c0_i32 = arith.constant 0 : i32
    %c0_i32_0 = arith.constant 0 : i32
    %c0_i32_1 = arith.constant 0 : i32
    return %c0_i32, %c0_i32_0 : i32, i32
  }
  func.func @transform_5(%arg0: i32) -> (i32, i32) {
    %c0_i32 = arith.constant 0 : i32
    %c0_i32_0 = arith.constant 0 : i32
    return %arg0, %c0_i32 : i32, i32
  }
  func.func @transform_6(%arg0: i32) -> (i32, i32) {
    %c0_i32 = arith.constant 0 : i32
    %c0_i32_0 = arith.constant 0 : i32
    return %arg0, %c0_i32 : i32, i32
  }
}

module attributes {stable_mosaic.version = 14 : i64} {
  func.func @_tc_final_body(%arg0: i32, %arg1: memref<2x512x128xf32, #tpu.memory_space<vmem>>, %arg2: memref<512x128xf32, #tpu.memory_space<vmem>>, %arg3: memref<512x128xf32, #tpu.memory_space<vmem>>, %arg4: memref<1x16xf32, #tpu.memory_space<vmem>>, %arg5: memref<512x128xf32, #tpu.memory_space<vmem>>, %arg6: memref<512x128xf32, #tpu.memory_space<vmem>>, %arg7: memref<512x128xf32, #tpu.memory_space<vmem>>, %arg8: memref<128x16xf32, #tpu.memory_space<vmem>>, %arg9: memref<128x16xf32, #tpu.memory_space<vmem>>, %arg10: memref<128x16xf32, #tpu.memory_space<vmem>>, %arg11: memref<1x16xf32, #tpu.memory_space<vmem>>, %arg12: memref<16x16xf32, #tpu.memory_space<vmem>>, %arg13: memref<1x16xf32, #tpu.memory_space<vmem>>, %arg14: memref<512x16xf32, #tpu.memory_space<vmem>>) attributes {dimension_semantics = [#tpu.dimension_semantics<arbitrary>], iteration_bounds = array<i64: 20>, scalar_prefetch = 0 : i64, scratch_operands = 0 : i64, tpu.core_type = #tpu.core_type<tc>, window_params = [{transform_indices = @transform_0, window_bounds = array<i64: 2, 512, 128>}, {transform_indices = @transform_1, window_bounds = array<i64: 512, 128>}, {transform_indices = @transform_2, window_bounds = array<i64: 512, 128>}, {pipeline_mode = #tpu.pipeline_mode<synchronous>, transform_indices = @transform_3, window_bounds = array<i64: 1, 16>}, {transform_indices = @transform_4, window_bounds = array<i64: 512, 128>}, {transform_indices = @transform_5, window_bounds = array<i64: 512, 128>}, {transform_indices = @transform_6, window_bounds = array<i64: 512, 128>}, {pipeline_mode = #tpu.pipeline_mode<synchronous>, transform_indices = @transform_7, window_bounds = array<i64: 128, 16>}, {pipeline_mode = #tpu.pipeline_mode<synchronous>, transform_indices = @transform_8, window_bounds = array<i64: 128, 16>}, {pipeline_mode = #tpu.pipeline_mode<synchronous>, transform_indices = @transform_9, window_bounds = array<i64: 128, 16>}, {pipeline_mode = #tpu.pipeline_mode<synchronous>, transform_indices = @transform_10, window_bounds = array<i64: 1, 16>}, {pipeline_mode = #tpu.pipeline_mode<synchronous>, transform_indices = @transform_11, window_bounds = array<i64: 16, 16>}, {pipeline_mode = #tpu.pipeline_mode<synchronous>, transform_indices = @transform_12, window_bounds = array<i64: 1, 16>}, {transform_indices = @transform_13, window_bounds = array<i64: 512, 16>}]} {
    %get3A = arith.constant 0 : index
    %get3A_0 = arith.constant 0 : index
    %get3A_1 = arith.constant 0 : index
    %get3A_2 = vector.load %arg1[%get3A, %get3A_0, %get3A_1] : memref<2x512x128xf32, #tpu.memory_space<vmem>>, vector<1x512x128xf32>
    %get3A_3 = vector.shape_cast %get3A_2 : vector<1x512x128xf32> to vector<512x128xf32>
    %get3A_4 = arith.constant 1 : index
    %get3A_5 = arith.constant 0 : index
    %get3A_6 = arith.constant 0 : index
    %get3A_7 = vector.load %arg1[%get3A_4, %get3A_5, %get3A_6] : memref<2x512x128xf32, #tpu.memory_space<vmem>>, vector<1x512x128xf32>
    %get3A_8 = vector.shape_cast %get3A_7 : vector<1x512x128xf32> to vector<512x128xf32>
    %add3A = arith.addf %get3A_3, %get3A_8 : vector<512x128xf32>
    %get3A_9 = arith.constant 0 : index
    %get3A_10 = arith.constant 0 : index
    %get3A_11 = vector.load %arg2[%get3A_9, %get3A_10] : memref<512x128xf32, #tpu.memory_space<vmem>>, vector<512x128xf32>
    %add3A_12 = arith.addf %add3A, %get3A_11 : vector<512x128xf32>
    %slice3A = vector.extract_strided_slice %add3A_12 {offsets = [0, 0], sizes = [512, 16], strides = [1, 1]} : vector<512x128xf32> to vector<512x16xf32>
    %get3A_13 = arith.constant 0 : index
    %get3A_14 = arith.constant 0 : index
    %get3A_15 = vector.load %arg3[%get3A_13, %get3A_14] : memref<512x128xf32, #tpu.memory_space<vmem>>, vector<512x128xf32>
    %slice3A_16 = vector.extract_strided_slice %get3A_15 {offsets = [0, 0], sizes = [512, 16], strides = [1, 1]} : vector<512x128xf32> to vector<512x16xf32>
    %mul3A = arith.mulf %slice3A_16, %slice3A : vector<512x16xf32>
    %get3A_17 = arith.constant 0 : index
    %get3A_18 = arith.constant 0 : index
    %get3A_19 = vector.load %arg4[%get3A_17, %get3A_18] : memref<1x16xf32, #tpu.memory_space<vmem>>, vector<1x16xf32>
    %add3A_20 = vector.broadcast %get3A_19 : vector<1x16xf32> to vector<512x16xf32>
    %add3A_21 = arith.addf %mul3A, %add3A_20 : vector<512x16xf32>
    %get3A_22 = arith.constant 0 : index
    %get3A_23 = arith.constant 0 : index
    %get3A_24 = vector.load %arg12[%get3A_22, %get3A_23] : memref<16x16xf32, #tpu.memory_space<vmem>>, vector<16x16xf32>
    %dot_general3A = arith.constant dense<0.000000e+00> : vector<512x16xf32>
    %dot_general3A_25 = tpu.matmul %add3A_21, %get3A_24, %dot_general3A {dimension_numbers = #tpu.dot_dimension_numbers<[1], [0], [0], [1], [0, 0, 1, 1], [], []>, transpose_lhs_hint = false} : vector<512x16xf32>, vector<16x16xf32>, vector<512x16xf32> -> vector<512x16xf32>
    %get3A_26 = arith.constant 0 : index
    %get3A_27 = arith.constant 0 : index
    %get3A_28 = vector.load %arg5[%get3A_26, %get3A_27] : memref<512x128xf32, #tpu.memory_space<vmem>>, vector<512x128xf32>
    %get3A_29 = arith.constant 0 : index
    %get3A_30 = arith.constant 0 : index
    %get3A_31 = vector.load %arg8[%get3A_29, %get3A_30] : memref<128x16xf32, #tpu.memory_space<vmem>>, vector<128x16xf32>
    %dot_general3A_32 = arith.constant dense<0.000000e+00> : vector<512x16xf32>
    %dot_general3A_33 = tpu.matmul %get3A_28, %get3A_31, %dot_general3A_32 {dimension_numbers = #tpu.dot_dimension_numbers<[1], [0], [0], [1], [0, 0, 1, 1], [], []>, transpose_lhs_hint = false} : vector<512x128xf32>, vector<128x16xf32>, vector<512x16xf32> -> vector<512x16xf32>
    %get3A_34 = arith.constant 0 : index
    %get3A_35 = arith.constant 0 : index
    %get3A_36 = vector.load %arg6[%get3A_34, %get3A_35] : memref<512x128xf32, #tpu.memory_space<vmem>>, vector<512x128xf32>
    %get3A_37 = arith.constant 0 : index
    %get3A_38 = arith.constant 0 : index
    %get3A_39 = vector.load %arg9[%get3A_37, %get3A_38] : memref<128x16xf32, #tpu.memory_space<vmem>>, vector<128x16xf32>
    %dot_general3A_40 = arith.constant dense<0.000000e+00> : vector<512x16xf32>
    %dot_general3A_41 = tpu.matmul %get3A_36, %get3A_39, %dot_general3A_40 {dimension_numbers = #tpu.dot_dimension_numbers<[1], [0], [0], [1], [0, 0, 1, 1], [], []>, transpose_lhs_hint = false} : vector<512x128xf32>, vector<128x16xf32>, vector<512x16xf32> -> vector<512x16xf32>
    %add3A_42 = arith.addf %dot_general3A_33, %dot_general3A_41 : vector<512x16xf32>
    %get3A_43 = arith.constant 0 : index
    %get3A_44 = arith.constant 0 : index
    %get3A_45 = vector.load %arg7[%get3A_43, %get3A_44] : memref<512x128xf32, #tpu.memory_space<vmem>>, vector<512x128xf32>
    %get3A_46 = arith.constant 0 : index
    %get3A_47 = arith.constant 0 : index
    %get3A_48 = vector.load %arg10[%get3A_46, %get3A_47] : memref<128x16xf32, #tpu.memory_space<vmem>>, vector<128x16xf32>
    %dot_general3A_49 = arith.constant dense<0.000000e+00> : vector<512x16xf32>
    %dot_general3A_50 = tpu.matmul %get3A_45, %get3A_48, %dot_general3A_49 {dimension_numbers = #tpu.dot_dimension_numbers<[1], [0], [0], [1], [0, 0, 1, 1], [], []>, transpose_lhs_hint = false} : vector<512x128xf32>, vector<128x16xf32>, vector<512x16xf32> -> vector<512x16xf32>
    %add3A_51 = arith.addf %add3A_42, %dot_general3A_50 : vector<512x16xf32>
    %get3A_52 = arith.constant 0 : index
    %get3A_53 = arith.constant 0 : index
    %get3A_54 = vector.load %arg11[%get3A_52, %get3A_53] : memref<1x16xf32, #tpu.memory_space<vmem>>, vector<1x16xf32>
    %mul3A_55 = vector.broadcast %get3A_54 : vector<1x16xf32> to vector<512x16xf32>
    %mul3A_56 = arith.mulf %dot_general3A_25, %mul3A_55 : vector<512x16xf32>
    %add3A_57 = arith.addf %add3A_51, %mul3A_56 : vector<512x16xf32>
    %get3A_58 = arith.constant 0 : index
    %get3A_59 = arith.constant 0 : index
    %get3A_60 = vector.load %arg13[%get3A_58, %get3A_59] : memref<1x16xf32, #tpu.memory_space<vmem>>, vector<1x16xf32>
    %add3A_61 = vector.broadcast %get3A_60 : vector<1x16xf32> to vector<512x16xf32>
    %add3A_62 = arith.addf %add3A_57, %add3A_61 : vector<512x16xf32>
    %swap3A = arith.constant 0 : index
    %swap3A_63 = arith.constant 0 : index
    %swap3A_64 = vector.load %arg14[%swap3A, %swap3A_63] : memref<512x16xf32, #tpu.memory_space<vmem>>, vector<512x16xf32>
    tpu.vector_store %arg14[%swap3A, %swap3A_63], %add3A_62 {strides = array<i32>} : memref<512x16xf32, #tpu.memory_space<vmem>>, vector<512x16xf32>,
    return
  }
  func.func @transform_0(%arg0: i32) -> (i32, i32, i32) {
    %c0_i32 = arith.constant 0 : i32
    %c0_i32_0 = arith.constant 0 : i32
    %c0_i32_1 = arith.constant 0 : i32
    return %c0_i32, %arg0, %c0_i32_0 : i32, i32, i32
  }
  func.func @transform_1(%arg0: i32) -> (i32, i32) {
    %c0_i32 = arith.constant 0 : i32
    %c0_i32_0 = arith.constant 0 : i32
    return %arg0, %c0_i32 : i32, i32
  }
  func.func @transform_2(%arg0: i32) -> (i32, i32) {
    %c0_i32 = arith.constant 0 : i32
    %c0_i32_0 = arith.constant 0 : i32
    return %arg0, %c0_i32 : i32, i32
  }
  func.func @transform_3(%arg0: i32) -> (i32, i32) {
    %c0_i32 = arith.constant 0 : i32
    %c0_i32_0 = arith.constant 0 : i32
    %c0_i32_1 = arith.constant 0 : i32
    return %c0_i32, %c0_i32_0 : i32, i32
  }
  func.func @transform_4(%arg0: i32) -> (i32, i32) {
    %c0_i32 = arith.constant 0 : i32
    %c0_i32_0 = arith.constant 0 : i32
    return %arg0, %c0_i32 : i32, i32
  }
  func.func @transform_5(%arg0: i32) -> (i32, i32) {
    %c0_i32 = arith.constant 0 : i32
    %c0_i32_0 = arith.constant 0 : i32
    return %arg0, %c0_i32 : i32, i32
  }
  func.func @transform_6(%arg0: i32) -> (i32, i32) {
    %c0_i32 = arith.constant 0 : i32
    %c0_i32_0 = arith.constant 0 : i32
    return %arg0, %c0_i32 : i32, i32
  }
  func.func @transform_7(%arg0: i32) -> (i32, i32) {
    %c0_i32 = arith.constant 0 : i32
    %c0_i32_0 = arith.constant 0 : i32
    %c0_i32_1 = arith.constant 0 : i32
    return %c0_i32, %c0_i32_0 : i32, i32
  }
  func.func @transform_8(%arg0: i32) -> (i32, i32) {
    %c0_i32 = arith.constant 0 : i32
    %c0_i32_0 = arith.constant 0 : i32
    %c0_i32_1 = arith.constant 0 : i32
    return %c0_i32, %c0_i32_0 : i32, i32
  }
  func.func @transform_9(%arg0: i32) -> (i32, i32) {
    %c0_i32 = arith.constant 0 : i32
    %c0_i32_0 = arith.constant 0 : i32
    %c0_i32_1 = arith.constant 0 : i32
    return %c0_i32, %c0_i32_0 : i32, i32
  }
  func.func @transform_10(%arg0: i32) -> (i32, i32) {
    %c0_i32 = arith.constant 0 : i32
    %c0_i32_0 = arith.constant 0 : i32
    %c0_i32_1 = arith.constant 0 : i32
    return %c0_i32, %c0_i32_0 : i32, i32
  }
  func.func @transform_11(%arg0: i32) -> (i32, i32) {
    %c0_i32 = arith.constant 0 : i32
    %c0_i32_0 = arith.constant 0 : i32
    %c0_i32_1 = arith.constant 0 : i32
    return %c0_i32, %c0_i32_0 : i32, i32
  }
  func.func @transform_12(%arg0: i32) -> (i32, i32) {
    %c0_i32 = arith.constant 0 : i32
    %c0_i32_0 = arith.constant 0 : i32
    %c0_i32_1 = arith.constant 0 : i32
    return %c0_i32, %c0_i32_0 : i32, i32
  }
  func.func @transform_13(%arg0: i32) -> (i32, i32) {
    %c0_i32 = arith.constant 0 : i32
    %c0_i32_0 = arith.constant 0 : i32
    return %arg0, %c0_i32 : i32, i32
  }
}

</mosaic_0001>

<sc_bundles>
// kernel: kernel.12.cloned.1.call-start
scs
__scs_entry_jumppad:
0x0: {  	(pc) =	sbr.rel $0x88, $3  }
0x1: {  	(tag) =	ssettag $0x0;
	lr =	simm.s32 $0x1  }
0x2: {  	[smem:$0x3F95] =	sst lr;
	_ =	strace $0xD0000000  }
0x3: {  	_ = 	snop  }
0x4: {  	_ = 	snop  }
0x5: {  	_ = 	snop  }
0x6: {  	_ = 	snop  }
0x7: {  	_ = 	snop  }
__scs_overlays_trampoline_lowered:
0x8: {  	[smem:$0x3FA4] =	sst s0  }
0x9: {  	[smem:$0x3FA5] =	sst s1  }
0xa: {  	[smem:$0x3FA6] =	sst s2  }
0xb: {  	[smem:$0x3FA7] =	sst s3  }
0xc: {  	[smem:$0x3FA8] =	sst s4  }
0xd: {  	[smem:$0x3FA9] =	sst s5  }
0xe: {  	[smem:$0x3FAA] =	sst s6  }
0xf: {  	[smem:$0x3FAB] =	sst s7  }
0x10: {  	[smem:$0x3FAC] =	sst s8  }
0x11: {  	[smem:$0x3FAD] =	sst s9;
	s0 =	simm.s32 @!p0 $0x0  }
0x12: {  	s1 =	sld [smem:$0x3F93];
	s0 =	simm.s32 @p0 $0x1  }
0x13: {  	[smem:$0x3FAE] =	sst s0;
	s0 =	simm.s32 @!p1 $0x0  }
0x14: {  	s2 =	sld [smem:$0x3F92];
	s0 =	simm.s32 @p1 $0x1  }
0x15: {  	[smem:$0x3FAF] =	sst s0;
	s0 =	simm.s32 @!p2 $0x0  }
0x16: {  	s3 =	sld [smem:$0x3FDB];
	s0 =	simm.s32 @p2 $0x1  }
0x17: {  	s4 =	simm.s32 $0x1BF5;
	[smem:$0x3FB1] =	sst s0  }
0x18: {  	s0 =	sld [smem:$0x3F94];
	_ =	swait.ge [sflag:s4], $0x0  }
0x19: {  	s7 =	sld [smem:$0x3F95]  }
0x1a: {  	s8 =	sadd.s32 $0xFFFFE003, lr  }
0x1b: {  	s9 =	sadd.s32 $0xFFFFFEF7, lr;
	s5 =	simm.s32 $0xFFFFFFFF;
	p2 =	slt.u32 s8, $0xFFFFF086  }
0x1c: {  	p1 =	slt.u32 s9, $0xF7A;
	s5 =	simm.s32 @!p2 $0x0  }
0x1d: {  	s5 =	simm.s32 @p1 $0x1;
	p0 =	seq.s32 s7, s2  }
0x1e: {  	s7 =	smul.u32 @!p0 $0xF7A, s2;
	p2 =	seq.s32 @!p0 s5, $0x0  }
0x1f: {  	s9 =	smul.u32 $0xF7A, s1;
	s8 =	simm.s32 @!p0 $0x1BF5;
	p2 =	por !p2, p0  }
0x20: {  	[sflag:s8] =	ssyncset.s32 @!p0 $0xFFFFF086;
	s6 =	sadd.s32 @!p0 s3, s7;
	s7 =	simm.s32 @!p0 $0x108  }
0x21: {  	s3 =	sadd.s32 s3, s9;
	s6 =	sadd.s32 @!p0 $0x88, s6;
	s7 =	simm.s32 @p2 $0x1082  }
0x22: {  	[simem:s7], [sflag:s8] =	dma.local @!p0 [hbm:s6], $0xF7A  }
0x23: {  	s9 =	sor.u32 $0xD0000000, s2;
	s6 =	simm.s32 $0x108;
	_ =	swait.ge @!p0 [sflag:s8], $0x0  }
0x24: {  	s3 =	sadd.s32 $0x88, s3;
	s6 =	simm.s32 @!p1 $0x1082;
	[sflag:s4] =	ssyncset.s32 $0xFFFFF086  }
0x25: {  	[simem:s6], [sflag:s4] =	dma.local [hbm:s3], $0xF7A  }
0x26: {  	[smem:$0x3F95] =	sst s1;
	(tag) =	ssettag s2;
	_ =	strace s9  }
0x27: {  	s1 =	sld [smem:$0x3FA5]  }
0x28: {  	s2 =	sld [smem:$0x3FA6]  }
0x29: {  	s4 =	sld [smem:$0x3FA8]  }
0x2a: {  	p0 =	seq.s32 s5, $0x0;
	s5 =	sld [smem:$0x3FA9]  }
0x2b: {  	s6 =	sld [smem:$0x3FAA]  }
0x2c: {  	s7 =	sld [smem:$0x3FAB]  }
0x2d: {  	s3 =	simm.s32 $0x108;
	s8 =	sld [smem:$0x3FAC]  }
0x2e: {  	s3 =	simm.s32 @!p0 $0x1082;
	s9 =	sld [smem:$0x3FAD]  }
0x2f: {  	lr =	sadd.s32 s0, s3;
	s0 =	sld [smem:$0x3FA4]  }
0x30: {  	s3 =	sld [smem:$0x3FA7]  }
0x31: {  	[smem:$0x3FB0] =	sst s10  }
0x32: {  	s10 =	sld [smem:$0x3FAE];
	_ =	sdelay $0x3  }
0x33: {  	p0 =	seq.s32 s10, $0x1;
	s10 =	sld [smem:$0x3FB0];
	_ =	sdelay $0x3  }
0x34: {  	[smem:$0x3FB0] =	sst s10  }
0x35: {  	s10 =	sld [smem:$0x3FAF];
	_ =	sdelay $0x3  }
0x36: {  	p1 =	seq.s32 s10, $0x1;
	s10 =	sld [smem:$0x3FB0];
	_ =	sdelay $0x3  }
0x37: {  	[smem:$0x3FB0] =	sst s10  }
0x38: {  	s10 =	sld [smem:$0x3FB1]  }
0x39: {  	_ = 	snop;
	(pc) =	sbr.ind lr, $3  }
0x3a: {  	_ = 	snop  }
0x3b: {  	_ = 	snop  }
0x3c: {  	p2 =	seq.s32 s10, $0x1;
	s10 =	sld [smem:$0x3FB0]  }
0x3d: {  	_ =	shalt  }
0x3e: {  	_ =	shalt  }
0x3f: {  	_ =	shalt  }
0x40: {  	_ =	shalt  }
0x41: {  	_ =	shalt  }
0x42: {  	_ =	shalt  }
0x43: {  	_ =	shalt  }
0x44: {  	_ =	shalt  }
0x45: {  	_ =	shalt  }
0x46: {  	_ =	shalt  }
0x47: {  	_ =	shalt  }
0x48: {  	_ =	shalt  }
0x49: {  	_ =	shalt  }
0x4a: {  	_ =	shalt  }
0x4b: {  	_ =	shalt  }
0x4c: {  	_ =	shalt  }
0x4d: {  	_ =	shalt  }
0x4e: {  	_ =	shalt  }
0x4f: {  	_ =	shalt  }
0x50: {  	_ =	shalt  }
0x51: {  	_ =	shalt  }
0x52: {  	_ =	shalt  }
0x53: {  	_ =	shalt  }
0x54: {  	_ =	shalt  }
0x55: {  	_ =	shalt  }
0x56: {  	_ =	shalt  }
0x57: {  	_ =	shalt  }
0x58: {  	_ =	shalt  }
0x59: {  	_ =	shalt  }
0x5a: {  	_ =	shalt  }
0x5b: {  	_ =	shalt  }
0x5c: {  	_ =	shalt  }
0x5d: {  	_ =	shalt  }
0x5e: {  	_ =	shalt  }
0x5f: {  	_ =	shalt  }
0x60: {  	_ =	shalt  }
0x61: {  	_ =	shalt  }
0x62: {  	_ =	shalt  }
0x63: {  	_ =	shalt  }
0x64: {  	_ =	shalt  }
0x65: {  	_ =	shalt  }
0x66: {  	_ =	shalt  }
0x67: {  	_ =	shalt  }
0x68: {  	_ =	shalt  }
0x69: {  	_ =	shalt  }
0x6a: {  	_ =	shalt  }
0x6b: {  	_ =	shalt  }
0x6c: {  	_ =	shalt  }
0x6d: {  	_ =	shalt  }
0x6e: {  	_ =	shalt  }
0x6f: {  	_ =	shalt  }
0x70: {  	_ =	shalt  }
0x71: {  	_ =	shalt  }
0x72: {  	_ =	shalt  }
0x73: {  	_ =	shalt  }
0x74: {  	_ =	shalt  }
0x75: {  	_ =	shalt  }
0x76: {  	_ =	shalt  }
0x77: {  	_ =	shalt  }
0x78: {  	_ =	shalt  }
0x79: {  	_ =	shalt  }
0x7a: {  	_ =	shalt  }
0x7b: {  	_ =	shalt  }
0x7c: {  	_ =	shalt  }
0x7d: {  	_ =	shalt  }
0x7e: {  	_ =	shalt  }
0x7f: {  	_ =	shalt  }
0x80: {  	_ =	shalt  }
0x81: {  	_ =	shalt  }
0x82: {  	_ =	shalt  }
0x83: {  	_ =	shalt  }
0x84: {  	_ =	shalt  }
0x85: {  	_ =	shalt  }
0x86: {  	_ =	shalt  }
0x87: {  	_ =	shalt  }
.Lfunc_end0:
.L_simem_size_0:
called_computation_lowered:
.L_overlay_start_0:
0x88: {  	s2 =	sld [smem:$0x3FD9]  }
0x89: {  	s3 =	sld [smem:$0x3FFE];
	_ =	sdelay $0x1  }
0x8a: {  	s1 =	srdreg.scid  }
0x8b: {  	s0 =	sand.u32 $0x1, s1  }
0x8c: {  	s17 =	sshll.u32 s0, $0xA;
	s2 =	sadd.s32 s3, s2  }
0x8d: {  	s2 =	sadd.s32 s2, s17  }
0x8e: {  	[smem:$0x3FBC] =	sst s2  }
0x8f: {  	_ = 	snop  }
0x90: {  	s2 =	sld [smem:$0x3FD0];
	(tm) =	ssettm $0x1  }
0x91: {  	s18 =	sld [smem:$0x3FFB];
	_ =	sdelay $0x3  }
0x92: {  	_ =	strace s18  }
0x93: {  	s3 =	sld [smem:$0x3FFC];
	_ =	sdelay $0x3  }
0x94: {  	_ =	strace s3  }
0x95: {  	s3 =	sld [smem:$0x3FFD];
	_ =	sdelay $0x3  }
0x96: {  	_ =	strace s3  }
0x97: {  	_ =	strace $0x8FFFFFFF  }
0x98: {  	s19 =	sld [smem:$0x3FDB];
	_ =	sdelay $0x1  }
0x99: {  	s4 =	simm.s32 $_scs_section_size  }
0x9a: {  	s5 =	simm.s32 $_size__tile_overlayer_lowered;
	s6 =	simm.s32 $_tile_overlayer_lowered  }
0x9b: {  	s22 =	simm.s32 $0x1BFF;
	s21 =	sshll.u32 s6, $0x1;
	s3 =	sadd.s32 s4, s19  }
0x9c: {  	s7 =	simm.s32 $0x0;
	s20 =	sshll.u32 s5, $0x1;
	s5 =	sadd.s32 s21, s3  }
0x9d: {  	[timem:s7], [sflag:s22] =	dma.local [hbm:s5], s20  }
0x9e: {  	_ =	swait.ge [sflag:s22], s20  }
0x9f: {  	s4 =	ssub.s32 $0x0, s20;
	[sflag:s22] =	ssyncset.done $0x0  }
0xa0: {  	[sflag:s22] =	ssyncadd.s32 s4;
	_ =	sdelay $0x1  }
0xa1: {  	s23 =	simm.s32 $0x1B8B  }
0xa2: {  	_ =	swait.ge [sflag:s23], $0x1  }
0xa3: {  	[sflag:s23] =	ssyncset.done $0x0  }
0xa4: {  	s25 =	simm.s32 $0x1B8E;
	s24 =	sld [smem:$0x3FFE];
	[sflag:s23] =	ssyncadd.s32 $0xFFFFFFFF  }
0xa5: {  	s26 =	simm.s32 $execute0_lowered;
	[smem:$0x3FD2] =	sst s25  }
0xa6: {  	s5 =	sshll.u32 s26, $0x1;
	_ =	strace $0x80000046;
	[dreg:$0x1] =	wrdreg $0xFFFFFFFF  }
0xa7: {  	s28 =	simm.s32 $_size_execute0_lowered;
	s3 =	sadd.s32 s3, s5;
	[dreg:$0x0] =	wrdreg $0x0  }
0xa8: {  	s5 =	sshll.u32 s28, $0x1;
	[dreg:$0x2] =	wrdreg s3  }
0xa9: {  	[dreg:$0x3] =	wrdreg s5  }
0xaa: {  	[dreg:$0x4] =	wrdreg $0xC0  }
0xab: {  	_ =	task [dreg:s7], $0x5FFFF  }
0xac: {  	[dreg:$0x1] =	wrdreg $0xFFFFFFFF  }
0xad: {  	[dreg:$0x0] =	wrdreg $0x60  }
0xae: {  	[dreg:$0x2] =	wrdreg s24  }
0xaf: {  	[dreg:$0x3] =	wrdreg s2  }
0xb0: {  	[dreg:$0x4] =	wrdreg $0x50000  }
0xb1: {  	[dreg:$0x5] =	wrdreg $0x9  }
0xb2: {  	_ =	task.clear_ibuf [dreg:s7], $0x6FFFF;
	_ =	strace $0x90000046  }
0xb3: {  	s29 =	simm.s32 $0x9;
	_ =	strace $0x80000048  }
0xb4: {  	_ =	swait.ge [sflag:s29], $0x1  }
0xb5: {  	[sflag:s29] =	ssyncadd.s32 $0xFFFFFFFF  }
0xb6: {  	_ =	strace $0x90000048  }
0xb7: {  	_ =	sfence  }
0xb8: {  	s30 =	sld [smem:$0x0];
	_ =	sdelay $0x2  }
0xb9: {  	s31 =	sshll.u32 s1, $0xD;
	s1 =	sshrl.u32 s1, $0x2  }
0xba: {  	s3 =	sand.u32 $0x4000, s31;
	s1 =	sadd.s32 s1, s30  }
0xbb: {  	s0 =	sor.u32 s3, s0;
	s1 =	sshll.u32 s1, $0x11  }
0xbc: {  	s0 =	sor.u32 s1, s0  }
0xbd: {  	s0 =	sadd.s32 $0x8F2B, s0  }
0xbe: {  	[sflag:s0] =	ssyncadd.remote.s32 $0x1  }
0xbf: {  	_ =	sfence.sel $0xFFFF  }
0xc0: {  	[dreg:$0x0] =	wrdreg $0xFFFFFFFF;
	(pc) =	sbr.abs _section_cstart, $3  }
0xc1: {  	[dreg:$0x1] =	wrdreg $0xFFFFFFFF  }
0xc2: {  	_ =	task.clear_ibuf [dreg:s7], $0x2FFFF;
	_ =	strace $0x9FFFFFFF  }
0xc3: {  	(tm) =	ssettm $0x7FFFFFFF  }
tec
execute0_lowered:
.L_overlay_start_1:
0x0: {  	(tag) =	ssettag $0x1  }
0x1: {  	s6 =	rddreg [dreg:$0x0]  }
0x2: {  	s1 =	srdreg.scid;
	s2 =	rddreg [dreg:$0x1]  }
0x3: {  	s0 =	stileid.u32;
	s3 =	rddreg [dreg:$0x2];
	s4 =	simm.s32 $0x0  }
0x4: {  	s13 =	simm.s32 $0x1;
	s14 =	simm.s32 $0x1000;
	s15 =	simm.s32 $0x80  }
0x5: {  	s16 =	simm.s32 $0x0;
	s7 =	sand.u32 $0x1, s1;
	s10 =	smul.u32 $0x14000, s0  }
0x6: {  	s24 =	sshll.u32 s0, $0x1;
	[smem:$0x7FF] =	sst s4;
	s25 =	smul.u32 $0x50000, s0  }
0x7: {  	s5 =	sadd.s32 $0x12000, s6;
	s1 =	sor.u32 s7, s24;
	s9 =	smul.u32 $0x140000, s7  }
0x8: {  	s31 =	sshll.u32 s0, $0x6;
	s7 =	ssub.s32 $0x2, s7;
	s8 =	smul.u32 $0x3000, s1  }
0x9: {  	s1 =	rddreg [dreg:$0x3];
	_ =	strace $0x80000047;
	s28 =	sshrl.u32 s7, $0x1  }
0xa: {  	s30 =	sshrl.u32 s25, $0x2;
	s9 =	sadd.s32 s10, s9;
	s29 =	ssub.s32 s7, s28  }
0xb: {  	s12 =	sadd.s32 s30, s3;
	s8 =	sshrl.u32 s8, $0x3;
	s9 =	sshrl.u32 s9, $0x3  }
0xc: {  	s12 =	sshrl.u32 s12, $0x3;
	s11 =	sadd.s32 s8, s6;
	s26 =	sadd.s32 s9, s6  }
0xd: {  	s6 =	sor.u32 $0x1C01, s31;
	s8 =	smax.u32 s29, $0x1;
	s7 =	sadd.s32 $0x12800, s26  }
0xe: {  	s9 =	sadd.s32 $0x6000, s11;
	s10 =	sadd.s32 $0x6200, s11;
	s11 =	sadd.s32 $0x6400, s11  }
.LBB2_1:
0xf: {  	[spmem:s12], [sflag:s6] =	dma.local [hbm:s2], $0x2800  }
0x10: {  	_ =	swait.ge [sflag:s13], $0x2800  }
0x11: {  	[sflag:s13] =	ssyncset.done $0x0  }
0x12: {  	[sflag:s13] =	ssyncadd.s32 $0xFFFFD800  }
0x13: {  	[tilespmem:s14], [sflag:$0x1] =	stream.linear.gather [hbm4b:s5+s4], $0x4000, $0x38;
	[tilespmem:$0x19000] =	vst v63  }
0x14: {  	_ =	swait.ge [sflag:s13], $0x4000  }
0x15: {  	[sflag:s13] =	ssyncset.done $0x0  }
0x16: {  	[sflag:s13] =	ssyncadd.s32 $0xFFFFC000  }
0x17: {  	[bflag:$0x0] =	sbarrier.arrive $0xFFFF  }
0x18: {  	[tilespmem:s4], [sflag:$0x1] =	stream.linear.gather [hbm4b:s9+s4], $0xD80, $0x38;
	[tilespmem:$0x19000] =	vst v63  }
0x19: {  	_ =	swait.ge [sflag:s13], $0xD80  }
0x1a: {  	[sflag:s13] =	ssyncset.done $0x0  }
0x1b: {  	s17 =	simm.s32 $0x0;
	[sflag:s13] =	ssyncadd.s32 $0xFFFFF280  }
0x1c: {  	[spmem:s3] =	stream.indirect.scatter.add.f32 [tilespmem:s14], [sflag:$0x1], $0x80, s17, s15, $0xb8;
	[tilespmem:$0x19000] =	vst v63  }
0x1d: {  	_ =	swait.ge [sflag:s13], $0x4000  }
0x1e: {  	s17 =	simm.s32 $0x200;
	[sflag:s13] =	ssyncset.done $0x0  }
.LBB2_2:
0x1f: {  	s18 =	sshra.s32 s17, $0x2;
	[sflag:s13] =	ssyncadd.s32 $0xFFFFC000;
	p0 =	sne.s32 s17, $0x3400  }
0x20: {  	[spmem:s3] =	stream.indirect.scatter.add.f32 [tilespmem:s14], [sflag:$0x1], $0x80, s18, s15, $0xb8;
	[tilespmem:$0x19000] =	vst v63  }
.Ltmp0:
0x21: {  	_ = 	snop;
	(pc) =	sbr.rel @p0 .LBB2_2-.Ltmp0, $4  }
0x22: {  	_ = 	snop  }
0x23: {  	s17 =	sadd.s32 $0x200, s17  }
0x24: {  	_ =	swait.ge [sflag:s13], $0x4000  }
0x25: {  	[sflag:s13] =	ssyncset.done $0x0  }
0x26: {  	[sflag:s13] =	ssyncadd.s32 $0xFFFFC000;
	s17 =	simm.s32 $0x0  }
0x27: {  	[tilespmem:s17], [sflag:$0x1] =	stream.linear.gather [hbm4b:s10+s17], $0xD80, $0x38;
	[tilespmem:$0x19000] =	vst v63  }
0x28: {  	_ =	swait.ge [sflag:s13], $0xD80  }
0x29: {  	[sflag:s13] =	ssyncset.done $0x0  }
0x2a: {  	s31 =	simm.s32 $0x0;
	[sflag:s13] =	ssyncadd.s32 $0xFFFFF280  }
0x2b: {  	[spmem:s3] =	stream.indirect.scatter.add.f32 [tilespmem:s14], [sflag:$0x1], $0x80, s31, s15, $0xb8;
	[tilespmem:$0x19000] =	vst v63  }
0x2c: {  	_ =	swait.ge [sflag:s13], $0x4000  }
0x2d: {  	s17 =	simm.s32 $0x200;
	[sflag:s13] =	ssyncset.done $0x0  }
.LBB2_4:
0x2e: {  	s18 =	sshra.s32 s17, $0x2;
	[sflag:s13] =	ssyncadd.s32 $0xFFFFC000;
	p0 =	sne.s32 s17, $0x3400  }
0x2f: {  	[spmem:s3] =	stream.indirect.scatter.add.f32 [tilespmem:s14], [sflag:$0x1], $0x80, s18, s15, $0xb8;
	[tilespmem:$0x19000] =	vst v63  }
.Ltmp1:
0x30: {  	_ = 	snop;
	(pc) =	sbr.rel @p0 .LBB2_4-.Ltmp1, $4  }
0x31: {  	_ = 	snop  }
0x32: {  	s17 =	sadd.s32 $0x200, s17  }
0x33: {  	_ =	swait.ge [sflag:s13], $0x4000  }
0x34: {  	[sflag:s13] =	ssyncset.done $0x0  }
0x35: {  	[sflag:s13] =	ssyncadd.s32 $0xFFFFC000;
	s17 =	simm.s32 $0x0  }
0x36: {  	[tilespmem:s17], [sflag:$0x1] =	stream.linear.gather [hbm4b:s11+s17], $0xD80, $0x38;
	[tilespmem:$0x19000] =	vst v63  }
0x37: {  	_ =	swait.ge [sflag:s13], $0xD80  }
0x38: {  	[sflag:s13] =	ssyncset.done $0x0  }
0x39: {  	s31 =	simm.s32 $0x0;
	[sflag:s13] =	ssyncadd.s32 $0xFFFFF280  }
0x3a: {  	[spmem:s3] =	stream.indirect.scatter.add.f32 [tilespmem:s14], [sflag:$0x1], $0x80, s31, s15, $0xb8;
	[tilespmem:$0x19000] =	vst v63  }
0x3b: {  	_ =	swait.ge [sflag:s13], $0x4000  }
0x3c: {  	s17 =	simm.s32 $0x200;
	[sflag:s13] =	ssyncset.done $0x0  }
.LBB2_6:
0x3d: {  	s18 =	sshra.s32 s17, $0x2;
	[sflag:s13] =	ssyncadd.s32 $0xFFFFC000;
	p0 =	sne.s32 s17, $0x3400  }
0x3e: {  	[spmem:s3] =	stream.indirect.scatter.add.f32 [tilespmem:s14], [sflag:$0x1], $0x80, s18, s15, $0xb8;
	[tilespmem:$0x19000] =	vst v63  }
.Ltmp2:
0x3f: {  	_ = 	snop;
	(pc) =	sbr.rel @p0 .LBB2_6-.Ltmp2, $4  }
0x40: {  	_ = 	snop  }
0x41: {  	s17 =	sadd.s32 $0x200, s17  }
0x42: {  	_ =	swait.ge [sflag:s13], $0x4000  }
0x43: {  	[sflag:s13] =	ssyncset.done $0x0  }
0x44: {  	s16 =	sadd.s32 $0x1, s16  }
0x45: {  	[sflag:s13] =	ssyncadd.s32 $0xFFFFC000;
	p0 =	sne.s32 s16, s8  }
.Ltmp3:
0x46: {  	[bflag:$0x0] =	sbarrier.arrive $0xFFFF;
	(pc) =	sbr.rel @p0 .LBB2_1-.Ltmp3, $4  }
0x47: {  	[hbm:s7], [sflag:s6] =	dma.local [spmem:s12], $0x2800  }
0x48: {  	_ =	swait.ge [sflag:s13], $0x2800  }
0x49: {  	[sflag:s13] =	ssyncset.done $0x0  }
0x4a: {  	[sflag:s13] =	ssyncadd.s32 $0xFFFFD800  }
0x4b: {  	_ =	sfence.sel $0x180000  }
0x4c: {  	[bflag:$0x0] =	sbarrier.arrive $0xFFFF  }
0x4d: {  	p0 =	sne.s32 s0, $0x0;
	_ =	strace $0x90000047  }
0x4e: {  	s0 =	sadd.s32 @!p0 $0x100000, s1;
	[bflag:$0x2] =	sbarrier.arrive $0xFFFF  }
0x4f: {  	[sflag:s0] =	ssyncadd.tile.s32 @!p0 $0x1;
	_ =	shalt  }
.Lfunc_end2:
_tile_overlayer_lowered:
.L_overlay_start_2:
0x50: {  	(tag) =	ssettag $0x2  }
0x51: {  	s0 =	rddreg [dreg:$0x0];
	s2 =	stileid.u32  }
0x52: {  	s1 =	rddreg [dreg:$0x1];
	p0 =	sne.s32 s2, $0x0  }
0x53: {  	s3 =	rddreg [dreg:$0x2];
	[bflag:$0x3] =	sbarrier.arrive $0xFFFF;
	s2 =	simm.s32 @!p0 $0x1C01  }
0x54: {  	[timem:s3], [sflag:s2] =	dma.local @!p0 [hbm:s0], s1  }
0x55: {  	s0 =	simm.s32 @!p0 $0x1  }
0x56: {  	_ =	swait.ge @!p0 [sflag:s0], s1  }
0x57: {  	s1 =	ssub.s32 @!p0 $0x0, s1;
	[sflag:s0] =	ssyncset.done @!p0 $0x0  }
0x58: {  	[sflag:s0] =	ssyncadd.s32 @!p0 s1  }
0x59: {  	[bflag:$0x3] =	sbarrier.arrive $0xFFFF  }
0x5a: {  	_ =	shalt  }

// kernel: kernel.15.cloned.1.call-start
scs
__scs_entry_jumppad:
0x0: {  	(pc) =	sbr.rel $0x88, $3  }
0x1: {  	(tag) =	ssettag $0x0;
	lr =	simm.s32 $0x1  }
0x2: {  	[smem:$0x3F95] =	sst lr;
	_ =	strace $0xD0000000  }
0x3: {  	_ = 	snop  }
0x4: {  	_ = 	snop  }
0x5: {  	_ = 	snop  }
0x6: {  	_ = 	snop  }
0x7: {  	_ = 	snop  }
__scs_overlays_trampoline_lowered:
0x8: {  	[smem:$0x3FA4] =	sst s0  }
0x9: {  	[smem:$0x3FA5] =	sst s1  }
0xa: {  	[smem:$0x3FA6] =	sst s2  }
0xb: {  	[smem:$0x3FA7] =	sst s3  }
0xc: {  	[smem:$0x3FA8] =	sst s4  }
0xd: {  	[smem:$0x3FA9] =	sst s5  }
0xe: {  	[smem:$0x3FAA] =	sst s6  }
0xf: {  	[smem:$0x3FAB] =	sst s7  }
0x10: {  	[smem:$0x3FAC] =	sst s8  }
0x11: {  	[smem:$0x3FAD] =	sst s9;
	s0 =	simm.s32 @!p0 $0x0  }
0x12: {  	s1 =	sld [smem:$0x3F93];
	s0 =	simm.s32 @p0 $0x1  }
0x13: {  	[smem:$0x3FAE] =	sst s0;
	s0 =	simm.s32 @!p1 $0x0  }
0x14: {  	s2 =	sld [smem:$0x3F92];
	s0 =	simm.s32 @p1 $0x1  }
0x15: {  	[smem:$0x3FAF] =	sst s0;
	s0 =	simm.s32 @!p2 $0x0  }
0x16: {  	s3 =	sld [smem:$0x3FDB];
	s0 =	simm.s32 @p2 $0x1  }
0x17: {  	s4 =	simm.s32 $0x1BF5;
	[smem:$0x3FB1] =	sst s0  }
0x18: {  	s0 =	sld [smem:$0x3F94];
	_ =	swait.ge [sflag:s4], $0x0  }
0x19: {  	s7 =	sld [smem:$0x3F95]  }
0x1a: {  	s8 =	sadd.s32 $0xFFFFE003, lr  }
0x1b: {  	s9 =	sadd.s32 $0xFFFFFEF7, lr;
	s5 =	simm.s32 $0xFFFFFFFF;
	p2 =	slt.u32 s8, $0xFFFFF086  }
0x1c: {  	p1 =	slt.u32 s9, $0xF7A;
	s5 =	simm.s32 @!p2 $0x0  }
0x1d: {  	s5 =	simm.s32 @p1 $0x1;
	p0 =	seq.s32 s7, s2  }
0x1e: {  	s7 =	smul.u32 @!p0 $0xF7A, s2;
	p2 =	seq.s32 @!p0 s5, $0x0  }
0x1f: {  	s9 =	smul.u32 $0xF7A, s1;
	s8 =	simm.s32 @!p0 $0x1BF5;
	p2 =	por !p2, p0  }
0x20: {  	[sflag:s8] =	ssyncset.s32 @!p0 $0xFFFFF086;
	s6 =	sadd.s32 @!p0 s3, s7;
	s7 =	simm.s32 @!p0 $0x108  }
0x21: {  	s3 =	sadd.s32 s3, s9;
	s6 =	sadd.s32 @!p0 $0x88, s6;
	s7 =	simm.s32 @p2 $0x1082  }
0x22: {  	[simem:s7], [sflag:s8] =	dma.local @!p0 [hbm:s6], $0xF7A  }
0x23: {  	s9 =	sor.u32 $0xD0000000, s2;
	s6 =	simm.s32 $0x108;
	_ =	swait.ge @!p0 [sflag:s8], $0x0  }
0x24: {  	s3 =	sadd.s32 $0x88, s3;
	s6 =	simm.s32 @!p1 $0x1082;
	[sflag:s4] =	ssyncset.s32 $0xFFFFF086  }
0x25: {  	[simem:s6], [sflag:s4] =	dma.local [hbm:s3], $0xF7A  }
0x26: {  	[smem:$0x3F95] =	sst s1;
	(tag) =	ssettag s2;
	_ =	strace s9  }
0x27: {  	s1 =	sld [smem:$0x3FA5]  }
0x28: {  	s2 =	sld [smem:$0x3FA6]  }
0x29: {  	s4 =	sld [smem:$0x3FA8]  }
0x2a: {  	p0 =	seq.s32 s5, $0x0;
	s5 =	sld [smem:$0x3FA9]  }
0x2b: {  	s6 =	sld [smem:$0x3FAA]  }
0x2c: {  	s7 =	sld [smem:$0x3FAB]  }
0x2d: {  	s3 =	simm.s32 $0x108;
	s8 =	sld [smem:$0x3FAC]  }
0x2e: {  	s3 =	simm.s32 @!p0 $0x1082;
	s9 =	sld [smem:$0x3FAD]  }
0x2f: {  	lr =	sadd.s32 s0, s3;
	s0 =	sld [smem:$0x3FA4]  }
0x30: {  	s3 =	sld [smem:$0x3FA7]  }
0x31: {  	[smem:$0x3FB0] =	sst s10  }
0x32: {  	s10 =	sld [smem:$0x3FAE];
	_ =	sdelay $0x3  }
0x33: {  	p0 =	seq.s32 s10, $0x1;
	s10 =	sld [smem:$0x3FB0];
	_ =	sdelay $0x3  }
0x34: {  	[smem:$0x3FB0] =	sst s10  }
0x35: {  	s10 =	sld [smem:$0x3FAF];
	_ =	sdelay $0x3  }
0x36: {  	p1 =	seq.s32 s10, $0x1;
	s10 =	sld [smem:$0x3FB0];
	_ =	sdelay $0x3  }
0x37: {  	[smem:$0x3FB0] =	sst s10  }
0x38: {  	s10 =	sld [smem:$0x3FB1]  }
0x39: {  	_ = 	snop;
	(pc) =	sbr.ind lr, $3  }
0x3a: {  	_ = 	snop  }
0x3b: {  	_ = 	snop  }
0x3c: {  	p2 =	seq.s32 s10, $0x1;
	s10 =	sld [smem:$0x3FB0]  }
0x3d: {  	_ =	shalt  }
0x3e: {  	_ =	shalt  }
0x3f: {  	_ =	shalt  }
0x40: {  	_ =	shalt  }
0x41: {  	_ =	shalt  }
0x42: {  	_ =	shalt  }
0x43: {  	_ =	shalt  }
0x44: {  	_ =	shalt  }
0x45: {  	_ =	shalt  }
0x46: {  	_ =	shalt  }
0x47: {  	_ =	shalt  }
0x48: {  	_ =	shalt  }
0x49: {  	_ =	shalt  }
0x4a: {  	_ =	shalt  }
0x4b: {  	_ =	shalt  }
0x4c: {  	_ =	shalt  }
0x4d: {  	_ =	shalt  }
0x4e: {  	_ =	shalt  }
0x4f: {  	_ =	shalt  }
0x50: {  	_ =	shalt  }
0x51: {  	_ =	shalt  }
0x52: {  	_ =	shalt  }
0x53: {  	_ =	shalt  }
0x54: {  	_ =	shalt  }
0x55: {  	_ =	shalt  }
0x56: {  	_ =	shalt  }
0x57: {  	_ =	shalt  }
0x58: {  	_ =	shalt  }
0x59: {  	_ =	shalt  }
0x5a: {  	_ =	shalt  }
0x5b: {  	_ =	shalt  }
0x5c: {  	_ =	shalt  }
0x5d: {  	_ =	shalt  }
0x5e: {  	_ =	shalt  }
0x5f: {  	_ =	shalt  }
0x60: {  	_ =	shalt  }
0x61: {  	_ =	shalt  }
0x62: {  	_ =	shalt  }
0x63: {  	_ =	shalt  }
0x64: {  	_ =	shalt  }
0x65: {  	_ =	shalt  }
0x66: {  	_ =	shalt  }
0x67: {  	_ =	shalt  }
0x68: {  	_ =	shalt  }
0x69: {  	_ =	shalt  }
0x6a: {  	_ =	shalt  }
0x6b: {  	_ =	shalt  }
0x6c: {  	_ =	shalt  }
0x6d: {  	_ =	shalt  }
0x6e: {  	_ =	shalt  }
0x6f: {  	_ =	shalt  }
0x70: {  	_ =	shalt  }
0x71: {  	_ =	shalt  }
0x72: {  	_ =	shalt  }
0x73: {  	_ =	shalt  }
0x74: {  	_ =	shalt  }
0x75: {  	_ =	shalt  }
0x76: {  	_ =	shalt  }
0x77: {  	_ =	shalt  }
0x78: {  	_ =	shalt  }
0x79: {  	_ =	shalt  }
0x7a: {  	_ =	shalt  }
0x7b: {  	_ =	shalt  }
0x7c: {  	_ =	shalt  }
0x7d: {  	_ =	shalt  }
0x7e: {  	_ =	shalt  }
0x7f: {  	_ =	shalt  }
0x80: {  	_ =	shalt  }
0x81: {  	_ =	shalt  }
0x82: {  	_ =	shalt  }
0x83: {  	_ =	shalt  }
0x84: {  	_ =	shalt  }
0x85: {  	_ =	shalt  }
0x86: {  	_ =	shalt  }
0x87: {  	_ =	shalt  }
.Lfunc_end0:
.L_simem_size_0:
called_computation.1_lowered:
.L_overlay_start_0:
0x88: {  	s2 =	sld [smem:$0x3FD9]  }
0x89: {  	s3 =	sld [smem:$0x3FFE];
	_ =	sdelay $0x1  }
0x8a: {  	s1 =	srdreg.scid  }
0x8b: {  	s0 =	sand.u32 $0x1, s1  }
0x8c: {  	s17 =	sshll.u32 s0, $0xA;
	s2 =	sadd.s32 s3, s2  }
0x8d: {  	s2 =	sadd.s32 s2, s17  }
0x8e: {  	[smem:$0x3FBC] =	sst s2  }
0x8f: {  	_ = 	snop  }
0x90: {  	s2 =	sld [smem:$0x3FD0];
	(tm) =	ssettm $0x1  }
0x91: {  	s18 =	sld [smem:$0x3FFB];
	_ =	sdelay $0x3  }
0x92: {  	_ =	strace s18  }
0x93: {  	s3 =	sld [smem:$0x3FFC];
	_ =	sdelay $0x3  }
0x94: {  	_ =	strace s3  }
0x95: {  	s3 =	sld [smem:$0x3FFD];
	_ =	sdelay $0x3  }
0x96: {  	_ =	strace s3  }
0x97: {  	_ =	strace $0x8FFFFFFF  }
0x98: {  	s19 =	sld [smem:$0x3FDB];
	_ =	sdelay $0x1  }
0x99: {  	s4 =	simm.s32 $_scs_section_size  }
0x9a: {  	s5 =	simm.s32 $_size__tile_overlayer_lowered;
	s6 =	simm.s32 $_tile_overlayer_lowered  }
0x9b: {  	s22 =	simm.s32 $0x1BFF;
	s21 =	sshll.u32 s6, $0x1;
	s3 =	sadd.s32 s4, s19  }
0x9c: {  	s7 =	simm.s32 $0x0;
	s20 =	sshll.u32 s5, $0x1;
	s5 =	sadd.s32 s21, s3  }
0x9d: {  	[timem:s7], [sflag:s22] =	dma.local [hbm:s5], s20  }
0x9e: {  	_ =	swait.ge [sflag:s22], s20  }
0x9f: {  	s4 =	ssub.s32 $0x0, s20;
	[sflag:s22] =	ssyncset.done $0x0  }
0xa0: {  	[sflag:s22] =	ssyncadd.s32 s4;
	_ =	sdelay $0x1  }
0xa1: {  	s23 =	simm.s32 $0x1B8B  }
0xa2: {  	_ =	swait.ge [sflag:s23], $0x1  }
0xa3: {  	[sflag:s23] =	ssyncset.done $0x0  }
0xa4: {  	s25 =	simm.s32 $0x1B8E;
	s24 =	sld [smem:$0x3FFE];
	[sflag:s23] =	ssyncadd.s32 $0xFFFFFFFF  }
0xa5: {  	s26 =	simm.s32 $execute0_lowered;
	[smem:$0x3FD2] =	sst s25  }
0xa6: {  	s5 =	sshll.u32 s26, $0x1;
	_ =	strace $0x80000049;
	[dreg:$0x1] =	wrdreg $0xFFFFFFFF  }
0xa7: {  	s28 =	simm.s32 $_size_execute0_lowered;
	s3 =	sadd.s32 s3, s5;
	[dreg:$0x0] =	wrdreg $0x0  }
0xa8: {  	s5 =	sshll.u32 s28, $0x1;
	[dreg:$0x2] =	wrdreg s3  }
0xa9: {  	[dreg:$0x3] =	wrdreg s5  }
0xaa: {  	[dreg:$0x4] =	wrdreg $0xC0  }
0xab: {  	_ =	task [dreg:s7], $0x5FFFF  }
0xac: {  	[dreg:$0x1] =	wrdreg $0xFFFFFFFF  }
0xad: {  	[dreg:$0x0] =	wrdreg $0x60  }
0xae: {  	[dreg:$0x2] =	wrdreg s24  }
0xaf: {  	[dreg:$0x3] =	wrdreg s2  }
0xb0: {  	[dreg:$0x4] =	wrdreg $0xA0000  }
0xb1: {  	[dreg:$0x5] =	wrdreg $0x9  }
0xb2: {  	_ =	task.clear_ibuf [dreg:s7], $0x6FFFF;
	_ =	strace $0x90000049  }
0xb3: {  	s29 =	simm.s32 $0x9;
	_ =	strace $0x8000004B  }
0xb4: {  	_ =	swait.ge [sflag:s29], $0x1  }
0xb5: {  	[sflag:s29] =	ssyncadd.s32 $0xFFFFFFFF  }
0xb6: {  	_ =	strace $0x9000004B  }
0xb7: {  	_ =	sfence  }
0xb8: {  	s30 =	sld [smem:$0x0];
	_ =	sdelay $0x2  }
0xb9: {  	s31 =	sshll.u32 s1, $0xD;
	s1 =	sshrl.u32 s1, $0x2  }
0xba: {  	s3 =	sand.u32 $0x4000, s31;
	s1 =	sadd.s32 s1, s30  }
0xbb: {  	s0 =	sor.u32 s3, s0;
	s1 =	sshll.u32 s1, $0x11  }
0xbc: {  	s0 =	sor.u32 s1, s0  }
0xbd: {  	s0 =	sadd.s32 $0x8F2B, s0  }
0xbe: {  	[sflag:s0] =	ssyncadd.remote.s32 $0x1  }
0xbf: {  	_ =	sfence.sel $0xFFFF  }
0xc0: {  	[dreg:$0x0] =	wrdreg $0xFFFFFFFF;
	(pc) =	sbr.abs _section_cstart, $3  }
0xc1: {  	[dreg:$0x1] =	wrdreg $0xFFFFFFFF  }
0xc2: {  	_ =	task.clear_ibuf [dreg:s7], $0x2FFFF;
	_ =	strace $0x9FFFFFFF  }
0xc3: {  	(tm) =	ssettm $0x7FFFFFFF  }
tec
execute0_lowered:
.L_overlay_start_1:
0x0: {  	(tag) =	ssettag $0x1  }
0x1: {  	s8 =	rddreg [dreg:$0x0]  }
0x2: {  	s1 =	rddreg [dreg:$0x1]  }
0x3: {  	s2 =	rddreg [dreg:$0x2]  }
0x4: {  	s3 =	srdreg.scid;
	s0 =	rddreg [dreg:$0x3]  }
0x5: {  	s4 =	simm.s32 $0x0;
	s15 =	simm.s32 $0x40;
	s16 =	simm.s32 $0x2000  }
0x6: {  	s17 =	simm.s32 $0x4000;
	s18 =	simm.s32 $0x1;
	s19 =	simm.s32 $0x80  }
0x7: {  	s20 =	simm.s32 $0x2;
	s9 =	sand.u32 $0x1, s3;
	s3 =	stileid.u32  }
0x8: {  	[smem:$0x7FF] =	sst s4;
	s5 =	sadd.s32 $0x6000, s8;
	s7 =	smul.u32 $0x140000, s9  }
0x9: {  	s6 =	sadd.s32 $0x62800, s8;
	s10 =	smul.u32 $0x14000, s3;
	_ =	strace $0x8000004A  }
0xa: {  	s28 =	ssub.s32 $0x2, s9;
	s13 =	smul.u32 $0x50000, s3;
	s31 =	sshll.u32 s3, $0x1  }
0xb: {  	s30 =	sshll.u32 s3, $0x6;
	s12 =	sshrl.u32 s28, $0x1;
	s9 =	sor.u32 s9, s31  }
.Ltmp0:
0xc: {  	s7 =	sadd.s32 s10, s7;
	s12 =	ssub.s32 s28, s12;
	(pc) =	sbr.rel .LBB2_1-.Ltmp0, $4  }
0xd: {  	s29 =	sshrl.u32 s13, $0x2;
	s9 =	smul.u32 $0x3000, s9;
	s11 =	sshrl.u32 s7, $0x3  }
0xe: {  	s13 =	simm.s32 $0x3;
	s7 =	sadd.s32 $0x6E800, s8;
	s11 =	sadd.s32 s11, s8  }
0xf: {  	s14 =	sadd.s32 s29, s2;
	s8 =	sor.u32 $0x1C03, s30;
	s10 =	sadd.s32 $0x7A800, s11  }
0x10: {  	s11 =	smax.u32 s12, $0x1;
	s12 =	sshrl.u32 s14, $0x3;
	s14 =	simm.s32 $0x1000  }
.LBB2_7:
0x11: {  	s4 =	sadd.s32 $0x1, s4  }
0x12: {  	p0 =	sne.s32 s4, s11  }
.Ltmp1:
0x13: {  	[bflag:$0x0] =	sbarrier.arrive $0xFFFF;
	(pc) =	sbr.rel @!p0 .LBB2_8-.Ltmp1, $4  }
0x14: {  	[hbm:s10], [sflag:s8] =	dma.local [spmem:s12], $0x2800  }
0x15: {  	_ =	swait.ge [sflag:s13], $0x2800  }
0x16: {  	[sflag:s13] =	ssyncset.done $0x0  }
0x17: {  	[sflag:s13] =	ssyncadd.s32 $0xFFFFD800  }
.LBB2_1:
0x18: {  	[spmem:s12], [sflag:s8] =	dma.local [hbm:s1], $0x2800  }
.Ltmp2:
0x19: {  	_ =	swait.ge [sflag:s13], $0x2800;
	(pc) =	sbr.rel .LBB2_2-.Ltmp2, $4  }
0x1a: {  	[sflag:s13] =	ssyncset.done $0x0  }
0x1b: {  	[sflag:s13] =	ssyncadd.s32 $0xFFFFD800  }
0x1c: {  	[bflag:$0x0] =	sbarrier.arrive $0xFFFF  }
0x1d: {  	s21 =	simm.s32 $0x0  }
.LBB2_6:
0x1e: {  	s21 =	sadd.s32 $0x1, s21  }
0x1f: {  	p0 =	sne.s32 s21, $0x3  }
.Ltmp3:
0x20: {  	_ = 	snop;
	(pc) =	sbr.rel @!p0 .LBB2_7-.Ltmp3, $4  }
0x21: {  	_ = 	snop  }
0x22: {  	_ =	swait.ge [sflag:s20], $0x4000  }
0x23: {  	[sflag:s20] =	ssyncset.done $0x0  }
0x24: {  	[sflag:s20] =	ssyncadd.s32 $0xFFFFC000  }
.LBB2_2:
0x25: {  	s22 =	sshll.u32 s21, $0xC  }
0x26: {  	s22 =	sadd.s32 s9, s22  }
0x27: {  	s23 =	sshrl.u32 s22, $0x3  }
0x28: {  	s22 =	simm.s32 $0x0;
	s24 =	sadd.s32 s6, s23  }
0x29: {  	[tilespmem:s22], [sflag:$0x3] =	stream.linear.gather [hbm4b:s24+s22], $0xE00, $0x38;
	[tilespmem:$0x1E000] =	vst v63  }
0x2a: {  	_ =	swait.ge [sflag:s13], $0xE00  }
0x2b: {  	[sflag:s13] =	ssyncset.done $0x0  }
0x2c: {  	s23 =	sadd.s32 s7, s23;
	[sflag:s13] =	ssyncadd.s32 $0xFFFFF200  }
0x2d: {  	[tilespmem:s14], [sflag:$0x3] =	stream.linear.gather [hbm4b:s23+s22], $0xE00, $0x38;
	[tilespmem:$0x1E000] =	vst v63  }
0x2e: {  	_ =	swait.ge [sflag:s13], $0xE00  }
.Ltmp4:
0x2f: {  	[sflag:s13] =	ssyncset.done $0x0;
	(pc) =	sbr.rel .LBB2_3-.Ltmp4, $4  }
0x30: {  	[sflag:s13] =	ssyncadd.s32 $0xFFFFF200  }
0x31: {  	[tilespmem:s16], [sflag:$0x1] =	stream.indirect.gather [hbm4b:s5+s15], $0x80, s22, s15, $0xb8;
	[tilespmem:$0x1E000] =	vst v63  }
0x32: {  	_ = 	snop  }
0x33: {  	[tilespmem:s17], [sflag:$0x1] =	stream.indirect.gather [hbm4b:s5+s15], $0x80, s15, s15, $0xb8;
	[tilespmem:$0x1E000] =	vst v63  }
.LBB2_5:
0x34: {  	p0 =	slt.u32 s23, $0x1C  }
.Ltmp5:
0x35: {  	s24 =	sshll.u32 s22, $0xE;
	s31 =	sshll.u32 s22, $0x7;
	(pc) =	sbr.rel @!p0 .LBB2_6-.Ltmp5, $4  }
0x36: {  	s24 =	sand.u32 $0x4000, s24;
	s22 =	sand.u32 $0x3FFFFF80, s31  }
0x37: {  	s24 =	sor.u32 $0x2000, s24;
	s22 =	sadd.s32 $0x1000, s22  }
0x38: {  	[spmem:s2] =	stream.indirect.scatter.add.f32 [tilespmem:s24], [sflag:$0x2], $0x80, s22, s19, $0xb8;
	[tilespmem:$0x1E000] =	vst v63  }
0x39: {  	s22 =	smov.u32 s23  }
.LBB2_3:
0x3a: {  	_ =	swait.ge [sflag:s18], $0x2000  }
0x3b: {  	p0 =	seq.s32 s22, $0x0;
	[sflag:s18] =	ssyncset.done $0x0  }
0x3c: {  	p1 =	seq.s32 @!p0 s22, $0x1B;
	[sflag:s18] =	ssyncadd.s32 $0xFFFFE000  }
0x3d: {  	p1 =	por p0, !p1;
	_ =	swait.ge [sflag:s18], $0x2000  }
.Ltmp6:
0x3e: {  	[sflag:s18] =	ssyncset.done $0x0;
	(pc) =	sbr.rel @!p1 .LBB2_5-.Ltmp6, $4  }
0x3f: {  	s23 =	simm.s32 @!p0 $0x2;
	[sflag:s18] =	ssyncadd.s32 $0xFFFFE000  }
0x40: {  	_ =	swait.ge @!p0 [sflag:s23], $0x4000  }
0x41: {  	[sflag:s23] =	ssyncset.done @!p0 $0x0  }
0x42: {  	[sflag:s23] =	ssyncadd.s32 @!p0 $0xFFFFC000;
	s23 =	simm.s32 @!p0 $0x1C  }
0x43: {  	s23 =	sadd.s32 @!p0 $0x1, s22  }
0x44: {  	s23 =	simm.s32 @p0 $0x1  }
0x45: {  	s24 =	sshll.u32 s23, $0xE  }
.Ltmp7:
0x46: {  	s25 =	sshll.u32 s23, $0x7;
	s24 =	sand.u32 $0x4000, s24;
	(pc) =	sbr.rel .LBB2_5-.Ltmp7, $4  }
0x47: {  	s25 =	sand.u32 $0x3FFFFF80, s25;
	s26 =	sor.u32 $0x2000, s24  }
0x48: {  	[tilespmem:s26], [sflag:$0x1] =	stream.indirect.gather [hbm4b:s5+s15], $0x80, s25, s15, $0xb8;
	[tilespmem:$0x1E000] =	vst v63  }
0x49: {  	s24 =	sadd.s32 $0x4000, s24;
	s25 =	sor.u32 $0x40, s25  }
0x4a: {  	[tilespmem:s24], [sflag:$0x1] =	stream.indirect.gather [hbm4b:s5+s15], $0x80, s25, s15, $0xb8;
	[tilespmem:$0x1E000] =	vst v63  }
.LBB2_8:
0x4b: {  	_ =	sfence.sel $0x180000  }
0x4c: {  	[bflag:$0x0] =	sbarrier.arrive $0xFFFF  }
0x4d: {  	p0 =	sne.s32 s3, $0x0;
	_ =	strace $0x9000004A  }
0x4e: {  	s0 =	sadd.s32 @!p0 $0x100000, s0;
	[bflag:$0x2] =	sbarrier.arrive $0xFFFF  }
0x4f: {  	[sflag:s0] =	ssyncadd.tile.s32 @!p0 $0x1;
	_ =	shalt  }
.Lfunc_end2:
_tile_overlayer_lowered:
.L_overlay_start_2:
0x50: {  	(tag) =	ssettag $0x2  }
0x51: {  	s0 =	rddreg [dreg:$0x0];
	s2 =	stileid.u32  }
0x52: {  	s1 =	rddreg [dreg:$0x1];
	p0 =	sne.s32 s2, $0x0  }
0x53: {  	s3 =	rddreg [dreg:$0x2];
	[bflag:$0x3] =	sbarrier.arrive $0xFFFF;
	s2 =	simm.s32 @!p0 $0x1C03  }
0x54: {  	[timem:s3], [sflag:s2] =	dma.local @!p0 [hbm:s0], s1  }
0x55: {  	s0 =	simm.s32 @!p0 $0x3  }
0x56: {  	_ =	swait.ge @!p0 [sflag:s0], s1  }
0x57: {  	s1 =	ssub.s32 @!p0 $0x0, s1;
	[sflag:s0] =	ssyncset.done @!p0 $0x0  }
0x58: {  	[sflag:s0] =	ssyncadd.s32 @!p0 s1  }
0x59: {  	[bflag:$0x3] =	sbarrier.arrive $0xFFFF  }
0x5a: {  	_ =	shalt  }

// kernel: kernel.18.cloned.1.call-start
scs
__scs_entry_jumppad:
0x0: {  	(pc) =	sbr.rel $0x88, $3  }
0x1: {  	(tag) =	ssettag $0x0;
	lr =	simm.s32 $0x1  }
0x2: {  	[smem:$0x3F95] =	sst lr;
	_ =	strace $0xD0000000  }
0x3: {  	_ = 	snop  }
0x4: {  	_ = 	snop  }
0x5: {  	_ = 	snop  }
0x6: {  	_ = 	snop  }
0x7: {  	_ = 	snop  }
__scs_overlays_trampoline_lowered:
0x8: {  	[smem:$0x3FA4] =	sst s0  }
0x9: {  	[smem:$0x3FA5] =	sst s1  }
0xa: {  	[smem:$0x3FA6] =	sst s2  }
0xb: {  	[smem:$0x3FA7] =	sst s3  }
0xc: {  	[smem:$0x3FA8] =	sst s4  }
0xd: {  	[smem:$0x3FA9] =	sst s5  }
0xe: {  	[smem:$0x3FAA] =	sst s6  }
0xf: {  	[smem:$0x3FAB] =	sst s7  }
0x10: {  	[smem:$0x3FAC] =	sst s8  }
0x11: {  	[smem:$0x3FAD] =	sst s9;
	s0 =	simm.s32 @!p0 $0x0  }
0x12: {  	s1 =	sld [smem:$0x3F93];
	s0 =	simm.s32 @p0 $0x1  }
0x13: {  	[smem:$0x3FAE] =	sst s0;
	s0 =	simm.s32 @!p1 $0x0  }
0x14: {  	s2 =	sld [smem:$0x3F92];
	s0 =	simm.s32 @p1 $0x1  }
0x15: {  	[smem:$0x3FAF] =	sst s0;
	s0 =	simm.s32 @!p2 $0x0  }
0x16: {  	s3 =	sld [smem:$0x3FDB];
	s0 =	simm.s32 @p2 $0x1  }
0x17: {  	s4 =	simm.s32 $0x1BF5;
	[smem:$0x3FB1] =	sst s0  }
0x18: {  	s0 =	sld [smem:$0x3F94];
	_ =	swait.ge [sflag:s4], $0x0  }
0x19: {  	s7 =	sld [smem:$0x3F95]  }
0x1a: {  	s8 =	sadd.s32 $0xFFFFE003, lr  }
0x1b: {  	s9 =	sadd.s32 $0xFFFFFEF7, lr;
	s5 =	simm.s32 $0xFFFFFFFF;
	p2 =	slt.u32 s8, $0xFFFFF086  }
0x1c: {  	p1 =	slt.u32 s9, $0xF7A;
	s5 =	simm.s32 @!p2 $0x0  }
0x1d: {  	s5 =	simm.s32 @p1 $0x1;
	p0 =	seq.s32 s7, s2  }
0x1e: {  	s7 =	smul.u32 @!p0 $0xF7A, s2;
	p2 =	seq.s32 @!p0 s5, $0x0  }
0x1f: {  	s9 =	smul.u32 $0xF7A, s1;
	s8 =	simm.s32 @!p0 $0x1BF5;
	p2 =	por !p2, p0  }
0x20: {  	[sflag:s8] =	ssyncset.s32 @!p0 $0xFFFFF086;
	s6 =	sadd.s32 @!p0 s3, s7;
	s7 =	simm.s32 @!p0 $0x108  }
0x21: {  	s3 =	sadd.s32 s3, s9;
	s6 =	sadd.s32 @!p0 $0x88, s6;
	s7 =	simm.s32 @p2 $0x1082  }
0x22: {  	[simem:s7], [sflag:s8] =	dma.local @!p0 [hbm:s6], $0xF7A  }
0x23: {  	s9 =	sor.u32 $0xD0000000, s2;
	s6 =	simm.s32 $0x108;
	_ =	swait.ge @!p0 [sflag:s8], $0x0  }
0x24: {  	s3 =	sadd.s32 $0x88, s3;
	s6 =	simm.s32 @!p1 $0x1082;
	[sflag:s4] =	ssyncset.s32 $0xFFFFF086  }
0x25: {  	[simem:s6], [sflag:s4] =	dma.local [hbm:s3], $0xF7A  }
0x26: {  	[smem:$0x3F95] =	sst s1;
	(tag) =	ssettag s2;
	_ =	strace s9  }
0x27: {  	s1 =	sld [smem:$0x3FA5]  }
0x28: {  	s2 =	sld [smem:$0x3FA6]  }
0x29: {  	s4 =	sld [smem:$0x3FA8]  }
0x2a: {  	p0 =	seq.s32 s5, $0x0;
	s5 =	sld [smem:$0x3FA9]  }
0x2b: {  	s6 =	sld [smem:$0x3FAA]  }
0x2c: {  	s7 =	sld [smem:$0x3FAB]  }
0x2d: {  	s3 =	simm.s32 $0x108;
	s8 =	sld [smem:$0x3FAC]  }
0x2e: {  	s3 =	simm.s32 @!p0 $0x1082;
	s9 =	sld [smem:$0x3FAD]  }
0x2f: {  	lr =	sadd.s32 s0, s3;
	s0 =	sld [smem:$0x3FA4]  }
0x30: {  	s3 =	sld [smem:$0x3FA7]  }
0x31: {  	[smem:$0x3FB0] =	sst s10  }
0x32: {  	s10 =	sld [smem:$0x3FAE];
	_ =	sdelay $0x3  }
0x33: {  	p0 =	seq.s32 s10, $0x1;
	s10 =	sld [smem:$0x3FB0];
	_ =	sdelay $0x3  }
0x34: {  	[smem:$0x3FB0] =	sst s10  }
0x35: {  	s10 =	sld [smem:$0x3FAF];
	_ =	sdelay $0x3  }
0x36: {  	p1 =	seq.s32 s10, $0x1;
	s10 =	sld [smem:$0x3FB0];
	_ =	sdelay $0x3  }
0x37: {  	[smem:$0x3FB0] =	sst s10  }
0x38: {  	s10 =	sld [smem:$0x3FB1]  }
0x39: {  	_ = 	snop;
	(pc) =	sbr.ind lr, $3  }
0x3a: {  	_ = 	snop  }
0x3b: {  	_ = 	snop  }
0x3c: {  	p2 =	seq.s32 s10, $0x1;
	s10 =	sld [smem:$0x3FB0]  }
0x3d: {  	_ =	shalt  }
0x3e: {  	_ =	shalt  }
0x3f: {  	_ =	shalt  }
0x40: {  	_ =	shalt  }
0x41: {  	_ =	shalt  }
0x42: {  	_ =	shalt  }
0x43: {  	_ =	shalt  }
0x44: {  	_ =	shalt  }
0x45: {  	_ =	shalt  }
0x46: {  	_ =	shalt  }
0x47: {  	_ =	shalt  }
0x48: {  	_ =	shalt  }
0x49: {  	_ =	shalt  }
0x4a: {  	_ =	shalt  }
0x4b: {  	_ =	shalt  }
0x4c: {  	_ =	shalt  }
0x4d: {  	_ =	shalt  }
0x4e: {  	_ =	shalt  }
0x4f: {  	_ =	shalt  }
0x50: {  	_ =	shalt  }
0x51: {  	_ =	shalt  }
0x52: {  	_ =	shalt  }
0x53: {  	_ =	shalt  }
0x54: {  	_ =	shalt  }
0x55: {  	_ =	shalt  }
0x56: {  	_ =	shalt  }
0x57: {  	_ =	shalt  }
0x58: {  	_ =	shalt  }
0x59: {  	_ =	shalt  }
0x5a: {  	_ =	shalt  }
0x5b: {  	_ =	shalt  }
0x5c: {  	_ =	shalt  }
0x5d: {  	_ =	shalt  }
0x5e: {  	_ =	shalt  }
0x5f: {  	_ =	shalt  }
0x60: {  	_ =	shalt  }
0x61: {  	_ =	shalt  }
0x62: {  	_ =	shalt  }
0x63: {  	_ =	shalt  }
0x64: {  	_ =	shalt  }
0x65: {  	_ =	shalt  }
0x66: {  	_ =	shalt  }
0x67: {  	_ =	shalt  }
0x68: {  	_ =	shalt  }
0x69: {  	_ =	shalt  }
0x6a: {  	_ =	shalt  }
0x6b: {  	_ =	shalt  }
0x6c: {  	_ =	shalt  }
0x6d: {  	_ =	shalt  }
0x6e: {  	_ =	shalt  }
0x6f: {  	_ =	shalt  }
0x70: {  	_ =	shalt  }
0x71: {  	_ =	shalt  }
0x72: {  	_ =	shalt  }
0x73: {  	_ =	shalt  }
0x74: {  	_ =	shalt  }
0x75: {  	_ =	shalt  }
0x76: {  	_ =	shalt  }
0x77: {  	_ =	shalt  }
0x78: {  	_ =	shalt  }
0x79: {  	_ =	shalt  }
0x7a: {  	_ =	shalt  }
0x7b: {  	_ =	shalt  }
0x7c: {  	_ =	shalt  }
0x7d: {  	_ =	shalt  }
0x7e: {  	_ =	shalt  }
0x7f: {  	_ =	shalt  }
0x80: {  	_ =	shalt  }
0x81: {  	_ =	shalt  }
0x82: {  	_ =	shalt  }
0x83: {  	_ =	shalt  }
0x84: {  	_ =	shalt  }
0x85: {  	_ =	shalt  }
0x86: {  	_ =	shalt  }
0x87: {  	_ =	shalt  }
.Lfunc_end0:
.L_simem_size_0:
called_computation.2_lowered:
.L_overlay_start_0:
0x88: {  	s2 =	sld [smem:$0x3FD9]  }
0x89: {  	s3 =	sld [smem:$0x3FFE];
	_ =	sdelay $0x1  }
0x8a: {  	s1 =	srdreg.scid  }
0x8b: {  	s0 =	sand.u32 $0x1, s1  }
0x8c: {  	s17 =	sshll.u32 s0, $0xA;
	s2 =	sadd.s32 s3, s2  }
0x8d: {  	s2 =	sadd.s32 s2, s17  }
0x8e: {  	[smem:$0x3FBC] =	sst s2  }
0x8f: {  	_ = 	snop  }
0x90: {  	s2 =	sld [smem:$0x3FD0];
	(tm) =	ssettm $0x1  }
0x91: {  	s18 =	sld [smem:$0x3FFB];
	_ =	sdelay $0x3  }
0x92: {  	_ =	strace s18  }
0x93: {  	s3 =	sld [smem:$0x3FFC];
	_ =	sdelay $0x3  }
0x94: {  	_ =	strace s3  }
0x95: {  	s3 =	sld [smem:$0x3FFD];
	_ =	sdelay $0x3  }
0x96: {  	_ =	strace s3  }
0x97: {  	_ =	strace $0x8FFFFFFF  }
0x98: {  	s19 =	sld [smem:$0x3FDB];
	_ =	sdelay $0x1  }
0x99: {  	s4 =	simm.s32 $_scs_section_size  }
0x9a: {  	s5 =	simm.s32 $_size__tile_overlayer_lowered;
	s6 =	simm.s32 $_tile_overlayer_lowered  }
0x9b: {  	s22 =	simm.s32 $0x1BFF;
	s21 =	sshll.u32 s6, $0x1;
	s3 =	sadd.s32 s4, s19  }
0x9c: {  	s7 =	simm.s32 $0x0;
	s20 =	sshll.u32 s5, $0x1;
	s5 =	sadd.s32 s21, s3  }
0x9d: {  	[timem:s7], [sflag:s22] =	dma.local [hbm:s5], s20  }
0x9e: {  	_ =	swait.ge [sflag:s22], s20  }
0x9f: {  	s4 =	ssub.s32 $0x0, s20;
	[sflag:s22] =	ssyncset.done $0x0  }
0xa0: {  	[sflag:s22] =	ssyncadd.s32 s4;
	_ =	sdelay $0x1  }
0xa1: {  	s23 =	simm.s32 $0x1B8B  }
0xa2: {  	_ =	swait.ge [sflag:s23], $0x1  }
0xa3: {  	[sflag:s23] =	ssyncset.done $0x0  }
0xa4: {  	s25 =	simm.s32 $0x1B8E;
	s24 =	sld [smem:$0x3FFE];
	[sflag:s23] =	ssyncadd.s32 $0xFFFFFFFF  }
0xa5: {  	s26 =	simm.s32 $execute0_lowered;
	[smem:$0x3FD2] =	sst s25  }
0xa6: {  	s5 =	sshll.u32 s26, $0x1;
	_ =	strace $0x8000004C;
	[dreg:$0x1] =	wrdreg $0xFFFFFFFF  }
0xa7: {  	s28 =	simm.s32 $_size_execute0_lowered;
	s3 =	sadd.s32 s3, s5;
	[dreg:$0x0] =	wrdreg $0x0  }
0xa8: {  	s5 =	sshll.u32 s28, $0x1;
	[dreg:$0x2] =	wrdreg s3  }
0xa9: {  	[dreg:$0x3] =	wrdreg s5  }
0xaa: {  	[dreg:$0x4] =	wrdreg $0xC0  }
0xab: {  	_ =	task [dreg:s7], $0x5FFFF  }
0xac: {  	[dreg:$0x1] =	wrdreg $0xFFFFFFFF  }
0xad: {  	[dreg:$0x0] =	wrdreg $0x60  }
0xae: {  	[dreg:$0x2] =	wrdreg s24  }
0xaf: {  	[dreg:$0x3] =	wrdreg s2  }
0xb0: {  	[dreg:$0x4] =	wrdreg $0xA0000  }
0xb1: {  	[dreg:$0x5] =	wrdreg $0x9  }
0xb2: {  	_ =	task.clear_ibuf [dreg:s7], $0x6FFFF;
	_ =	strace $0x9000004C  }
0xb3: {  	s29 =	simm.s32 $0x9;
	_ =	strace $0x8000004E  }
0xb4: {  	_ =	swait.ge [sflag:s29], $0x1  }
0xb5: {  	[sflag:s29] =	ssyncadd.s32 $0xFFFFFFFF  }
0xb6: {  	_ =	strace $0x9000004E  }
0xb7: {  	_ =	sfence  }
0xb8: {  	s30 =	sld [smem:$0x0];
	_ =	sdelay $0x2  }
0xb9: {  	s31 =	sshll.u32 s1, $0xD;
	s1 =	sshrl.u32 s1, $0x2  }
0xba: {  	s3 =	sand.u32 $0x4000, s31;
	s1 =	sadd.s32 s1, s30  }
0xbb: {  	s0 =	sor.u32 s3, s0;
	s1 =	sshll.u32 s1, $0x11  }
0xbc: {  	s0 =	sor.u32 s1, s0  }
0xbd: {  	s0 =	sadd.s32 $0x8F2B, s0  }
0xbe: {  	[sflag:s0] =	ssyncadd.remote.s32 $0x1  }
0xbf: {  	_ =	sfence.sel $0xFFFF  }
0xc0: {  	[dreg:$0x0] =	wrdreg $0xFFFFFFFF;
	(pc) =	sbr.abs _section_cstart, $3  }
0xc1: {  	[dreg:$0x1] =	wrdreg $0xFFFFFFFF  }
0xc2: {  	_ =	task.clear_ibuf [dreg:s7], $0x2FFFF;
	_ =	strace $0x9FFFFFFF  }
0xc3: {  	(tm) =	ssettm $0x7FFFFFFF  }
tec
execute0_lowered:
.L_overlay_start_1:
0x0: {  	(tag) =	ssettag $0x1  }
0x1: {  	s8 =	rddreg [dreg:$0x0]  }
0x2: {  	s1 =	rddreg [dreg:$0x1]  }
0x3: {  	s2 =	rddreg [dreg:$0x2]  }
0x4: {  	s3 =	srdreg.scid;
	s0 =	rddreg [dreg:$0x3]  }
0x5: {  	s4 =	simm.s32 $0x0;
	s15 =	simm.s32 $0x40;
	s16 =	simm.s32 $0x2000  }
0x6: {  	s17 =	simm.s32 $0x4000;
	s18 =	simm.s32 $0x1;
	s19 =	simm.s32 $0x80  }
0x7: {  	s20 =	simm.s32 $0x2;
	s9 =	sand.u32 $0x1, s3;
	s3 =	stileid.u32  }
0x8: {  	[smem:$0x7FF] =	sst s4;
	s5 =	sadd.s32 $0x6000, s8;
	s7 =	smul.u32 $0x140000, s9  }
0x9: {  	s6 =	sadd.s32 $0x62800, s8;
	s10 =	smul.u32 $0x14000, s3;
	_ =	strace $0x8000004D  }
0xa: {  	s28 =	ssub.s32 $0x2, s9;
	s13 =	smul.u32 $0x50000, s3;
	s31 =	sshll.u32 s3, $0x1  }
0xb: {  	s30 =	sshll.u32 s3, $0x6;
	s12 =	sshrl.u32 s28, $0x1;
	s9 =	sor.u32 s9, s31  }
.Ltmp0:
0xc: {  	s7 =	sadd.s32 s10, s7;
	s12 =	ssub.s32 s28, s12;
	(pc) =	sbr.rel .LBB2_1-.Ltmp0, $4  }
0xd: {  	s29 =	sshrl.u32 s13, $0x2;
	s9 =	smul.u32 $0x3000, s9;
	s11 =	sshrl.u32 s7, $0x3  }
0xe: {  	s13 =	simm.s32 $0x3;
	s7 =	sadd.s32 $0x6E800, s8;
	s11 =	sadd.s32 s11, s8  }
0xf: {  	s14 =	sadd.s32 s29, s2;
	s8 =	sor.u32 $0x1C03, s30;
	s10 =	sadd.s32 $0x7A800, s11  }
0x10: {  	s11 =	smax.u32 s12, $0x1;
	s12 =	sshrl.u32 s14, $0x3;
	s14 =	simm.s32 $0x1000  }
.LBB2_7:
0x11: {  	s4 =	sadd.s32 $0x1, s4  }
0x12: {  	p0 =	sne.s32 s4, s11  }
.Ltmp1:
0x13: {  	[bflag:$0x0] =	sbarrier.arrive $0xFFFF;
	(pc) =	sbr.rel @!p0 .LBB2_8-.Ltmp1, $4  }
0x14: {  	[hbm:s10], [sflag:s8] =	dma.local [spmem:s12], $0x2800  }
0x15: {  	_ =	swait.ge [sflag:s13], $0x2800  }
0x16: {  	[sflag:s13] =	ssyncset.done $0x0  }
0x17: {  	[sflag:s13] =	ssyncadd.s32 $0xFFFFD800  }
.LBB2_1:
0x18: {  	[spmem:s12], [sflag:s8] =	dma.local [hbm:s1], $0x2800  }
.Ltmp2:
0x19: {  	_ =	swait.ge [sflag:s13], $0x2800;
	(pc) =	sbr.rel .LBB2_2-.Ltmp2, $4  }
0x1a: {  	[sflag:s13] =	ssyncset.done $0x0  }
0x1b: {  	[sflag:s13] =	ssyncadd.s32 $0xFFFFD800  }
0x1c: {  	[bflag:$0x0] =	sbarrier.arrive $0xFFFF  }
0x1d: {  	s21 =	simm.s32 $0x0  }
.LBB2_6:
0x1e: {  	s21 =	sadd.s32 $0x1, s21  }
0x1f: {  	p0 =	sne.s32 s21, $0x3  }
.Ltmp3:
0x20: {  	_ = 	snop;
	(pc) =	sbr.rel @!p0 .LBB2_7-.Ltmp3, $4  }
0x21: {  	_ = 	snop  }
0x22: {  	_ =	swait.ge [sflag:s20], $0x4000  }
0x23: {  	[sflag:s20] =	ssyncset.done $0x0  }
0x24: {  	[sflag:s20] =	ssyncadd.s32 $0xFFFFC000  }
.LBB2_2:
0x25: {  	s22 =	sshll.u32 s21, $0xC  }
0x26: {  	s22 =	sadd.s32 s9, s22  }
0x27: {  	s23 =	sshrl.u32 s22, $0x3  }
0x28: {  	s22 =	simm.s32 $0x0;
	s24 =	sadd.s32 s6, s23  }
0x29: {  	[tilespmem:s22], [sflag:$0x3] =	stream.linear.gather [hbm4b:s24+s22], $0xE00, $0x38;
	[tilespmem:$0x1E000] =	vst v63  }
0x2a: {  	_ =	swait.ge [sflag:s13], $0xE00  }
0x2b: {  	[sflag:s13] =	ssyncset.done $0x0  }
0x2c: {  	s23 =	sadd.s32 s7, s23;
	[sflag:s13] =	ssyncadd.s32 $0xFFFFF200  }
0x2d: {  	[tilespmem:s14], [sflag:$0x3] =	stream.linear.gather [hbm4b:s23+s22], $0xE00, $0x38;
	[tilespmem:$0x1E000] =	vst v63  }
0x2e: {  	_ =	swait.ge [sflag:s13], $0xE00  }
.Ltmp4:
0x2f: {  	[sflag:s13] =	ssyncset.done $0x0;
	(pc) =	sbr.rel .LBB2_3-.Ltmp4, $4  }
0x30: {  	[sflag:s13] =	ssyncadd.s32 $0xFFFFF200  }
0x31: {  	[tilespmem:s16], [sflag:$0x1] =	stream.indirect.gather [hbm4b:s5+s15], $0x80, s22, s15, $0xb8;
	[tilespmem:$0x1E000] =	vst v63  }
0x32: {  	_ = 	snop  }
0x33: {  	[tilespmem:s17], [sflag:$0x1] =	stream.indirect.gather [hbm4b:s5+s15], $0x80, s15, s15, $0xb8;
	[tilespmem:$0x1E000] =	vst v63  }
.LBB2_5:
0x34: {  	p0 =	slt.u32 s23, $0x1C  }
.Ltmp5:
0x35: {  	s24 =	sshll.u32 s22, $0xE;
	s31 =	sshll.u32 s22, $0x7;
	(pc) =	sbr.rel @!p0 .LBB2_6-.Ltmp5, $4  }
0x36: {  	s24 =	sand.u32 $0x4000, s24;
	s22 =	sand.u32 $0x3FFFFF80, s31  }
0x37: {  	s24 =	sor.u32 $0x2000, s24;
	s22 =	sadd.s32 $0x1000, s22  }
0x38: {  	[spmem:s2] =	stream.indirect.scatter.add.f32 [tilespmem:s24], [sflag:$0x2], $0x80, s22, s19, $0xb8;
	[tilespmem:$0x1E000] =	vst v63  }
0x39: {  	s22 =	smov.u32 s23  }
.LBB2_3:
0x3a: {  	_ =	swait.ge [sflag:s18], $0x2000  }
0x3b: {  	p0 =	seq.s32 s22, $0x0;
	[sflag:s18] =	ssyncset.done $0x0  }
0x3c: {  	p1 =	seq.s32 @!p0 s22, $0x1B;
	[sflag:s18] =	ssyncadd.s32 $0xFFFFE000  }
0x3d: {  	p1 =	por p0, !p1;
	_ =	swait.ge [sflag:s18], $0x2000  }
.Ltmp6:
0x3e: {  	[sflag:s18] =	ssyncset.done $0x0;
	(pc) =	sbr.rel @!p1 .LBB2_5-.Ltmp6, $4  }
0x3f: {  	s23 =	simm.s32 @!p0 $0x2;
	[sflag:s18] =	ssyncadd.s32 $0xFFFFE000  }
0x40: {  	_ =	swait.ge @!p0 [sflag:s23], $0x4000  }
0x41: {  	[sflag:s23] =	ssyncset.done @!p0 $0x0  }
0x42: {  	[sflag:s23] =	ssyncadd.s32 @!p0 $0xFFFFC000;
	s23 =	simm.s32 @!p0 $0x1C  }
0x43: {  	s23 =	sadd.s32 @!p0 $0x1, s22  }
0x44: {  	s23 =	simm.s32 @p0 $0x1  }
0x45: {  	s24 =	sshll.u32 s23, $0xE  }
.Ltmp7:
0x46: {  	s25 =	sshll.u32 s23, $0x7;
	s24 =	sand.u32 $0x4000, s24;
	(pc) =	sbr.rel .LBB2_5-.Ltmp7, $4  }
0x47: {  	s25 =	sand.u32 $0x3FFFFF80, s25;
	s26 =	sor.u32 $0x2000, s24  }
0x48: {  	[tilespmem:s26], [sflag:$0x1] =	stream.indirect.gather [hbm4b:s5+s15], $0x80, s25, s15, $0xb8;
	[tilespmem:$0x1E000] =	vst v63  }
0x49: {  	s24 =	sadd.s32 $0x4000, s24;
	s25 =	sor.u32 $0x40, s25  }
0x4a: {  	[tilespmem:s24], [sflag:$0x1] =	stream.indirect.gather [hbm4b:s5+s15], $0x80, s25, s15, $0xb8;
	[tilespmem:$0x1E000] =	vst v63  }
.LBB2_8:
0x4b: {  	_ =	sfence.sel $0x180000  }
0x4c: {  	[bflag:$0x0] =	sbarrier.arrive $0xFFFF  }
0x4d: {  	p0 =	sne.s32 s3, $0x0;
	_ =	strace $0x9000004D  }
0x4e: {  	s0 =	sadd.s32 @!p0 $0x100000, s0;
	[bflag:$0x2] =	sbarrier.arrive $0xFFFF  }
0x4f: {  	[sflag:s0] =	ssyncadd.tile.s32 @!p0 $0x1;
	_ =	shalt  }
.Lfunc_end2:
_tile_overlayer_lowered:
.L_overlay_start_2:
0x50: {  	(tag) =	ssettag $0x2  }
0x51: {  	s0 =	rddreg [dreg:$0x0];
	s2 =	stileid.u32  }
0x52: {  	s1 =	rddreg [dreg:$0x1];
	p0 =	sne.s32 s2, $0x0  }
0x53: {  	s3 =	rddreg [dreg:$0x2];
	[bflag:$0x3] =	sbarrier.arrive $0xFFFF;
	s2 =	simm.s32 @!p0 $0x1C03  }
0x54: {  	[timem:s3], [sflag:s2] =	dma.local @!p0 [hbm:s0], s1  }
0x55: {  	s0 =	simm.s32 @!p0 $0x3  }
0x56: {  	_ =	swait.ge @!p0 [sflag:s0], s1  }
0x57: {  	s1 =	ssub.s32 @!p0 $0x0, s1;
	[sflag:s0] =	ssyncset.done @!p0 $0x0  }
0x58: {  	[sflag:s0] =	ssyncadd.s32 @!p0 s1  }
0x59: {  	[bflag:$0x3] =	sbarrier.arrive $0xFFFF  }
0x5a: {  	_ =	shalt  }

// kernel: kernel.21.cloned.1.call-start
scs
__scs_entry_jumppad:
0x0: {  	(pc) =	sbr.rel $0x88, $3  }
0x1: {  	(tag) =	ssettag $0x0;
	lr =	simm.s32 $0x1  }
0x2: {  	[smem:$0x3F95] =	sst lr;
	_ =	strace $0xD0000000  }
0x3: {  	_ = 	snop  }
0x4: {  	_ = 	snop  }
0x5: {  	_ = 	snop  }
0x6: {  	_ = 	snop  }
0x7: {  	_ = 	snop  }
__scs_overlays_trampoline_lowered:
0x8: {  	[smem:$0x3FA4] =	sst s0  }
0x9: {  	[smem:$0x3FA5] =	sst s1  }
0xa: {  	[smem:$0x3FA6] =	sst s2  }
0xb: {  	[smem:$0x3FA7] =	sst s3  }
0xc: {  	[smem:$0x3FA8] =	sst s4  }
0xd: {  	[smem:$0x3FA9] =	sst s5  }
0xe: {  	[smem:$0x3FAA] =	sst s6  }
0xf: {  	[smem:$0x3FAB] =	sst s7  }
0x10: {  	[smem:$0x3FAC] =	sst s8  }
0x11: {  	[smem:$0x3FAD] =	sst s9;
	s0 =	simm.s32 @!p0 $0x0  }
0x12: {  	s1 =	sld [smem:$0x3F93];
	s0 =	simm.s32 @p0 $0x1  }
0x13: {  	[smem:$0x3FAE] =	sst s0;
	s0 =	simm.s32 @!p1 $0x0  }
0x14: {  	s2 =	sld [smem:$0x3F92];
	s0 =	simm.s32 @p1 $0x1  }
0x15: {  	[smem:$0x3FAF] =	sst s0;
	s0 =	simm.s32 @!p2 $0x0  }
0x16: {  	s3 =	sld [smem:$0x3FDB];
	s0 =	simm.s32 @p2 $0x1  }
0x17: {  	s4 =	simm.s32 $0x1BF5;
	[smem:$0x3FB1] =	sst s0  }
0x18: {  	s0 =	sld [smem:$0x3F94];
	_ =	swait.ge [sflag:s4], $0x0  }
0x19: {  	s7 =	sld [smem:$0x3F95]  }
0x1a: {  	s8 =	sadd.s32 $0xFFFFE003, lr  }
0x1b: {  	s9 =	sadd.s32 $0xFFFFFEF7, lr;
	s5 =	simm.s32 $0xFFFFFFFF;
	p2 =	slt.u32 s8, $0xFFFFF086  }
0x1c: {  	p1 =	slt.u32 s9, $0xF7A;
	s5 =	simm.s32 @!p2 $0x0  }
0x1d: {  	s5 =	simm.s32 @p1 $0x1;
	p0 =	seq.s32 s7, s2  }
0x1e: {  	s7 =	smul.u32 @!p0 $0xF7A, s2;
	p2 =	seq.s32 @!p0 s5, $0x0  }
0x1f: {  	s9 =	smul.u32 $0xF7A, s1;
	s8 =	simm.s32 @!p0 $0x1BF5;
	p2 =	por !p2, p0  }
0x20: {  	[sflag:s8] =	ssyncset.s32 @!p0 $0xFFFFF086;
	s6 =	sadd.s32 @!p0 s3, s7;
	s7 =	simm.s32 @!p0 $0x108  }
0x21: {  	s3 =	sadd.s32 s3, s9;
	s6 =	sadd.s32 @!p0 $0x88, s6;
	s7 =	simm.s32 @p2 $0x1082  }
0x22: {  	[simem:s7], [sflag:s8] =	dma.local @!p0 [hbm:s6], $0xF7A  }
0x23: {  	s9 =	sor.u32 $0xD0000000, s2;
	s6 =	simm.s32 $0x108;
	_ =	swait.ge @!p0 [sflag:s8], $0x0  }
0x24: {  	s3 =	sadd.s32 $0x88, s3;
	s6 =	simm.s32 @!p1 $0x1082;
	[sflag:s4] =	ssyncset.s32 $0xFFFFF086  }
0x25: {  	[simem:s6], [sflag:s4] =	dma.local [hbm:s3], $0xF7A  }
0x26: {  	[smem:$0x3F95] =	sst s1;
	(tag) =	ssettag s2;
	_ =	strace s9  }
0x27: {  	s1 =	sld [smem:$0x3FA5]  }
0x28: {  	s2 =	sld [smem:$0x3FA6]  }
0x29: {  	s4 =	sld [smem:$0x3FA8]  }
0x2a: {  	p0 =	seq.s32 s5, $0x0;
	s5 =	sld [smem:$0x3FA9]  }
0x2b: {  	s6 =	sld [smem:$0x3FAA]  }
0x2c: {  	s7 =	sld [smem:$0x3FAB]  }
0x2d: {  	s3 =	simm.s32 $0x108;
	s8 =	sld [smem:$0x3FAC]  }
0x2e: {  	s3 =	simm.s32 @!p0 $0x1082;
	s9 =	sld [smem:$0x3FAD]  }
0x2f: {  	lr =	sadd.s32 s0, s3;
	s0 =	sld [smem:$0x3FA4]  }
0x30: {  	s3 =	sld [smem:$0x3FA7]  }
0x31: {  	[smem:$0x3FB0] =	sst s10  }
0x32: {  	s10 =	sld [smem:$0x3FAE];
	_ =	sdelay $0x3  }
0x33: {  	p0 =	seq.s32 s10, $0x1;
	s10 =	sld [smem:$0x3FB0];
	_ =	sdelay $0x3  }
0x34: {  	[smem:$0x3FB0] =	sst s10  }
0x35: {  	s10 =	sld [smem:$0x3FAF];
	_ =	sdelay $0x3  }
0x36: {  	p1 =	seq.s32 s10, $0x1;
	s10 =	sld [smem:$0x3FB0];
	_ =	sdelay $0x3  }
0x37: {  	[smem:$0x3FB0] =	sst s10  }
0x38: {  	s10 =	sld [smem:$0x3FB1]  }
0x39: {  	_ = 	snop;
	(pc) =	sbr.ind lr, $3  }
0x3a: {  	_ = 	snop  }
0x3b: {  	_ = 	snop  }
0x3c: {  	p2 =	seq.s32 s10, $0x1;
	s10 =	sld [smem:$0x3FB0]  }
0x3d: {  	_ =	shalt  }
0x3e: {  	_ =	shalt  }
0x3f: {  	_ =	shalt  }
0x40: {  	_ =	shalt  }
0x41: {  	_ =	shalt  }
0x42: {  	_ =	shalt  }
0x43: {  	_ =	shalt  }
0x44: {  	_ =	shalt  }
0x45: {  	_ =	shalt  }
0x46: {  	_ =	shalt  }
0x47: {  	_ =	shalt  }
0x48: {  	_ =	shalt  }
0x49: {  	_ =	shalt  }
0x4a: {  	_ =	shalt  }
0x4b: {  	_ =	shalt  }
0x4c: {  	_ =	shalt  }
0x4d: {  	_ =	shalt  }
0x4e: {  	_ =	shalt  }
0x4f: {  	_ =	shalt  }
0x50: {  	_ =	shalt  }
0x51: {  	_ =	shalt  }
0x52: {  	_ =	shalt  }
0x53: {  	_ =	shalt  }
0x54: {  	_ =	shalt  }
0x55: {  	_ =	shalt  }
0x56: {  	_ =	shalt  }
0x57: {  	_ =	shalt  }
0x58: {  	_ =	shalt  }
0x59: {  	_ =	shalt  }
0x5a: {  	_ =	shalt  }
0x5b: {  	_ =	shalt  }
0x5c: {  	_ =	shalt  }
0x5d: {  	_ =	shalt  }
0x5e: {  	_ =	shalt  }
0x5f: {  	_ =	shalt  }
0x60: {  	_ =	shalt  }
0x61: {  	_ =	shalt  }
0x62: {  	_ =	shalt  }
0x63: {  	_ =	shalt  }
0x64: {  	_ =	shalt  }
0x65: {  	_ =	shalt  }
0x66: {  	_ =	shalt  }
0x67: {  	_ =	shalt  }
0x68: {  	_ =	shalt  }
0x69: {  	_ =	shalt  }
0x6a: {  	_ =	shalt  }
0x6b: {  	_ =	shalt  }
0x6c: {  	_ =	shalt  }
0x6d: {  	_ =	shalt  }
0x6e: {  	_ =	shalt  }
0x6f: {  	_ =	shalt  }
0x70: {  	_ =	shalt  }
0x71: {  	_ =	shalt  }
0x72: {  	_ =	shalt  }
0x73: {  	_ =	shalt  }
0x74: {  	_ =	shalt  }
0x75: {  	_ =	shalt  }
0x76: {  	_ =	shalt  }
0x77: {  	_ =	shalt  }
0x78: {  	_ =	shalt  }
0x79: {  	_ =	shalt  }
0x7a: {  	_ =	shalt  }
0x7b: {  	_ =	shalt  }
0x7c: {  	_ =	shalt  }
0x7d: {  	_ =	shalt  }
0x7e: {  	_ =	shalt  }
0x7f: {  	_ =	shalt  }
0x80: {  	_ =	shalt  }
0x81: {  	_ =	shalt  }
0x82: {  	_ =	shalt  }
0x83: {  	_ =	shalt  }
0x84: {  	_ =	shalt  }
0x85: {  	_ =	shalt  }
0x86: {  	_ =	shalt  }
0x87: {  	_ =	shalt  }
.Lfunc_end0:
.L_simem_size_0:
called_computation.3_lowered:
.L_overlay_start_0:
0x88: {  	s2 =	sld [smem:$0x3FD9]  }
0x89: {  	s3 =	sld [smem:$0x3FFE];
	_ =	sdelay $0x1  }
0x8a: {  	s1 =	srdreg.scid  }
0x8b: {  	s0 =	sand.u32 $0x1, s1  }
0x8c: {  	s17 =	sshll.u32 s0, $0xA;
	s2 =	sadd.s32 s3, s2  }
0x8d: {  	s2 =	sadd.s32 s2, s17  }
0x8e: {  	[smem:$0x3FBC] =	sst s2  }
0x8f: {  	_ = 	snop  }
0x90: {  	s2 =	sld [smem:$0x3FD0];
	(tm) =	ssettm $0x1  }
0x91: {  	s18 =	sld [smem:$0x3FFB];
	_ =	sdelay $0x3  }
0x92: {  	_ =	strace s18  }
0x93: {  	s3 =	sld [smem:$0x3FFC];
	_ =	sdelay $0x3  }
0x94: {  	_ =	strace s3  }
0x95: {  	s3 =	sld [smem:$0x3FFD];
	_ =	sdelay $0x3  }
0x96: {  	_ =	strace s3  }
0x97: {  	_ =	strace $0x8FFFFFFF  }
0x98: {  	s19 =	sld [smem:$0x3FDB];
	_ =	sdelay $0x1  }
0x99: {  	s4 =	simm.s32 $_scs_section_size  }
0x9a: {  	s5 =	simm.s32 $_size__tile_overlayer_lowered;
	s6 =	simm.s32 $_tile_overlayer_lowered  }
0x9b: {  	s22 =	simm.s32 $0x1BFF;
	s21 =	sshll.u32 s6, $0x1;
	s3 =	sadd.s32 s4, s19  }
0x9c: {  	s7 =	simm.s32 $0x0;
	s20 =	sshll.u32 s5, $0x1;
	s5 =	sadd.s32 s21, s3  }
0x9d: {  	[timem:s7], [sflag:s22] =	dma.local [hbm:s5], s20  }
0x9e: {  	_ =	swait.ge [sflag:s22], s20  }
0x9f: {  	s4 =	ssub.s32 $0x0, s20;
	[sflag:s22] =	ssyncset.done $0x0  }
0xa0: {  	[sflag:s22] =	ssyncadd.s32 s4;
	_ =	sdelay $0x1  }
0xa1: {  	s23 =	simm.s32 $0x1B8B  }
0xa2: {  	_ =	swait.ge [sflag:s23], $0x1  }
0xa3: {  	[sflag:s23] =	ssyncset.done $0x0  }
0xa4: {  	s25 =	simm.s32 $0x1B8E;
	s24 =	sld [smem:$0x3FFE];
	[sflag:s23] =	ssyncadd.s32 $0xFFFFFFFF  }
0xa5: {  	s26 =	simm.s32 $execute0_lowered;
	[smem:$0x3FD2] =	sst s25  }
0xa6: {  	s5 =	sshll.u32 s26, $0x1;
	_ =	strace $0x8000004F;
	[dreg:$0x1] =	wrdreg $0xFFFFFFFF  }
0xa7: {  	s28 =	simm.s32 $_size_execute0_lowered;
	s3 =	sadd.s32 s3, s5;
	[dreg:$0x0] =	wrdreg $0x0  }
0xa8: {  	s5 =	sshll.u32 s28, $0x1;
	[dreg:$0x2] =	wrdreg s3  }
0xa9: {  	[dreg:$0x3] =	wrdreg s5  }
0xaa: {  	[dreg:$0x4] =	wrdreg $0xC0  }
0xab: {  	_ =	task [dreg:s7], $0x5FFFF  }
0xac: {  	[dreg:$0x1] =	wrdreg $0xFFFFFFFF  }
0xad: {  	[dreg:$0x0] =	wrdreg $0x60  }
0xae: {  	[dreg:$0x2] =	wrdreg s24  }
0xaf: {  	[dreg:$0x3] =	wrdreg s2  }
0xb0: {  	[dreg:$0x4] =	wrdreg $0xA0000  }
0xb1: {  	[dreg:$0x5] =	wrdreg $0x9  }
0xb2: {  	_ =	task.clear_ibuf [dreg:s7], $0x6FFFF;
	_ =	strace $0x9000004F  }
0xb3: {  	s29 =	simm.s32 $0x9;
	_ =	strace $0x80000051  }
0xb4: {  	_ =	swait.ge [sflag:s29], $0x1  }
0xb5: {  	[sflag:s29] =	ssyncadd.s32 $0xFFFFFFFF  }
0xb6: {  	_ =	strace $0x90000051  }
0xb7: {  	_ =	sfence  }
0xb8: {  	s30 =	sld [smem:$0x0];
	_ =	sdelay $0x2  }
0xb9: {  	s31 =	sshll.u32 s1, $0xD;
	s1 =	sshrl.u32 s1, $0x2  }
0xba: {  	s3 =	sand.u32 $0x4000, s31;
	s1 =	sadd.s32 s1, s30  }
0xbb: {  	s0 =	sor.u32 s3, s0;
	s1 =	sshll.u32 s1, $0x11  }
0xbc: {  	s0 =	sor.u32 s1, s0  }
0xbd: {  	s0 =	sadd.s32 $0x8F2B, s0  }
0xbe: {  	[sflag:s0] =	ssyncadd.remote.s32 $0x1  }
0xbf: {  	_ =	sfence.sel $0xFFFF  }
0xc0: {  	[dreg:$0x0] =	wrdreg $0xFFFFFFFF;
	(pc) =	sbr.abs _section_cstart, $3  }
0xc1: {  	[dreg:$0x1] =	wrdreg $0xFFFFFFFF  }
0xc2: {  	_ =	task.clear_ibuf [dreg:s7], $0x2FFFF;
	_ =	strace $0x9FFFFFFF  }
0xc3: {  	(tm) =	ssettm $0x7FFFFFFF  }
tec
execute0_lowered:
.L_overlay_start_1:
0x0: {  	(tag) =	ssettag $0x1  }
0x1: {  	s8 =	rddreg [dreg:$0x0]  }
0x2: {  	s1 =	rddreg [dreg:$0x1]  }
0x3: {  	s2 =	rddreg [dreg:$0x2]  }
0x4: {  	s3 =	srdreg.scid;
	s0 =	rddreg [dreg:$0x3]  }
0x5: {  	s4 =	simm.s32 $0x0;
	s15 =	simm.s32 $0x40;
	s16 =	simm.s32 $0x2000  }
0x6: {  	s17 =	simm.s32 $0x4000;
	s18 =	simm.s32 $0x1;
	s19 =	simm.s32 $0x80  }
0x7: {  	s20 =	simm.s32 $0x2;
	s9 =	sand.u32 $0x1, s3;
	s3 =	stileid.u32  }
0x8: {  	[smem:$0x7FF] =	sst s4;
	s5 =	sadd.s32 $0x6000, s8;
	s7 =	smul.u32 $0x140000, s9  }
0x9: {  	s6 =	sadd.s32 $0x62800, s8;
	s10 =	smul.u32 $0x14000, s3;
	_ =	strace $0x80000050  }
0xa: {  	s28 =	ssub.s32 $0x2, s9;
	s13 =	smul.u32 $0x50000, s3;
	s31 =	sshll.u32 s3, $0x1  }
0xb: {  	s30 =	sshll.u32 s3, $0x6;
	s12 =	sshrl.u32 s28, $0x1;
	s9 =	sor.u32 s9, s31  }
.Ltmp0:
0xc: {  	s7 =	sadd.s32 s10, s7;
	s12 =	ssub.s32 s28, s12;
	(pc) =	sbr.rel .LBB2_1-.Ltmp0, $4  }
0xd: {  	s29 =	sshrl.u32 s13, $0x2;
	s9 =	smul.u32 $0x3000, s9;
	s11 =	sshrl.u32 s7, $0x3  }
0xe: {  	s13 =	simm.s32 $0x3;
	s7 =	sadd.s32 $0x6E800, s8;
	s11 =	sadd.s32 s11, s8  }
0xf: {  	s14 =	sadd.s32 s29, s2;
	s8 =	sor.u32 $0x1C03, s30;
	s10 =	sadd.s32 $0x7A800, s11  }
0x10: {  	s11 =	smax.u32 s12, $0x1;
	s12 =	sshrl.u32 s14, $0x3;
	s14 =	simm.s32 $0x1000  }
.LBB2_7:
0x11: {  	s4 =	sadd.s32 $0x1, s4  }
0x12: {  	p0 =	sne.s32 s4, s11  }
.Ltmp1:
0x13: {  	[bflag:$0x0] =	sbarrier.arrive $0xFFFF;
	(pc) =	sbr.rel @!p0 .LBB2_8-.Ltmp1, $4  }
0x14: {  	[hbm:s10], [sflag:s8] =	dma.local [spmem:s12], $0x2800  }
0x15: {  	_ =	swait.ge [sflag:s13], $0x2800  }
0x16: {  	[sflag:s13] =	ssyncset.done $0x0  }
0x17: {  	[sflag:s13] =	ssyncadd.s32 $0xFFFFD800  }
.LBB2_1:
0x18: {  	[spmem:s12], [sflag:s8] =	dma.local [hbm:s1], $0x2800  }
.Ltmp2:
0x19: {  	_ =	swait.ge [sflag:s13], $0x2800;
	(pc) =	sbr.rel .LBB2_2-.Ltmp2, $4  }
0x1a: {  	[sflag:s13] =	ssyncset.done $0x0  }
0x1b: {  	[sflag:s13] =	ssyncadd.s32 $0xFFFFD800  }
0x1c: {  	[bflag:$0x0] =	sbarrier.arrive $0xFFFF  }
0x1d: {  	s21 =	simm.s32 $0x0  }
.LBB2_6:
0x1e: {  	s21 =	sadd.s32 $0x1, s21  }
0x1f: {  	p0 =	sne.s32 s21, $0x3  }
.Ltmp3:
0x20: {  	_ = 	snop;
	(pc) =	sbr.rel @!p0 .LBB2_7-.Ltmp3, $4  }
0x21: {  	_ = 	snop  }
0x22: {  	_ =	swait.ge [sflag:s20], $0x4000  }
0x23: {  	[sflag:s20] =	ssyncset.done $0x0  }
0x24: {  	[sflag:s20] =	ssyncadd.s32 $0xFFFFC000  }
.LBB2_2:
0x25: {  	s22 =	sshll.u32 s21, $0xC  }
0x26: {  	s22 =	sadd.s32 s9, s22  }
0x27: {  	s23 =	sshrl.u32 s22, $0x3  }
0x28: {  	s22 =	simm.s32 $0x0;
	s24 =	sadd.s32 s6, s23  }
0x29: {  	[tilespmem:s22], [sflag:$0x3] =	stream.linear.gather [hbm4b:s24+s22], $0xE00, $0x38;
	[tilespmem:$0x1E000] =	vst v63  }
0x2a: {  	_ =	swait.ge [sflag:s13], $0xE00  }
0x2b: {  	[sflag:s13] =	ssyncset.done $0x0  }
0x2c: {  	s23 =	sadd.s32 s7, s23;
	[sflag:s13] =	ssyncadd.s32 $0xFFFFF200  }
0x2d: {  	[tilespmem:s14], [sflag:$0x3] =	stream.linear.gather [hbm4b:s23+s22], $0xE00, $0x38;
	[tilespmem:$0x1E000] =	vst v63  }
0x2e: {  	_ =	swait.ge [sflag:s13], $0xE00  }
.Ltmp4:
0x2f: {  	[sflag:s13] =	ssyncset.done $0x0;
	(pc) =	sbr.rel .LBB2_3-.Ltmp4, $4  }
0x30: {  	[sflag:s13] =	ssyncadd.s32 $0xFFFFF200  }
0x31: {  	[tilespmem:s16], [sflag:$0x1] =	stream.indirect.gather [hbm4b:s5+s15], $0x80, s22, s15, $0xb8;
	[tilespmem:$0x1E000] =	vst v63  }
0x32: {  	_ = 	snop  }
0x33: {  	[tilespmem:s17], [sflag:$0x1] =	stream.indirect.gather [hbm4b:s5+s15], $0x80, s15, s15, $0xb8;
	[tilespmem:$0x1E000] =	vst v63  }
.LBB2_5:
0x34: {  	p0 =	slt.u32 s23, $0x1C  }
.Ltmp5:
0x35: {  	s24 =	sshll.u32 s22, $0xE;
	s31 =	sshll.u32 s22, $0x7;
	(pc) =	sbr.rel @!p0 .LBB2_6-.Ltmp5, $4  }
0x36: {  	s24 =	sand.u32 $0x4000, s24;
	s22 =	sand.u32 $0x3FFFFF80, s31  }
0x37: {  	s24 =	sor.u32 $0x2000, s24;
	s22 =	sadd.s32 $0x1000, s22  }
0x38: {  	[spmem:s2] =	stream.indirect.scatter.add.f32 [tilespmem:s24], [sflag:$0x2], $0x80, s22, s19, $0xb8;
	[tilespmem:$0x1E000] =	vst v63  }
0x39: {  	s22 =	smov.u32 s23  }
.LBB2_3:
0x3a: {  	_ =	swait.ge [sflag:s18], $0x2000  }
0x3b: {  	p0 =	seq.s32 s22, $0x0;
	[sflag:s18] =	ssyncset.done $0x0  }
0x3c: {  	p1 =	seq.s32 @!p0 s22, $0x1B;
	[sflag:s18] =	ssyncadd.s32 $0xFFFFE000  }
0x3d: {  	p1 =	por p0, !p1;
	_ =	swait.ge [sflag:s18], $0x2000  }
.Ltmp6:
0x3e: {  	[sflag:s18] =	ssyncset.done $0x0;
	(pc) =	sbr.rel @!p1 .LBB2_5-.Ltmp6, $4  }
0x3f: {  	s23 =	simm.s32 @!p0 $0x2;
	[sflag:s18] =	ssyncadd.s32 $0xFFFFE000  }
0x40: {  	_ =	swait.ge @!p0 [sflag:s23], $0x4000  }
0x41: {  	[sflag:s23] =	ssyncset.done @!p0 $0x0  }
0x42: {  	[sflag:s23] =	ssyncadd.s32 @!p0 $0xFFFFC000;
	s23 =	simm.s32 @!p0 $0x1C  }
0x43: {  	s23 =	sadd.s32 @!p0 $0x1, s22  }
0x44: {  	s23 =	simm.s32 @p0 $0x1  }
0x45: {  	s24 =	sshll.u32 s23, $0xE  }
.Ltmp7:
0x46: {  	s25 =	sshll.u32 s23, $0x7;
	s24 =	sand.u32 $0x4000, s24;
	(pc) =	sbr.rel .LBB2_5-.Ltmp7, $4  }
0x47: {  	s25 =	sand.u32 $0x3FFFFF80, s25;
	s26 =	sor.u32 $0x2000, s24  }
0x48: {  	[tilespmem:s26], [sflag:$0x1] =	stream.indirect.gather [hbm4b:s5+s15], $0x80, s25, s15, $0xb8;
	[tilespmem:$0x1E000] =	vst v63  }
0x49: {  	s24 =	sadd.s32 $0x4000, s24;
	s25 =	sor.u32 $0x40, s25  }
0x4a: {  	[tilespmem:s24], [sflag:$0x1] =	stream.indirect.gather [hbm4b:s5+s15], $0x80, s25, s15, $0xb8;
	[tilespmem:$0x1E000] =	vst v63  }
.LBB2_8:
0x4b: {  	_ =	sfence.sel $0x180000  }
0x4c: {  	[bflag:$0x0] =	sbarrier.arrive $0xFFFF  }
0x4d: {  	p0 =	sne.s32 s3, $0x0;
	_ =	strace $0x90000050  }
0x4e: {  	s0 =	sadd.s32 @!p0 $0x100000, s0;
	[bflag:$0x2] =	sbarrier.arrive $0xFFFF  }
0x4f: {  	[sflag:s0] =	ssyncadd.tile.s32 @!p0 $0x1;
	_ =	shalt  }
.Lfunc_end2:
_tile_overlayer_lowered:
.L_overlay_start_2:
0x50: {  	(tag) =	ssettag $0x2  }
0x51: {  	s0 =	rddreg [dreg:$0x0];
	s2 =	stileid.u32  }
0x52: {  	s1 =	rddreg [dreg:$0x1];
	p0 =	sne.s32 s2, $0x0  }
0x53: {  	s3 =	rddreg [dreg:$0x2];
	[bflag:$0x3] =	sbarrier.arrive $0xFFFF;
	s2 =	simm.s32 @!p0 $0x1C03  }
0x54: {  	[timem:s3], [sflag:s2] =	dma.local @!p0 [hbm:s0], s1  }
0x55: {  	s0 =	simm.s32 @!p0 $0x3  }
0x56: {  	_ =	swait.ge @!p0 [sflag:s0], s1  }
0x57: {  	s1 =	ssub.s32 @!p0 $0x0, s1;
	[sflag:s0] =	ssyncset.done @!p0 $0x0  }
0x58: {  	[sflag:s0] =	ssyncadd.s32 @!p0 s1  }
0x59: {  	[bflag:$0x3] =	sbarrier.arrive $0xFFFF  }
0x5a: {  	_ =	shalt  }

// kernel: kernel.24.cloned.1.call-start
scs
__scs_entry_jumppad:
0x0: {  	(pc) =	sbr.rel $0x88, $3  }
0x1: {  	(tag) =	ssettag $0x0;
	lr =	simm.s32 $0x1  }
0x2: {  	[smem:$0x3F95] =	sst lr;
	_ =	strace $0xD0000000  }
0x3: {  	_ = 	snop  }
0x4: {  	_ = 	snop  }
0x5: {  	_ = 	snop  }
0x6: {  	_ = 	snop  }
0x7: {  	_ = 	snop  }
__scs_overlays_trampoline_lowered:
0x8: {  	[smem:$0x3FA4] =	sst s0  }
0x9: {  	[smem:$0x3FA5] =	sst s1  }
0xa: {  	[smem:$0x3FA6] =	sst s2  }
0xb: {  	[smem:$0x3FA7] =	sst s3  }
0xc: {  	[smem:$0x3FA8] =	sst s4  }
0xd: {  	[smem:$0x3FA9] =	sst s5  }
0xe: {  	[smem:$0x3FAA] =	sst s6  }
0xf: {  	[smem:$0x3FAB] =	sst s7  }
0x10: {  	[smem:$0x3FAC] =	sst s8  }
0x11: {  	[smem:$0x3FAD] =	sst s9;
	s0 =	simm.s32 @!p0 $0x0  }
0x12: {  	s1 =	sld [smem:$0x3F93];
	s0 =	simm.s32 @p0 $0x1  }
0x13: {  	[smem:$0x3FAE] =	sst s0;
	s0 =	simm.s32 @!p1 $0x0  }
0x14: {  	s2 =	sld [smem:$0x3F92];
	s0 =	simm.s32 @p1 $0x1  }
0x15: {  	[smem:$0x3FAF] =	sst s0;
	s0 =	simm.s32 @!p2 $0x0  }
0x16: {  	s3 =	sld [smem:$0x3FDB];
	s0 =	simm.s32 @p2 $0x1  }
0x17: {  	s4 =	simm.s32 $0x1BF5;
	[smem:$0x3FB1] =	sst s0  }
0x18: {  	s0 =	sld [smem:$0x3F94];
	_ =	swait.ge [sflag:s4], $0x0  }
0x19: {  	s7 =	sld [smem:$0x3F95]  }
0x1a: {  	s8 =	sadd.s32 $0xFFFFE003, lr  }
0x1b: {  	s9 =	sadd.s32 $0xFFFFFEF7, lr;
	s5 =	simm.s32 $0xFFFFFFFF;
	p2 =	slt.u32 s8, $0xFFFFF086  }
0x1c: {  	p1 =	slt.u32 s9, $0xF7A;
	s5 =	simm.s32 @!p2 $0x0  }
0x1d: {  	s5 =	simm.s32 @p1 $0x1;
	p0 =	seq.s32 s7, s2  }
0x1e: {  	s7 =	smul.u32 @!p0 $0xF7A, s2;
	p2 =	seq.s32 @!p0 s5, $0x0  }
0x1f: {  	s9 =	smul.u32 $0xF7A, s1;
	s8 =	simm.s32 @!p0 $0x1BF5;
	p2 =	por !p2, p0  }
0x20: {  	[sflag:s8] =	ssyncset.s32 @!p0 $0xFFFFF086;
	s6 =	sadd.s32 @!p0 s3, s7;
	s7 =	simm.s32 @!p0 $0x108  }
0x21: {  	s3 =	sadd.s32 s3, s9;
	s6 =	sadd.s32 @!p0 $0x88, s6;
	s7 =	simm.s32 @p2 $0x1082  }
0x22: {  	[simem:s7], [sflag:s8] =	dma.local @!p0 [hbm:s6], $0xF7A  }
0x23: {  	s9 =	sor.u32 $0xD0000000, s2;
	s6 =	simm.s32 $0x108;
	_ =	swait.ge @!p0 [sflag:s8], $0x0  }
0x24: {  	s3 =	sadd.s32 $0x88, s3;
	s6 =	simm.s32 @!p1 $0x1082;
	[sflag:s4] =	ssyncset.s32 $0xFFFFF086  }
0x25: {  	[simem:s6], [sflag:s4] =	dma.local [hbm:s3], $0xF7A  }
0x26: {  	[smem:$0x3F95] =	sst s1;
	(tag) =	ssettag s2;
	_ =	strace s9  }
0x27: {  	s1 =	sld [smem:$0x3FA5]  }
0x28: {  	s2 =	sld [smem:$0x3FA6]  }
0x29: {  	s4 =	sld [smem:$0x3FA8]  }
0x2a: {  	p0 =	seq.s32 s5, $0x0;
	s5 =	sld [smem:$0x3FA9]  }
0x2b: {  	s6 =	sld [smem:$0x3FAA]  }
0x2c: {  	s7 =	sld [smem:$0x3FAB]  }
0x2d: {  	s3 =	simm.s32 $0x108;
	s8 =	sld [smem:$0x3FAC]  }
0x2e: {  	s3 =	simm.s32 @!p0 $0x1082;
	s9 =	sld [smem:$0x3FAD]  }
0x2f: {  	lr =	sadd.s32 s0, s3;
	s0 =	sld [smem:$0x3FA4]  }
0x30: {  	s3 =	sld [smem:$0x3FA7]  }
0x31: {  	[smem:$0x3FB0] =	sst s10  }
0x32: {  	s10 =	sld [smem:$0x3FAE];
	_ =	sdelay $0x3  }
0x33: {  	p0 =	seq.s32 s10, $0x1;
	s10 =	sld [smem:$0x3FB0];
	_ =	sdelay $0x3  }
0x34: {  	[smem:$0x3FB0] =	sst s10  }
0x35: {  	s10 =	sld [smem:$0x3FAF];
	_ =	sdelay $0x3  }
0x36: {  	p1 =	seq.s32 s10, $0x1;
	s10 =	sld [smem:$0x3FB0];
	_ =	sdelay $0x3  }
0x37: {  	[smem:$0x3FB0] =	sst s10  }
0x38: {  	s10 =	sld [smem:$0x3FB1]  }
0x39: {  	_ = 	snop;
	(pc) =	sbr.ind lr, $3  }
0x3a: {  	_ = 	snop  }
0x3b: {  	_ = 	snop  }
0x3c: {  	p2 =	seq.s32 s10, $0x1;
	s10 =	sld [smem:$0x3FB0]  }
0x3d: {  	_ =	shalt  }
0x3e: {  	_ =	shalt  }
0x3f: {  	_ =	shalt  }
0x40: {  	_ =	shalt  }
0x41: {  	_ =	shalt  }
0x42: {  	_ =	shalt  }
0x43: {  	_ =	shalt  }
0x44: {  	_ =	shalt  }
0x45: {  	_ =	shalt  }
0x46: {  	_ =	shalt  }
0x47: {  	_ =	shalt  }
0x48: {  	_ =	shalt  }
0x49: {  	_ =	shalt  }
0x4a: {  	_ =	shalt  }
0x4b: {  	_ =	shalt  }
0x4c: {  	_ =	shalt  }
0x4d: {  	_ =	shalt  }
0x4e: {  	_ =	shalt  }
0x4f: {  	_ =	shalt  }
0x50: {  	_ =	shalt  }
0x51: {  	_ =	shalt  }
0x52: {  	_ =	shalt  }
0x53: {  	_ =	shalt  }
0x54: {  	_ =	shalt  }
0x55: {  	_ =	shalt  }
0x56: {  	_ =	shalt  }
0x57: {  	_ =	shalt  }
0x58: {  	_ =	shalt  }
0x59: {  	_ =	shalt  }
0x5a: {  	_ =	shalt  }
0x5b: {  	_ =	shalt  }
0x5c: {  	_ =	shalt  }
0x5d: {  	_ =	shalt  }
0x5e: {  	_ =	shalt  }
0x5f: {  	_ =	shalt  }
0x60: {  	_ =	shalt  }
0x61: {  	_ =	shalt  }
0x62: {  	_ =	shalt  }
0x63: {  	_ =	shalt  }
0x64: {  	_ =	shalt  }
0x65: {  	_ =	shalt  }
0x66: {  	_ =	shalt  }
0x67: {  	_ =	shalt  }
0x68: {  	_ =	shalt  }
0x69: {  	_ =	shalt  }
0x6a: {  	_ =	shalt  }
0x6b: {  	_ =	shalt  }
0x6c: {  	_ =	shalt  }
0x6d: {  	_ =	shalt  }
0x6e: {  	_ =	shalt  }
0x6f: {  	_ =	shalt  }
0x70: {  	_ =	shalt  }
0x71: {  	_ =	shalt  }
0x72: {  	_ =	shalt  }
0x73: {  	_ =	shalt  }
0x74: {  	_ =	shalt  }
0x75: {  	_ =	shalt  }
0x76: {  	_ =	shalt  }
0x77: {  	_ =	shalt  }
0x78: {  	_ =	shalt  }
0x79: {  	_ =	shalt  }
0x7a: {  	_ =	shalt  }
0x7b: {  	_ =	shalt  }
0x7c: {  	_ =	shalt  }
0x7d: {  	_ =	shalt  }
0x7e: {  	_ =	shalt  }
0x7f: {  	_ =	shalt  }
0x80: {  	_ =	shalt  }
0x81: {  	_ =	shalt  }
0x82: {  	_ =	shalt  }
0x83: {  	_ =	shalt  }
0x84: {  	_ =	shalt  }
0x85: {  	_ =	shalt  }
0x86: {  	_ =	shalt  }
0x87: {  	_ =	shalt  }
.Lfunc_end0:
.L_simem_size_0:
called_computation.4_lowered:
.L_overlay_start_0:
0x88: {  	s2 =	sld [smem:$0x3FD9]  }
0x89: {  	s3 =	sld [smem:$0x3FFE];
	_ =	sdelay $0x1  }
0x8a: {  	s1 =	srdreg.scid  }
0x8b: {  	s0 =	sand.u32 $0x1, s1  }
0x8c: {  	s17 =	sshll.u32 s0, $0xA;
	s2 =	sadd.s32 s3, s2  }
0x8d: {  	s2 =	sadd.s32 s2, s17  }
0x8e: {  	[smem:$0x3FBC] =	sst s2  }
0x8f: {  	_ = 	snop  }
0x90: {  	s2 =	sld [smem:$0x3FD0];
	(tm) =	ssettm $0x1  }
0x91: {  	s18 =	sld [smem:$0x3FFB];
	_ =	sdelay $0x3  }
0x92: {  	_ =	strace s18  }
0x93: {  	s3 =	sld [smem:$0x3FFC];
	_ =	sdelay $0x3  }
0x94: {  	_ =	strace s3  }
0x95: {  	s3 =	sld [smem:$0x3FFD];
	_ =	sdelay $0x3  }
0x96: {  	_ =	strace s3  }
0x97: {  	_ =	strace $0x8FFFFFFF  }
0x98: {  	s19 =	sld [smem:$0x3FDB];
	_ =	sdelay $0x1  }
0x99: {  	s4 =	simm.s32 $_scs_section_size  }
0x9a: {  	s5 =	simm.s32 $_size__tile_overlayer_lowered;
	s6 =	simm.s32 $_tile_overlayer_lowered  }
0x9b: {  	s22 =	simm.s32 $0x1BFF;
	s21 =	sshll.u32 s6, $0x1;
	s3 =	sadd.s32 s4, s19  }
0x9c: {  	s7 =	simm.s32 $0x0;
	s20 =	sshll.u32 s5, $0x1;
	s5 =	sadd.s32 s21, s3  }
0x9d: {  	[timem:s7], [sflag:s22] =	dma.local [hbm:s5], s20  }
0x9e: {  	_ =	swait.ge [sflag:s22], s20  }
0x9f: {  	s4 =	ssub.s32 $0x0, s20;
	[sflag:s22] =	ssyncset.done $0x0  }
0xa0: {  	[sflag:s22] =	ssyncadd.s32 s4;
	_ =	sdelay $0x1  }
0xa1: {  	s23 =	simm.s32 $0x1B8B  }
0xa2: {  	_ =	swait.ge [sflag:s23], $0x1  }
0xa3: {  	[sflag:s23] =	ssyncset.done $0x0  }
0xa4: {  	s25 =	simm.s32 $0x1B8E;
	s24 =	sld [smem:$0x3FFE];
	[sflag:s23] =	ssyncadd.s32 $0xFFFFFFFF  }
0xa5: {  	s26 =	simm.s32 $execute0_lowered;
	[smem:$0x3FD2] =	sst s25  }
0xa6: {  	s5 =	sshll.u32 s26, $0x1;
	_ =	strace $0x80000052;
	[dreg:$0x1] =	wrdreg $0xFFFFFFFF  }
0xa7: {  	s28 =	simm.s32 $_size_execute0_lowered;
	s3 =	sadd.s32 s3, s5;
	[dreg:$0x0] =	wrdreg $0x0  }
0xa8: {  	s5 =	sshll.u32 s28, $0x1;
	[dreg:$0x2] =	wrdreg s3  }
0xa9: {  	[dreg:$0x3] =	wrdreg s5  }
0xaa: {  	[dreg:$0x4] =	wrdreg $0xC0  }
0xab: {  	_ =	task [dreg:s7], $0x5FFFF  }
0xac: {  	[dreg:$0x1] =	wrdreg $0xFFFFFFFF  }
0xad: {  	[dreg:$0x0] =	wrdreg $0x60  }
0xae: {  	[dreg:$0x2] =	wrdreg s24  }
0xaf: {  	[dreg:$0x3] =	wrdreg s2  }
0xb0: {  	[dreg:$0x4] =	wrdreg $0xA0000  }
0xb1: {  	[dreg:$0x5] =	wrdreg $0x9  }
0xb2: {  	_ =	task.clear_ibuf [dreg:s7], $0x6FFFF;
	_ =	strace $0x90000052  }
0xb3: {  	s29 =	simm.s32 $0x9;
	_ =	strace $0x80000054  }
0xb4: {  	_ =	swait.ge [sflag:s29], $0x1  }
0xb5: {  	[sflag:s29] =	ssyncadd.s32 $0xFFFFFFFF  }
0xb6: {  	_ =	strace $0x90000054  }
0xb7: {  	_ =	sfence  }
0xb8: {  	s30 =	sld [smem:$0x0];
	_ =	sdelay $0x2  }
0xb9: {  	s31 =	sshll.u32 s1, $0xD;
	s1 =	sshrl.u32 s1, $0x2  }
0xba: {  	s3 =	sand.u32 $0x4000, s31;
	s1 =	sadd.s32 s1, s30  }
0xbb: {  	s0 =	sor.u32 s3, s0;
	s1 =	sshll.u32 s1, $0x11  }
0xbc: {  	s0 =	sor.u32 s1, s0  }
0xbd: {  	s0 =	sadd.s32 $0x8F2B, s0  }
0xbe: {  	[sflag:s0] =	ssyncadd.remote.s32 $0x1  }
0xbf: {  	_ =	sfence.sel $0xFFFF  }
0xc0: {  	[dreg:$0x0] =	wrdreg $0xFFFFFFFF;
	(pc) =	sbr.abs _section_cstart, $3  }
0xc1: {  	[dreg:$0x1] =	wrdreg $0xFFFFFFFF  }
0xc2: {  	_ =	task.clear_ibuf [dreg:s7], $0x2FFFF;
	_ =	strace $0x9FFFFFFF  }
0xc3: {  	(tm) =	ssettm $0x7FFFFFFF  }
tec
execute0_lowered:
.L_overlay_start_1:
0x0: {  	(tag) =	ssettag $0x1  }
0x1: {  	s8 =	rddreg [dreg:$0x0]  }
0x2: {  	s1 =	rddreg [dreg:$0x1]  }
0x3: {  	s2 =	rddreg [dreg:$0x2]  }
0x4: {  	s3 =	srdreg.scid;
	s0 =	rddreg [dreg:$0x3]  }
0x5: {  	s4 =	simm.s32 $0x0;
	s15 =	simm.s32 $0x40;
	s16 =	simm.s32 $0x2000  }
0x6: {  	s17 =	simm.s32 $0x4000;
	s18 =	simm.s32 $0x1;
	s19 =	simm.s32 $0x80  }
0x7: {  	s20 =	simm.s32 $0x2;
	s9 =	sand.u32 $0x1, s3;
	s3 =	stileid.u32  }
0x8: {  	[smem:$0x7FF] =	sst s4;
	s5 =	sadd.s32 $0x6000, s8;
	s7 =	smul.u32 $0x140000, s9  }
0x9: {  	s6 =	sadd.s32 $0x62800, s8;
	s10 =	smul.u32 $0x14000, s3;
	_ =	strace $0x80000053  }
0xa: {  	s28 =	ssub.s32 $0x2, s9;
	s13 =	smul.u32 $0x50000, s3;
	s31 =	sshll.u32 s3, $0x1  }
0xb: {  	s30 =	sshll.u32 s3, $0x6;
	s12 =	sshrl.u32 s28, $0x1;
	s9 =	sor.u32 s9, s31  }
.Ltmp0:
0xc: {  	s7 =	sadd.s32 s10, s7;
	s12 =	ssub.s32 s28, s12;
	(pc) =	sbr.rel .LBB2_1-.Ltmp0, $4  }
0xd: {  	s29 =	sshrl.u32 s13, $0x2;
	s9 =	smul.u32 $0x3000, s9;
	s11 =	sshrl.u32 s7, $0x3  }
0xe: {  	s13 =	simm.s32 $0x3;
	s7 =	sadd.s32 $0x6E800, s8;
	s11 =	sadd.s32 s11, s8  }
0xf: {  	s14 =	sadd.s32 s29, s2;
	s8 =	sor.u32 $0x1C03, s30;
	s10 =	sadd.s32 $0xA2800, s11  }
0x10: {  	s11 =	smax.u32 s12, $0x1;
	s12 =	sshrl.u32 s14, $0x3;
	s14 =	simm.s32 $0x1000  }
.LBB2_7:
0x11: {  	s4 =	sadd.s32 $0x1, s4  }
0x12: {  	p0 =	sne.s32 s4, s11  }
.Ltmp1:
0x13: {  	[bflag:$0x0] =	sbarrier.arrive $0xFFFF;
	(pc) =	sbr.rel @!p0 .LBB2_8-.Ltmp1, $4  }
0x14: {  	[hbm:s10], [sflag:s8] =	dma.local [spmem:s12], $0x2800  }
0x15: {  	_ =	swait.ge [sflag:s13], $0x2800  }
0x16: {  	[sflag:s13] =	ssyncset.done $0x0  }
0x17: {  	[sflag:s13] =	ssyncadd.s32 $0xFFFFD800  }
.LBB2_1:
0x18: {  	[spmem:s12], [sflag:s8] =	dma.local [hbm:s1], $0x2800  }
.Ltmp2:
0x19: {  	_ =	swait.ge [sflag:s13], $0x2800;
	(pc) =	sbr.rel .LBB2_2-.Ltmp2, $4  }
0x1a: {  	[sflag:s13] =	ssyncset.done $0x0  }
0x1b: {  	[sflag:s13] =	ssyncadd.s32 $0xFFFFD800  }
0x1c: {  	[bflag:$0x0] =	sbarrier.arrive $0xFFFF  }
0x1d: {  	s21 =	simm.s32 $0x0  }
.LBB2_6:
0x1e: {  	s21 =	sadd.s32 $0x1, s21  }
0x1f: {  	p0 =	sne.s32 s21, $0x3  }
.Ltmp3:
0x20: {  	_ = 	snop;
	(pc) =	sbr.rel @!p0 .LBB2_7-.Ltmp3, $4  }
0x21: {  	_ = 	snop  }
0x22: {  	_ =	swait.ge [sflag:s20], $0x4000  }
0x23: {  	[sflag:s20] =	ssyncset.done $0x0  }
0x24: {  	[sflag:s20] =	ssyncadd.s32 $0xFFFFC000  }
.LBB2_2:
0x25: {  	s22 =	sshll.u32 s21, $0xC  }
0x26: {  	s22 =	sadd.s32 s9, s22  }
0x27: {  	s23 =	sshrl.u32 s22, $0x3  }
0x28: {  	s22 =	simm.s32 $0x0;
	s24 =	sadd.s32 s6, s23  }
0x29: {  	[tilespmem:s22], [sflag:$0x3] =	stream.linear.gather [hbm4b:s24+s22], $0xE00, $0x38;
	[tilespmem:$0x1E000] =	vst v63  }
0x2a: {  	_ =	swait.ge [sflag:s13], $0xE00  }
0x2b: {  	[sflag:s13] =	ssyncset.done $0x0  }
0x2c: {  	s23 =	sadd.s32 s7, s23;
	[sflag:s13] =	ssyncadd.s32 $0xFFFFF200  }
0x2d: {  	[tilespmem:s14], [sflag:$0x3] =	stream.linear.gather [hbm4b:s23+s22], $0xE00, $0x38;
	[tilespmem:$0x1E000] =	vst v63  }
0x2e: {  	_ =	swait.ge [sflag:s13], $0xE00  }
.Ltmp4:
0x2f: {  	[sflag:s13] =	ssyncset.done $0x0;
	(pc) =	sbr.rel .LBB2_3-.Ltmp4, $4  }
0x30: {  	[sflag:s13] =	ssyncadd.s32 $0xFFFFF200  }
0x31: {  	[tilespmem:s16], [sflag:$0x1] =	stream.indirect.gather [hbm4b:s5+s15], $0x80, s22, s15, $0xb8;
	[tilespmem:$0x1E000] =	vst v63  }
0x32: {  	_ = 	snop  }
0x33: {  	[tilespmem:s17], [sflag:$0x1] =	stream.indirect.gather [hbm4b:s5+s15], $0x80, s15, s15, $0xb8;
	[tilespmem:$0x1E000] =	vst v63  }
.LBB2_5:
0x34: {  	p0 =	slt.u32 s23, $0x1C  }
.Ltmp5:
0x35: {  	s24 =	sshll.u32 s22, $0xE;
	s31 =	sshll.u32 s22, $0x7;
	(pc) =	sbr.rel @!p0 .LBB2_6-.Ltmp5, $4  }
0x36: {  	s24 =	sand.u32 $0x4000, s24;
	s22 =	sand.u32 $0x3FFFFF80, s31  }
0x37: {  	s24 =	sor.u32 $0x2000, s24;
	s22 =	sadd.s32 $0x1000, s22  }
0x38: {  	[spmem:s2] =	stream.indirect.scatter.add.f32 [tilespmem:s24], [sflag:$0x2], $0x80, s22, s19, $0xb8;
	[tilespmem:$0x1E000] =	vst v63  }
0x39: {  	s22 =	smov.u32 s23  }
.LBB2_3:
0x3a: {  	_ =	swait.ge [sflag:s18], $0x2000  }
0x3b: {  	p0 =	seq.s32 s22, $0x0;
	[sflag:s18] =	ssyncset.done $0x0  }
0x3c: {  	p1 =	seq.s32 @!p0 s22, $0x1B;
	[sflag:s18] =	ssyncadd.s32 $0xFFFFE000  }
0x3d: {  	p1 =	por p0, !p1;
	_ =	swait.ge [sflag:s18], $0x2000  }
.Ltmp6:
0x3e: {  	[sflag:s18] =	ssyncset.done $0x0;
	(pc) =	sbr.rel @!p1 .LBB2_5-.Ltmp6, $4  }
0x3f: {  	s23 =	simm.s32 @!p0 $0x2;
	[sflag:s18] =	ssyncadd.s32 $0xFFFFE000  }
0x40: {  	_ =	swait.ge @!p0 [sflag:s23], $0x4000  }
0x41: {  	[sflag:s23] =	ssyncset.done @!p0 $0x0  }
0x42: {  	[sflag:s23] =	ssyncadd.s32 @!p0 $0xFFFFC000;
	s23 =	simm.s32 @!p0 $0x1C  }
0x43: {  	s23 =	sadd.s32 @!p0 $0x1, s22  }
0x44: {  	s23 =	simm.s32 @p0 $0x1  }
0x45: {  	s24 =	sshll.u32 s23, $0xE  }
.Ltmp7:
0x46: {  	s25 =	sshll.u32 s23, $0x7;
	s24 =	sand.u32 $0x4000, s24;
	(pc) =	sbr.rel .LBB2_5-.Ltmp7, $4  }
0x47: {  	s25 =	sand.u32 $0x3FFFFF80, s25;
	s26 =	sor.u32 $0x2000, s24  }
0x48: {  	[tilespmem:s26], [sflag:$0x1] =	stream.indirect.gather [hbm4b:s5+s15], $0x80, s25, s15, $0xb8;
	[tilespmem:$0x1E000] =	vst v63  }
0x49: {  	s24 =	sadd.s32 $0x4000, s24;
	s25 =	sor.u32 $0x40, s25  }
0x4a: {  	[tilespmem:s24], [sflag:$0x1] =	stream.indirect.gather [hbm4b:s5+s15], $0x80, s25, s15, $0xb8;
	[tilespmem:$0x1E000] =	vst v63  }
.LBB2_8:
0x4b: {  	_ =	sfence.sel $0x180000  }
0x4c: {  	[bflag:$0x0] =	sbarrier.arrive $0xFFFF  }
0x4d: {  	p0 =	sne.s32 s3, $0x0;
	_ =	strace $0x90000053  }
0x4e: {  	s0 =	sadd.s32 @!p0 $0x100000, s0;
	[bflag:$0x2] =	sbarrier.arrive $0xFFFF  }
0x4f: {  	[sflag:s0] =	ssyncadd.tile.s32 @!p0 $0x1;
	_ =	shalt  }
.Lfunc_end2:
_tile_overlayer_lowered:
.L_overlay_start_2:
0x50: {  	(tag) =	ssettag $0x2  }
0x51: {  	s0 =	rddreg [dreg:$0x0];
	s2 =	stileid.u32  }
0x52: {  	s1 =	rddreg [dreg:$0x1];
	p0 =	sne.s32 s2, $0x0  }
0x53: {  	s3 =	rddreg [dreg:$0x2];
	[bflag:$0x3] =	sbarrier.arrive $0xFFFF;
	s2 =	simm.s32 @!p0 $0x1C03  }
0x54: {  	[timem:s3], [sflag:s2] =	dma.local @!p0 [hbm:s0], s1  }
0x55: {  	s0 =	simm.s32 @!p0 $0x3  }
0x56: {  	_ =	swait.ge @!p0 [sflag:s0], s1  }
0x57: {  	s1 =	ssub.s32 @!p0 $0x0, s1;
	[sflag:s0] =	ssyncset.done @!p0 $0x0  }
0x58: {  	[sflag:s0] =	ssyncadd.s32 @!p0 s1  }
0x59: {  	[bflag:$0x3] =	sbarrier.arrive $0xFFFF  }
0x5a: {  	_ =	shalt  }

</sc_bundles>
